<compile_context>
chip_gen: v7x
topology: tpu7x:2x2x1
jax: 0.10.2.dev20260603
libtpu: 0.0.44.dev20260713+nightly
codegen_flags: <defaults>
</compile_context>

<pallas_src>
import functools

import jax
import jax.numpy as jnp
from jax import lax
from jax.experimental import pallas as pl
from jax.experimental.pallas import tpu as pltpu
from jax.experimental.pallas import tpu_sc as plsc

N = 10000
H = 128
E = 320000
NC = 2
NS = 16
NW = NC * NS
EPW = E // NW
CB = 80
NCHUNK = EPW // CB
NBLK = 5
CPB = NCHUNK // NBLK
NPAD = 10240
RPW = NPAD // NS
DEGW = 128
ZR = 128

_mesh = plsc.VectorSubcoreMesh(core_axis_name="c", subcore_axis_name="s")


@functools.partial(
    pl.kernel,
    mesh=_mesh,
    out_type=jax.ShapeDtypeStruct((NC * NPAD, DEGW), jnp.float32),
    scratch_types=[
        pltpu.VMEM((NCHUNK, CB), jnp.int32),
        pltpu.VMEM((CB, DEGW), jnp.float32),
        pltpu.VMEM_SHARED((NPAD, DEGW), jnp.float32),
        pltpu.SemaphoreType.DMA,
    ],
)
def _deg_kernel(dst3, ones_hbm, zeros_hbm, deg_out, idx_v, ones_v, acc, sem):
    c = lax.axis_index("c")
    s = lax.axis_index("s")
    w = c * NS + s
    pltpu.sync_copy(dst3.at[w], idx_v)
    pltpu.sync_copy(ones_hbm, ones_v)
    for r in range(RPW // ZR):
        pltpu.sync_copy(zeros_hbm, acc.at[pl.ds(s * RPW + r * ZR, ZR)])
    plsc.subcore_barrier()

    def body(j, carry):
        pltpu.async_copy(ones_v, acc.at[idx_v.at[j]], sem, add=True)
        return carry

    lax.fori_loop(0, NCHUNK, body, 0)

    def drain(j, carry):
        pltpu.make_async_copy(ones_v, acc.at[idx_v.at[0]], sem).wait()
        return carry

    lax.fori_loop(0, NCHUNK, drain, 0)
    plsc.subcore_barrier()
    pltpu.sync_copy(
        acc.at[pl.ds(s * RPW, RPW)], deg_out.at[pl.ds(c * NPAD + s * RPW, RPW)]
    )


@functools.partial(
    pl.kernel,
    mesh=_mesh,
    out_type=jax.ShapeDtypeStruct((NC * NPAD, H), jnp.float32),
    scratch_types=[
        pltpu.VMEM((CPB, CB), jnp.int32),
        pltpu.VMEM((CPB, CB), jnp.int32),
        pltpu.VMEM((CB, H), jnp.float32),
        pltpu.VMEM((CB, H), jnp.float32),
        pltpu.VMEM((CB, H), jnp.float32),
        pltpu.VMEM((CB, H), jnp.float32),
        pltpu.VMEM_SHARED((NPAD, H), jnp.float32),
        pltpu.SemaphoreType.DMA,
        pltpu.SemaphoreType.DMA,
        pltpu.SemaphoreType.DMA,
        pltpu.SemaphoreType.DMA,
        pltpu.SemaphoreType.DMA,
        pltpu.SemaphoreType.DMA,
        pltpu.SemaphoreType.DMA,
        pltpu.SemaphoreType.DMA,
    ],
)
def _agg_kernel(h2_hbm, src4, dst4, zeros_hbm, agg_out,
                src_v, dst_v, rows_0, rows_1, rows_2, rows_3, acc,
                gs0, gs1, gs2, gs3, ss0, ss1, ss2, ss3):
    c = lax.axis_index("c")
    s = lax.axis_index("s")
    w = c * NS + s
    rows = [rows_0, rows_1, rows_2, rows_3]
    gs = [gs0, gs1, gs2, gs3]
    ss = [ss0, ss1, ss2, ss3]
    for r in range(RPW // ZR):
        pltpu.sync_copy(zeros_hbm, acc.at[pl.ds(s * RPW + r * ZR, ZR)])
    plsc.subcore_barrier()

    def gath(j, b):
        pltpu.async_copy(h2_hbm.at[src_v.at[j]], rows[b], gs[b])

    def gwait(j, b):
        pltpu.make_async_copy(h2_hbm.at[src_v.at[j]], rows[b], gs[b]).wait()

    def scat(j, b):
        pltpu.async_copy(rows[b], acc.at[dst_v.at[j]], ss[b], add=True)

    def swait(j, b):
        pltpu.make_async_copy(rows[b], acc.at[dst_v.at[j]], ss[b]).wait()

    def blk_body(blk, carry):
        pltpu.sync_copy(src4.at[w, blk], src_v)
        pltpu.sync_copy(dst4.at[w, blk], dst_v)
        gath(0, 0)
        gath(1, 1)
        gath(2, 2)
        for j in range(CPB):
            b = j % 4
            gwait(j, b)
            scat(j, b)
            if j + 3 < CPB:
                if j >= 1:
                    swait(j - 1, (j + 3) % 4)
                gath(j + 3, (j + 3) % 4)
        for j in range(CPB - 4, CPB):
            swait(j, j % 4)
        return carry

    lax.fori_loop(0, NBLK, blk_body, 0)
    plsc.subcore_barrier()
    pltpu.sync_copy(
        acc.at[pl.ds(s * RPW, RPW)], agg_out.at[pl.ds(c * NPAD + s * RPW, RPW)]
    )


_RB = 1000
_NBK = N // _RB


def _dinv_col(degp_ref):
    return lax.rsqrt(degp_ref[0, :, 0:1] + degp_ref[1, :, 0:1] + 1.0)


def _mm_body(x_ref, w_ref, degp_ref, h2_ref):
    h2_ref[...] = (
        jnp.dot(x_ref[...], w_ref[...], preferred_element_type=jnp.float32)
        * _dinv_col(degp_ref)
    )


_mm_call = pl.pallas_call(
    _mm_body,
    grid=(_NBK,),
    in_specs=[
        pl.BlockSpec((_RB, H), lambda i: (i, 0)),
        pl.BlockSpec((H, H), lambda i: (0, 0)),
        pl.BlockSpec((NC, _RB, DEGW), lambda i: (0, i, 0)),
    ],
    out_specs=pl.BlockSpec((_RB, H), lambda i: (i, 0)),
    out_shape=jax.ShapeDtypeStruct((N, H), jnp.float32),
)


def _fin_body(aggp_ref, h2_ref, degp_ref, b_ref, g_ref, be_ref, out_ref):
    pre = _dinv_col(degp_ref) * (aggp_ref[0] + aggp_ref[1] + h2_ref[...]) \
        + b_ref[...]
    ge = 0.5 * pre * (1.0 + lax.erf(pre * 0.7071067811865476))
    mean = jnp.mean(ge, axis=-1, keepdims=True)
    cent = ge - mean
    var = jnp.mean(cent * cent, axis=-1, keepdims=True)
    out_ref[...] = cent * lax.rsqrt(var + 1e-5) * g_ref[...] + be_ref[...]


_fin_call = pl.pallas_call(
    _fin_body,
    grid=(_NBK,),
    in_specs=[
        pl.BlockSpec((NC, _RB, H), lambda i: (0, i, 0)),
        pl.BlockSpec((_RB, H), lambda i: (i, 0)),
        pl.BlockSpec((NC, _RB, DEGW), lambda i: (0, i, 0)),
        pl.BlockSpec((1, H), lambda i: (0, 0)),
        pl.BlockSpec((1, H), lambda i: (0, 0)),
        pl.BlockSpec((1, H), lambda i: (0, 0)),
    ],
    out_specs=pl.BlockSpec((_RB, H), lambda i: (i, 0)),
    out_shape=jax.ShapeDtypeStruct((N, H), jnp.float32),
)


def kernel(x, edge_index, W, b, gamma, beta):
    src3 = edge_index[0].astype(jnp.int32).reshape(NW, NCHUNK, CB)
    dst3 = edge_index[1].astype(jnp.int32).reshape(NW, NCHUNK, CB)
    src4 = src3.reshape(NW, NBLK, CPB, CB)
    dst4 = dst3.reshape(NW, NBLK, CPB, CB)
    zeros_blk = jnp.zeros((ZR, H), jnp.float32)
    ones_deg = jnp.ones((CB, DEGW), jnp.float32)

    degp = _deg_kernel(dst3, ones_deg, zeros_blk).reshape(NC, NPAD, DEGW)
    h2 = _mm_call(x, W, degp)
    aggp = _agg_kernel(h2, src4, dst4, zeros_blk).reshape(NC, NPAD, H)
    return _fin_call(aggp, h2, degp, b.reshape(1, H), gamma.reshape(1, H),
                     beta.reshape(1, H))

# --- scband reference (transcript-rebuilt; emitter-appended) ---
"""Pipeline reference for scband-deep-gcnlayer-38611755991861 (READ-ONLY COPY).

The authoritative reference and input builder live on the scoring server;
editing this copy changes nothing except your own understanding.
"""

import jax, jax.numpy as jnp
import numpy as np

HIDDEN = 128
N_NODES = 10000
N_EDGES = 320000


def setup_inputs(seed: int = 0) -> dict:
    key = jax.random.key(seed)
    k1, k2, k3, k4 = jax.random.split(key, 4)
    x = jax.random.normal(k1, (N_NODES, HIDDEN), dtype=jnp.float32)
    edge_index = jax.random.randint(k2, (2, N_EDGES), 0, N_NODES, dtype=jnp.int64)
    # GCNConv learned params (glorot-ish init)
    W = jax.random.normal(k3, (HIDDEN, HIDDEN), dtype=jnp.float32) * (1.0 / np.sqrt(HIDDEN))
    b = jnp.zeros((HIDDEN,), dtype=jnp.float32)
    # LayerNorm params
    gamma = jnp.ones((HIDDEN,), dtype=jnp.float32)
    beta = jnp.zeros((HIDDEN,), dtype=jnp.float32)
    return {"x": x, "edge_index": edge_index, "W": W, "b": b, "gamma": gamma, "beta": beta}


def reference(x, edge_index, W, b, gamma, beta):
    N = x.shape[0]
    # --- GCNConv with add_self_loops=True, normalize=True ---
    loop = jnp.arange(N, dtype=edge_index.dtype)
    src = jnp.concatenate([edge_index[0], loop])
    dst = jnp.concatenate([edge_index[1], loop])
    ew = jnp.ones(src.shape[0], dtype=x.dtype)
    # symmetric normalization: deg computed on destination (col)
    deg = jnp.zeros((N,), dtype=x.dtype).at[dst].add(ew)
    deg_inv_sqrt = jnp.where(deg > 0, 1.0 / jnp.sqrt(deg), 0.0)
    norm = deg_inv_sqrt[src] * ew * deg_inv_sqrt[dst]
    h = x @ W
    msg = h[src] * norm[:, None]          # gather + scale (SparseCore gather)
    out = jnp.zeros((N, h.shape[1]), dtype=x.dtype).at[dst].add(msg)  # scatter-add
    out = out + b
    # --- GELU (torch default: exact erf form) ---
    out = jax.nn.gelu(out, approximate=False)
    # --- LayerNorm ---
    mean = jnp.mean(out, axis=-1, keepdims=True)
    var = jnp.mean((out - mean) ** 2, axis=-1, keepdims=True)
    out = (out - mean) / jnp.sqrt(var + 1e-5) * gamma + beta
    # --- Dropout: identity at inference ---
    return out

if __name__ == "__main__":
    import jax
    _d = setup_inputs()
    print(jax.jit(kernel)(*tuple(_d.values())))

</pallas_src>

<mosaic_0001>
#map = affine_map<(d0, d1) -> (0, 0)>
#map1 = affine_map<(d0, d1) -> (0, 0, 0, 0)>
module attributes {stable_mosaic.version = 14 : i64} {
  func.func @_agg_kernel(%arg0: i32, %arg1: i32, %arg2: memref<10000x128xf32, #tpu.memory_space<hbm>>, %arg3: memref<32x5x25x80xi32, #tpu.memory_space<hbm>>, %arg4: memref<32x5x25x80xi32, #tpu.memory_space<hbm>>, %arg5: memref<128x128xf32, #tpu.memory_space<hbm>>, %arg6: memref<20480x128xf32, #tpu.memory_space<hbm>>, %arg7: memref<25x80xi32, #tpu.memory_space<vmem>>, %arg8: memref<25x80xi32, #tpu.memory_space<vmem>>, %arg9: memref<80x128xf32, #tpu.memory_space<vmem>>, %arg10: memref<80x128xf32, #tpu.memory_space<vmem>>, %arg11: memref<80x128xf32, #tpu.memory_space<vmem>>, %arg12: memref<80x128xf32, #tpu.memory_space<vmem>>, %arg13: memref<10240x128xf32, #tpu.memory_space<vmem_shared>>, %arg14: memref<!tpu.dma_semaphore, #tpu.memory_space<semaphore_mem>>, %arg15: memref<!tpu.dma_semaphore, #tpu.memory_space<semaphore_mem>>, %arg16: memref<!tpu.dma_semaphore, #tpu.memory_space<semaphore_mem>>, %arg17: memref<!tpu.dma_semaphore, #tpu.memory_space<semaphore_mem>>, %arg18: memref<!tpu.dma_semaphore, #tpu.memory_space<semaphore_mem>>, %arg19: memref<!tpu.dma_semaphore, #tpu.memory_space<semaphore_mem>>, %arg20: memref<!tpu.dma_semaphore, #tpu.memory_space<semaphore_mem>>, %arg21: memref<!tpu.dma_semaphore, #tpu.memory_space<semaphore_mem>>) attributes {dimension_semantics = [#tpu.dimension_semantics<core_parallel>, #tpu.dimension_semantics<subcore_parallel>], iteration_bounds = array<i64: 2, 16>, scalar_prefetch = 0 : i64, scratch_operands = 15 : i64, tpu.core_type = #tpu.core_type<sc_vector_subcore>, window_params = [{transform_indices = #map}, {transform_indices = #map1}, {transform_indices = #map1}, {transform_indices = #map}, {transform_indices = #map}]} {
    %mul3A = arith.constant 16 : i32
    %mul3A_0 = arith.muli %arg0, %mul3A : i32
    %add3A = arith.addi %mul3A_0, %arg1 : i32
    %mul3A_1 = arith.constant 640 : i32
    %mul3A_2 = arith.muli %arg1, %mul3A_1 : i32
    %add3A_3 = arith.constant 0 : i32
    %add3A_4 = arith.addi %mul3A_2, %add3A_3 : i32
    "tpu.region"() ({
      %run_scoped3A = tpu.sem_alloc : memref<!tpu.dma_semaphore, #tpu.memory_space<semaphore_mem>>
      %dma_start3A = arith.constant 0 : i32
      %dma_start3A_34 = tpu.memref_slice %arg13[%add3A_4, %dma_start3A] : memref<10240x128xf32, #tpu.memory_space<vmem_shared>> -> memref<128x128xf32, #tpu.memory_space<vmem_shared>>
      tpu.enqueue_dma source(%arg5 : memref<128x128xf32, #tpu.memory_space<hbm>>) target(%dma_start3A_34 : memref<128x128xf32, #tpu.memory_space<vmem_shared>>) target_semaphore(%run_scoped3A : memref<!tpu.dma_semaphore, #tpu.memory_space<semaphore_mem>>)
      %dma_wait3A = arith.constant 0 : i32
      %dma_wait3A_35 = tpu.memref_slice %arg13[%add3A_4, %dma_wait3A] : memref<10240x128xf32, #tpu.memory_space<vmem_shared>> -> memref<128x128xf32, #tpu.memory_space<vmem_shared>>
      tpu.wait_dma2 semaphore(%run_scoped3A : memref<!tpu.dma_semaphore, #tpu.memory_space<semaphore_mem>>) src(%arg5 : memref<128x128xf32, #tpu.memory_space<hbm>>) dst(%dma_wait3A_35 : memref<128x128xf32, #tpu.memory_space<vmem_shared>>)
      tpu.yield
    }) : () -> ()
    %mul3A_5 = arith.constant 640 : i32
    %mul3A_6 = arith.muli %arg1, %mul3A_5 : i32
    %add3A_7 = arith.constant 128 : i32
    %add3A_8 = arith.addi %mul3A_6, %add3A_7 : i32
    "tpu.region"() ({
      %run_scoped3A = tpu.sem_alloc : memref<!tpu.dma_semaphore, #tpu.memory_space<semaphore_mem>>
      %dma_start3A = arith.constant 0 : i32
      %dma_start3A_34 = tpu.memref_slice %arg13[%add3A_8, %dma_start3A] : memref<10240x128xf32, #tpu.memory_space<vmem_shared>> -> memref<128x128xf32, #tpu.memory_space<vmem_shared>>
      tpu.enqueue_dma source(%arg5 : memref<128x128xf32, #tpu.memory_space<hbm>>) target(%dma_start3A_34 : memref<128x128xf32, #tpu.memory_space<vmem_shared>>) target_semaphore(%run_scoped3A : memref<!tpu.dma_semaphore, #tpu.memory_space<semaphore_mem>>)
      %dma_wait3A = arith.constant 0 : i32
      %dma_wait3A_35 = tpu.memref_slice %arg13[%add3A_8, %dma_wait3A] : memref<10240x128xf32, #tpu.memory_space<vmem_shared>> -> memref<128x128xf32, #tpu.memory_space<vmem_shared>>
      tpu.wait_dma2 semaphore(%run_scoped3A : memref<!tpu.dma_semaphore, #tpu.memory_space<semaphore_mem>>) src(%arg5 : memref<128x128xf32, #tpu.memory_space<hbm>>) dst(%dma_wait3A_35 : memref<128x128xf32, #tpu.memory_space<vmem_shared>>)
      tpu.yield
    }) : () -> ()
    %mul3A_9 = arith.constant 640 : i32
    %mul3A_10 = arith.muli %arg1, %mul3A_9 : i32
    %add3A_11 = arith.constant 256 : i32
    %add3A_12 = arith.addi %mul3A_10, %add3A_11 : i32
    "tpu.region"() ({
      %run_scoped3A = tpu.sem_alloc : memref<!tpu.dma_semaphore, #tpu.memory_space<semaphore_mem>>
      %dma_start3A = arith.constant 0 : i32
      %dma_start3A_34 = tpu.memref_slice %arg13[%add3A_12, %dma_start3A] : memref<10240x128xf32, #tpu.memory_space<vmem_shared>> -> memref<128x128xf32, #tpu.memory_space<vmem_shared>>
      tpu.enqueue_dma source(%arg5 : memref<128x128xf32, #tpu.memory_space<hbm>>) target(%dma_start3A_34 : memref<128x128xf32, #tpu.memory_space<vmem_shared>>) target_semaphore(%run_scoped3A : memref<!tpu.dma_semaphore, #tpu.memory_space<semaphore_mem>>)
      %dma_wait3A = arith.constant 0 : i32
      %dma_wait3A_35 = tpu.memref_slice %arg13[%add3A_12, %dma_wait3A] : memref<10240x128xf32, #tpu.memory_space<vmem_shared>> -> memref<128x128xf32, #tpu.memory_space<vmem_shared>>
      tpu.wait_dma2 semaphore(%run_scoped3A : memref<!tpu.dma_semaphore, #tpu.memory_space<semaphore_mem>>) src(%arg5 : memref<128x128xf32, #tpu.memory_space<hbm>>) dst(%dma_wait3A_35 : memref<128x128xf32, #tpu.memory_space<vmem_shared>>)
      tpu.yield
    }) : () -> ()
    %mul3A_13 = arith.constant 640 : i32
    %mul3A_14 = arith.muli %arg1, %mul3A_13 : i32
    %add3A_15 = arith.constant 384 : i32
    %add3A_16 = arith.addi %mul3A_14, %add3A_15 : i32
    "tpu.region"() ({
      %run_scoped3A = tpu.sem_alloc : memref<!tpu.dma_semaphore, #tpu.memory_space<semaphore_mem>>
      %dma_start3A = arith.constant 0 : i32
      %dma_start3A_34 = tpu.memref_slice %arg13[%add3A_16, %dma_start3A] : memref<10240x128xf32, #tpu.memory_space<vmem_shared>> -> memref<128x128xf32, #tpu.memory_space<vmem_shared>>
      tpu.enqueue_dma source(%arg5 : memref<128x128xf32, #tpu.memory_space<hbm>>) target(%dma_start3A_34 : memref<128x128xf32, #tpu.memory_space<vmem_shared>>) target_semaphore(%run_scoped3A : memref<!tpu.dma_semaphore, #tpu.memory_space<semaphore_mem>>)
      %dma_wait3A = arith.constant 0 : i32
      %dma_wait3A_35 = tpu.memref_slice %arg13[%add3A_16, %dma_wait3A] : memref<10240x128xf32, #tpu.memory_space<vmem_shared>> -> memref<128x128xf32, #tpu.memory_space<vmem_shared>>
      tpu.wait_dma2 semaphore(%run_scoped3A : memref<!tpu.dma_semaphore, #tpu.memory_space<semaphore_mem>>) src(%arg5 : memref<128x128xf32, #tpu.memory_space<hbm>>) dst(%dma_wait3A_35 : memref<128x128xf32, #tpu.memory_space<vmem_shared>>)
      tpu.yield
    }) : () -> ()
    %mul3A_17 = arith.constant 640 : i32
    %mul3A_18 = arith.muli %arg1, %mul3A_17 : i32
    %add3A_19 = arith.constant 512 : i32
    %add3A_20 = arith.addi %mul3A_18, %add3A_19 : i32
    "tpu.region"() ({
      %run_scoped3A = tpu.sem_alloc : memref<!tpu.dma_semaphore, #tpu.memory_space<semaphore_mem>>
      %dma_start3A = arith.constant 0 : i32
      %dma_start3A_34 = tpu.memref_slice %arg13[%add3A_20, %dma_start3A] : memref<10240x128xf32, #tpu.memory_space<vmem_shared>> -> memref<128x128xf32, #tpu.memory_space<vmem_shared>>
      tpu.enqueue_dma source(%arg5 : memref<128x128xf32, #tpu.memory_space<hbm>>) target(%dma_start3A_34 : memref<128x128xf32, #tpu.memory_space<vmem_shared>>) target_semaphore(%run_scoped3A : memref<!tpu.dma_semaphore, #tpu.memory_space<semaphore_mem>>)
      %dma_wait3A = arith.constant 0 : i32
      %dma_wait3A_35 = tpu.memref_slice %arg13[%add3A_20, %dma_wait3A] : memref<10240x128xf32, #tpu.memory_space<vmem_shared>> -> memref<128x128xf32, #tpu.memory_space<vmem_shared>>
      tpu.wait_dma2 semaphore(%run_scoped3A : memref<!tpu.dma_semaphore, #tpu.memory_space<semaphore_mem>>) src(%arg5 : memref<128x128xf32, #tpu.memory_space<hbm>>) dst(%dma_wait3A_35 : memref<128x128xf32, #tpu.memory_space<vmem_shared>>)
      tpu.yield
    }) : () -> ()
    %barrier3A = arith.constant 0 : index
    tpu.barrier barrier_id(%barrier3A)
    %scan3A = arith.constant 0 : i32
    %scan3A_21 = arith.constant 0 : i32
    %scan3A_22 = arith.constant 5 : i32
    %scan3A_23 = arith.addi %scan3A_21, %scan3A_22 : i32
    %scan3A_24 = arith.constant 1 : i32
    scf.for %scan3A_34 = %scan3A_21 to %scan3A_23 step %scan3A_24  : i32 {
      "tpu.region"() ({
        %run_scoped3A = tpu.sem_alloc : memref<!tpu.dma_semaphore, #tpu.memory_space<semaphore_mem>>
        %dma_start3A_733 = arith.constant 0 : i32
        %dma_start3A_734 = arith.constant 0 : i32
        %dma_start3A_735 = tpu.memref_slice %arg3[%add3A, %scan3A_34, %dma_start3A_733, %dma_start3A_734] : memref<32x5x25x80xi32, #tpu.memory_space<hbm>> -> memref<1x1x25x80xi32, #tpu.memory_space<hbm>>
        %dma_start3A_736 = tpu.memref_squeeze %dma_start3A_735 : memref<1x1x25x80xi32, #tpu.memory_space<hbm>> -> memref<25x80xi32, #tpu.memory_space<hbm>>
        %dma_start3A_737 = arith.constant 0 : i32
        %dma_start3A_738 = arith.constant 0 : i32
        %dma_start3A_739 = tpu.memref_slice %arg3[%add3A, %scan3A_34, %dma_start3A_737, %dma_start3A_738] : memref<32x5x25x80xi32, #tpu.memory_space<hbm>> -> memref<1x1x25x80xi32, #tpu.memory_space<hbm>>
        %dma_start3A_740 = tpu.memref_squeeze %dma_start3A_739 : memref<1x1x25x80xi32, #tpu.memory_space<hbm>> -> memref<25x80xi32, #tpu.memory_space<hbm>>
        tpu.enqueue_dma source(%dma_start3A_740 : memref<25x80xi32, #tpu.memory_space<hbm>>) target(%arg7 : memref<25x80xi32, #tpu.memory_space<vmem>>) target_semaphore(%run_scoped3A : memref<!tpu.dma_semaphore, #tpu.memory_space<semaphore_mem>>)
        %dma_wait3A_741 = arith.constant 0 : i32
        %dma_wait3A_742 = arith.constant 0 : i32
        %dma_wait3A_743 = tpu.memref_slice %arg3[%add3A, %scan3A_34, %dma_wait3A_741, %dma_wait3A_742] : memref<32x5x25x80xi32, #tpu.memory_space<hbm>> -> memref<1x1x25x80xi32, #tpu.memory_space<hbm>>
        %dma_wait3A_744 = tpu.memref_squeeze %dma_wait3A_743 : memref<1x1x25x80xi32, #tpu.memory_space<hbm>> -> memref<25x80xi32, #tpu.memory_space<hbm>>
        %dma_wait3A_745 = arith.constant 0 : i32
        %dma_wait3A_746 = arith.constant 0 : i32
        %dma_wait3A_747 = tpu.memref_slice %arg3[%add3A, %scan3A_34, %dma_wait3A_745, %dma_wait3A_746] : memref<32x5x25x80xi32, #tpu.memory_space<hbm>> -> memref<1x1x25x80xi32, #tpu.memory_space<hbm>>
        %dma_wait3A_748 = tpu.memref_squeeze %dma_wait3A_747 : memref<1x1x25x80xi32, #tpu.memory_space<hbm>> -> memref<25x80xi32, #tpu.memory_space<hbm>>
        tpu.wait_dma2 semaphore(%run_scoped3A : memref<!tpu.dma_semaphore, #tpu.memory_space<semaphore_mem>>) src(%dma_wait3A_748 : memref<25x80xi32, #tpu.memory_space<hbm>>) dst(%arg7 : memref<25x80xi32, #tpu.memory_space<vmem>>)
        tpu.yield
      }) : () -> ()
      "tpu.region"() ({
        %run_scoped3A = tpu.sem_alloc : memref<!tpu.dma_semaphore, #tpu.memory_space<semaphore_mem>>
        %dma_start3A_733 = arith.constant 0 : i32
        %dma_start3A_734 = arith.constant 0 : i32
        %dma_start3A_735 = tpu.memref_slice %arg4[%add3A, %scan3A_34, %dma_start3A_733, %dma_start3A_734] : memref<32x5x25x80xi32, #tpu.memory_space<hbm>> -> memref<1x1x25x80xi32, #tpu.memory_space<hbm>>
        %dma_start3A_736 = tpu.memref_squeeze %dma_start3A_735 : memref<1x1x25x80xi32, #tpu.memory_space<hbm>> -> memref<25x80xi32, #tpu.memory_space<hbm>>
        %dma_start3A_737 = arith.constant 0 : i32
        %dma_start3A_738 = arith.constant 0 : i32
        %dma_start3A_739 = tpu.memref_slice %arg4[%add3A, %scan3A_34, %dma_start3A_737, %dma_start3A_738] : memref<32x5x25x80xi32, #tpu.memory_space<hbm>> -> memref<1x1x25x80xi32, #tpu.memory_space<hbm>>
        %dma_start3A_740 = tpu.memref_squeeze %dma_start3A_739 : memref<1x1x25x80xi32, #tpu.memory_space<hbm>> -> memref<25x80xi32, #tpu.memory_space<hbm>>
        tpu.enqueue_dma source(%dma_start3A_740 : memref<25x80xi32, #tpu.memory_space<hbm>>) target(%arg8 : memref<25x80xi32, #tpu.memory_space<vmem>>) target_semaphore(%run_scoped3A : memref<!tpu.dma_semaphore, #tpu.memory_space<semaphore_mem>>)
        %dma_wait3A_741 = arith.constant 0 : i32
        %dma_wait3A_742 = arith.constant 0 : i32
        %dma_wait3A_743 = tpu.memref_slice %arg4[%add3A, %scan3A_34, %dma_wait3A_741, %dma_wait3A_742] : memref<32x5x25x80xi32, #tpu.memory_space<hbm>> -> memref<1x1x25x80xi32, #tpu.memory_space<hbm>>
        %dma_wait3A_744 = tpu.memref_squeeze %dma_wait3A_743 : memref<1x1x25x80xi32, #tpu.memory_space<hbm>> -> memref<25x80xi32, #tpu.memory_space<hbm>>
        %dma_wait3A_745 = arith.constant 0 : i32
        %dma_wait3A_746 = arith.constant 0 : i32
        %dma_wait3A_747 = tpu.memref_slice %arg4[%add3A, %scan3A_34, %dma_wait3A_745, %dma_wait3A_746] : memref<32x5x25x80xi32, #tpu.memory_space<hbm>> -> memref<1x1x25x80xi32, #tpu.memory_space<hbm>>
        %dma_wait3A_748 = tpu.memref_squeeze %dma_wait3A_747 : memref<1x1x25x80xi32, #tpu.memory_space<hbm>> -> memref<25x80xi32, #tpu.memory_space<hbm>>
        tpu.wait_dma2 semaphore(%run_scoped3A : memref<!tpu.dma_semaphore, #tpu.memory_space<semaphore_mem>>) src(%dma_wait3A_748 : memref<25x80xi32, #tpu.memory_space<hbm>>) dst(%arg8 : memref<25x80xi32, #tpu.memory_space<vmem>>)
        tpu.yield
      }) : () -> ()
      %dma_start3A = arith.constant 0 : i32
      %dma_start3A_35 = arith.constant 0 : i32
      %dma_start3A_36 = tpu.memref_slice %arg7[%dma_start3A, %dma_start3A_35] : memref<25x80xi32, #tpu.memory_space<vmem>> -> memref<1x80xi32, #tpu.memory_space<vmem>>
      %dma_start3A_37 = tpu.memref_squeeze %dma_start3A_36 : memref<1x80xi32, #tpu.memory_space<vmem>> -> memref<80xi32, #tpu.memory_space<vmem>>
      %dma_start3A_38 = arith.constant 0 : i32
      %dma_start3A_39 = arith.constant 0 : i32
      %dma_start3A_40 = tpu.memref_slice %arg2[%dma_start3A_38, %dma_start3A_39] : memref<10000x128xf32, #tpu.memory_space<hbm>> -> memref<10000x128xf32, #tpu.memory_space<hbm>>
      tpu.enqueue_indirect_dma source(%dma_start3A_40 : memref<10000x128xf32, #tpu.memory_space<hbm>>) target(%arg9 : memref<80x128xf32, #tpu.memory_space<vmem>>) offsets(%dma_start3A_37 : memref<80xi32, #tpu.memory_space<vmem>>) semaphore(%arg14 : memref<!tpu.dma_semaphore, #tpu.memory_space<semaphore_mem>>)
      %dma_start3A_41 = arith.constant 1 : i32
      %dma_start3A_42 = arith.constant 0 : i32
      %dma_start3A_43 = tpu.memref_slice %arg7[%dma_start3A_41, %dma_start3A_42] : memref<25x80xi32, #tpu.memory_space<vmem>> -> memref<1x80xi32, #tpu.memory_space<vmem>>
      %dma_start3A_44 = tpu.memref_squeeze %dma_start3A_43 : memref<1x80xi32, #tpu.memory_space<vmem>> -> memref<80xi32, #tpu.memory_space<vmem>>
      %dma_start3A_45 = arith.constant 0 : i32
      %dma_start3A_46 = arith.constant 0 : i32
      %dma_start3A_47 = tpu.memref_slice %arg2[%dma_start3A_45, %dma_start3A_46] : memref<10000x128xf32, #tpu.memory_space<hbm>> -> memref<10000x128xf32, #tpu.memory_space<hbm>>
      tpu.enqueue_indirect_dma source(%dma_start3A_47 : memref<10000x128xf32, #tpu.memory_space<hbm>>) target(%arg10 : memref<80x128xf32, #tpu.memory_space<vmem>>) offsets(%dma_start3A_44 : memref<80xi32, #tpu.memory_space<vmem>>) semaphore(%arg15 : memref<!tpu.dma_semaphore, #tpu.memory_space<semaphore_mem>>)
      %dma_start3A_48 = arith.constant 2 : i32
      %dma_start3A_49 = arith.constant 0 : i32
      %dma_start3A_50 = tpu.memref_slice %arg7[%dma_start3A_48, %dma_start3A_49] : memref<25x80xi32, #tpu.memory_space<vmem>> -> memref<1x80xi32, #tpu.memory_space<vmem>>
      %dma_start3A_51 = tpu.memref_squeeze %dma_start3A_50 : memref<1x80xi32, #tpu.memory_space<vmem>> -> memref<80xi32, #tpu.memory_space<vmem>>
      %dma_start3A_52 = arith.constant 0 : i32
      %dma_start3A_53 = arith.constant 0 : i32
      %dma_start3A_54 = tpu.memref_slice %arg2[%dma_start3A_52, %dma_start3A_53] : memref<10000x128xf32, #tpu.memory_space<hbm>> -> memref<10000x128xf32, #tpu.memory_space<hbm>>
      tpu.enqueue_indirect_dma source(%dma_start3A_54 : memref<10000x128xf32, #tpu.memory_space<hbm>>) target(%arg11 : memref<80x128xf32, #tpu.memory_space<vmem>>) offsets(%dma_start3A_51 : memref<80xi32, #tpu.memory_space<vmem>>) semaphore(%arg16 : memref<!tpu.dma_semaphore, #tpu.memory_space<semaphore_mem>>)
      %dma_wait3A = arith.constant 0 : i32
      %dma_wait3A_55 = arith.constant 0 : i32
      %dma_wait3A_56 = tpu.memref_slice %arg7[%dma_wait3A, %dma_wait3A_55] : memref<25x80xi32, #tpu.memory_space<vmem>> -> memref<1x80xi32, #tpu.memory_space<vmem>>
      %dma_wait3A_57 = tpu.memref_squeeze %dma_wait3A_56 : memref<1x80xi32, #tpu.memory_space<vmem>> -> memref<80xi32, #tpu.memory_space<vmem>>
      %dma_wait3A_58 = arith.constant 0 : i32
      %dma_wait3A_59 = arith.constant 0 : i32
      %dma_wait3A_60 = tpu.memref_slice %arg2[%dma_wait3A_58, %dma_wait3A_59] : memref<10000x128xf32, #tpu.memory_space<hbm>> -> memref<10000x128xf32, #tpu.memory_space<hbm>>
      tpu.wait_indirect_dma semaphore(%arg14 : memref<!tpu.dma_semaphore, #tpu.memory_space<semaphore_mem>>) src(%dma_wait3A_60 : memref<10000x128xf32, #tpu.memory_space<hbm>>) dst(%arg9 : memref<80x128xf32, #tpu.memory_space<vmem>>)
      %dma_start3A_61 = arith.constant 0 : i32
      %dma_start3A_62 = arith.constant 0 : i32
      %dma_start3A_63 = tpu.memref_slice %arg8[%dma_start3A_61, %dma_start3A_62] : memref<25x80xi32, #tpu.memory_space<vmem>> -> memref<1x80xi32, #tpu.memory_space<vmem>>
      %dma_start3A_64 = tpu.memref_squeeze %dma_start3A_63 : memref<1x80xi32, #tpu.memory_space<vmem>> -> memref<80xi32, #tpu.memory_space<vmem>>
      %dma_start3A_65 = arith.constant 0 : i32
      %dma_start3A_66 = arith.constant 0 : i32
      %dma_start3A_67 = tpu.memref_slice %arg13[%dma_start3A_65, %dma_start3A_66] : memref<10240x128xf32, #tpu.memory_space<vmem_shared>> -> memref<10240x128xf32, #tpu.memory_space<vmem_shared>>
      tpu.enqueue_indirect_dma source(%arg9 : memref<80x128xf32, #tpu.memory_space<vmem>>) target(%dma_start3A_67 : memref<10240x128xf32, #tpu.memory_space<vmem_shared>>) offsets(%dma_start3A_64 : memref<80xi32, #tpu.memory_space<vmem>>) semaphore(%arg18 : memref<!tpu.dma_semaphore, #tpu.memory_space<semaphore_mem>>) {add = true}
      %dma_start3A_68 = arith.constant 3 : i32
      %dma_start3A_69 = arith.constant 0 : i32
      %dma_start3A_70 = tpu.memref_slice %arg7[%dma_start3A_68, %dma_start3A_69] : memref<25x80xi32, #tpu.memory_space<vmem>> -> memref<1x80xi32, #tpu.memory_space<vmem>>
      %dma_start3A_71 = tpu.memref_squeeze %dma_start3A_70 : memref<1x80xi32, #tpu.memory_space<vmem>> -> memref<80xi32, #tpu.memory_space<vmem>>
      %dma_start3A_72 = arith.constant 0 : i32
      %dma_start3A_73 = arith.constant 0 : i32
      %dma_start3A_74 = tpu.memref_slice %arg2[%dma_start3A_72, %dma_start3A_73] : memref<10000x128xf32, #tpu.memory_space<hbm>> -> memref<10000x128xf32, #tpu.memory_space<hbm>>
      tpu.enqueue_indirect_dma source(%dma_start3A_74 : memref<10000x128xf32, #tpu.memory_space<hbm>>) target(%arg12 : memref<80x128xf32, #tpu.memory_space<vmem>>) offsets(%dma_start3A_71 : memref<80xi32, #tpu.memory_space<vmem>>) semaphore(%arg17 : memref<!tpu.dma_semaphore, #tpu.memory_space<semaphore_mem>>)
      %dma_wait3A_75 = arith.constant 1 : i32
      %dma_wait3A_76 = arith.constant 0 : i32
      %dma_wait3A_77 = tpu.memref_slice %arg7[%dma_wait3A_75, %dma_wait3A_76] : memref<25x80xi32, #tpu.memory_space<vmem>> -> memref<1x80xi32, #tpu.memory_space<vmem>>
      %dma_wait3A_78 = tpu.memref_squeeze %dma_wait3A_77 : memref<1x80xi32, #tpu.memory_space<vmem>> -> memref<80xi32, #tpu.memory_space<vmem>>
      %dma_wait3A_79 = arith.constant 0 : i32
      %dma_wait3A_80 = arith.constant 0 : i32
      %dma_wait3A_81 = tpu.memref_slice %arg2[%dma_wait3A_79, %dma_wait3A_80] : memref<10000x128xf32, #tpu.memory_space<hbm>> -> memref<10000x128xf32, #tpu.memory_space<hbm>>
      tpu.wait_indirect_dma semaphore(%arg15 : memref<!tpu.dma_semaphore, #tpu.memory_space<semaphore_mem>>) src(%dma_wait3A_81 : memref<10000x128xf32, #tpu.memory_space<hbm>>) dst(%arg10 : memref<80x128xf32, #tpu.memory_space<vmem>>)
      %dma_start3A_82 = arith.constant 1 : i32
      %dma_start3A_83 = arith.constant 0 : i32
      %dma_start3A_84 = tpu.memref_slice %arg8[%dma_start3A_82, %dma_start3A_83] : memref<25x80xi32, #tpu.memory_space<vmem>> -> memref<1x80xi32, #tpu.memory_space<vmem>>
      %dma_start3A_85 = tpu.memref_squeeze %dma_start3A_84 : memref<1x80xi32, #tpu.memory_space<vmem>> -> memref<80xi32, #tpu.memory_space<vmem>>
      %dma_start3A_86 = arith.constant 0 : i32
      %dma_start3A_87 = arith.constant 0 : i32
      %dma_start3A_88 = tpu.memref_slice %arg13[%dma_start3A_86, %dma_start3A_87] : memref<10240x128xf32, #tpu.memory_space<vmem_shared>> -> memref<10240x128xf32, #tpu.memory_space<vmem_shared>>
      tpu.enqueue_indirect_dma source(%arg10 : memref<80x128xf32, #tpu.memory_space<vmem>>) target(%dma_start3A_88 : memref<10240x128xf32, #tpu.memory_space<vmem_shared>>) offsets(%dma_start3A_85 : memref<80xi32, #tpu.memory_space<vmem>>) semaphore(%arg19 : memref<!tpu.dma_semaphore, #tpu.memory_space<semaphore_mem>>) {add = true}
      %dma_wait3A_89 = arith.constant 0 : i32
      %dma_wait3A_90 = arith.constant 0 : i32
      %dma_wait3A_91 = tpu.memref_slice %arg8[%dma_wait3A_89, %dma_wait3A_90] : memref<25x80xi32, #tpu.memory_space<vmem>> -> memref<1x80xi32, #tpu.memory_space<vmem>>
      %dma_wait3A_92 = tpu.memref_squeeze %dma_wait3A_91 : memref<1x80xi32, #tpu.memory_space<vmem>> -> memref<80xi32, #tpu.memory_space<vmem>>
      %dma_wait3A_93 = arith.constant 0 : i32
      %dma_wait3A_94 = arith.constant 0 : i32
      %dma_wait3A_95 = tpu.memref_slice %arg13[%dma_wait3A_93, %dma_wait3A_94] : memref<10240x128xf32, #tpu.memory_space<vmem_shared>> -> memref<10240x128xf32, #tpu.memory_space<vmem_shared>>
      tpu.wait_indirect_dma semaphore(%arg18 : memref<!tpu.dma_semaphore, #tpu.memory_space<semaphore_mem>>) src(%arg9 : memref<80x128xf32, #tpu.memory_space<vmem>>) dst(%dma_wait3A_95 : memref<10240x128xf32, #tpu.memory_space<vmem_shared>>)
      %dma_start3A_96 = arith.constant 4 : i32
      %dma_start3A_97 = arith.constant 0 : i32
      %dma_start3A_98 = tpu.memref_slice %arg7[%dma_start3A_96, %dma_start3A_97] : memref<25x80xi32, #tpu.memory_space<vmem>> -> memref<1x80xi32, #tpu.memory_space<vmem>>
      %dma_start3A_99 = tpu.memref_squeeze %dma_start3A_98 : memref<1x80xi32, #tpu.memory_space<vmem>> -> memref<80xi32, #tpu.memory_space<vmem>>
      %dma_start3A_100 = arith.constant 0 : i32
      %dma_start3A_101 = arith.constant 0 : i32
      %dma_start3A_102 = tpu.memref_slice %arg2[%dma_start3A_100, %dma_start3A_101] : memref<10000x128xf32, #tpu.memory_space<hbm>> -> memref<10000x128xf32, #tpu.memory_space<hbm>>
      tpu.enqueue_indirect_dma source(%dma_start3A_102 : memref<10000x128xf32, #tpu.memory_space<hbm>>) target(%arg9 : memref<80x128xf32, #tpu.memory_space<vmem>>) offsets(%dma_start3A_99 : memref<80xi32, #tpu.memory_space<vmem>>) semaphore(%arg14 : memref<!tpu.dma_semaphore, #tpu.memory_space<semaphore_mem>>)
      %dma_wait3A_103 = arith.constant 2 : i32
      %dma_wait3A_104 = arith.constant 0 : i32
      %dma_wait3A_105 = tpu.memref_slice %arg7[%dma_wait3A_103, %dma_wait3A_104] : memref<25x80xi32, #tpu.memory_space<vmem>> -> memref<1x80xi32, #tpu.memory_space<vmem>>
      %dma_wait3A_106 = tpu.memref_squeeze %dma_wait3A_105 : memref<1x80xi32, #tpu.memory_space<vmem>> -> memref<80xi32, #tpu.memory_space<vmem>>
      %dma_wait3A_107 = arith.constant 0 : i32
      %dma_wait3A_108 = arith.constant 0 : i32
      %dma_wait3A_109 = tpu.memref_slice %arg2[%dma_wait3A_107, %dma_wait3A_108] : memref<10000x128xf32, #tpu.memory_space<hbm>> -> memref<10000x128xf32, #tpu.memory_space<hbm>>
      tpu.wait_indirect_dma semaphore(%arg16 : memref<!tpu.dma_semaphore, #tpu.memory_space<semaphore_mem>>) src(%dma_wait3A_109 : memref<10000x128xf32, #tpu.memory_space<hbm>>) dst(%arg11 : memref<80x128xf32, #tpu.memory_space<vmem>>)
      %dma_start3A_110 = arith.constant 2 : i32
      %dma_start3A_111 = arith.constant 0 : i32
      %dma_start3A_112 = tpu.memref_slice %arg8[%dma_start3A_110, %dma_start3A_111] : memref<25x80xi32, #tpu.memory_space<vmem>> -> memref<1x80xi32, #tpu.memory_space<vmem>>
      %dma_start3A_113 = tpu.memref_squeeze %dma_start3A_112 : memref<1x80xi32, #tpu.memory_space<vmem>> -> memref<80xi32, #tpu.memory_space<vmem>>
      %dma_start3A_114 = arith.constant 0 : i32
      %dma_start3A_115 = arith.constant 0 : i32
      %dma_start3A_116 = tpu.memref_slice %arg13[%dma_start3A_114, %dma_start3A_115] : memref<10240x128xf32, #tpu.memory_space<vmem_shared>> -> memref<10240x128xf32, #tpu.memory_space<vmem_shared>>
      tpu.enqueue_indirect_dma source(%arg11 : memref<80x128xf32, #tpu.memory_space<vmem>>) target(%dma_start3A_116 : memref<10240x128xf32, #tpu.memory_space<vmem_shared>>) offsets(%dma_start3A_113 : memref<80xi32, #tpu.memory_space<vmem>>) semaphore(%arg20 : memref<!tpu.dma_semaphore, #tpu.memory_space<semaphore_mem>>) {add = true}
      %dma_wait3A_117 = arith.constant 1 : i32
      %dma_wait3A_118 = arith.constant 0 : i32
      %dma_wait3A_119 = tpu.memref_slice %arg8[%dma_wait3A_117, %dma_wait3A_118] : memref<25x80xi32, #tpu.memory_space<vmem>> -> memref<1x80xi32, #tpu.memory_space<vmem>>
      %dma_wait3A_120 = tpu.memref_squeeze %dma_wait3A_119 : memref<1x80xi32, #tpu.memory_space<vmem>> -> memref<80xi32, #tpu.memory_space<vmem>>
      %dma_wait3A_121 = arith.constant 0 : i32
      %dma_wait3A_122 = arith.constant 0 : i32
      %dma_wait3A_123 = tpu.memref_slice %arg13[%dma_wait3A_121, %dma_wait3A_122] : memref<10240x128xf32, #tpu.memory_space<vmem_shared>> -> memref<10240x128xf32, #tpu.memory_space<vmem_shared>>
      tpu.wait_indirect_dma semaphore(%arg19 : memref<!tpu.dma_semaphore, #tpu.memory_space<semaphore_mem>>) src(%arg10 : memref<80x128xf32, #tpu.memory_space<vmem>>) dst(%dma_wait3A_123 : memref<10240x128xf32, #tpu.memory_space<vmem_shared>>)
      %dma_start3A_124 = arith.constant 5 : i32
      %dma_start3A_125 = arith.constant 0 : i32
      %dma_start3A_126 = tpu.memref_slice %arg7[%dma_start3A_124, %dma_start3A_125] : memref<25x80xi32, #tpu.memory_space<vmem>> -> memref<1x80xi32, #tpu.memory_space<vmem>>
      %dma_start3A_127 = tpu.memref_squeeze %dma_start3A_126 : memref<1x80xi32, #tpu.memory_space<vmem>> -> memref<80xi32, #tpu.memory_space<vmem>>
      %dma_start3A_128 = arith.constant 0 : i32
      %dma_start3A_129 = arith.constant 0 : i32
      %dma_start3A_130 = tpu.memref_slice %arg2[%dma_start3A_128, %dma_start3A_129] : memref<10000x128xf32, #tpu.memory_space<hbm>> -> memref<10000x128xf32, #tpu.memory_space<hbm>>
      tpu.enqueue_indirect_dma source(%dma_start3A_130 : memref<10000x128xf32, #tpu.memory_space<hbm>>) target(%arg10 : memref<80x128xf32, #tpu.memory_space<vmem>>) offsets(%dma_start3A_127 : memref<80xi32, #tpu.memory_space<vmem>>) semaphore(%arg15 : memref<!tpu.dma_semaphore, #tpu.memory_space<semaphore_mem>>)
      %dma_wait3A_131 = arith.constant 3 : i32
      %dma_wait3A_132 = arith.constant 0 : i32
      %dma_wait3A_133 = tpu.memref_slice %arg7[%dma_wait3A_131, %dma_wait3A_132] : memref<25x80xi32, #tpu.memory_space<vmem>> -> memref<1x80xi32, #tpu.memory_space<vmem>>
      %dma_wait3A_134 = tpu.memref_squeeze %dma_wait3A_133 : memref<1x80xi32, #tpu.memory_space<vmem>> -> memref<80xi32, #tpu.memory_space<vmem>>
      %dma_wait3A_135 = arith.constant 0 : i32
      %dma_wait3A_136 = arith.constant 0 : i32
      %dma_wait3A_137 = tpu.memref_slice %arg2[%dma_wait3A_135, %dma_wait3A_136] : memref<10000x128xf32, #tpu.memory_space<hbm>> -> memref<10000x128xf32, #tpu.memory_space<hbm>>
      tpu.wait_indirect_dma semaphore(%arg17 : memref<!tpu.dma_semaphore, #tpu.memory_space<semaphore_mem>>) src(%dma_wait3A_137 : memref<10000x128xf32, #tpu.memory_space<hbm>>) dst(%arg12 : memref<80x128xf32, #tpu.memory_space<vmem>>)
      %dma_start3A_138 = arith.constant 3 : i32
      %dma_start3A_139 = arith.constant 0 : i32
      %dma_start3A_140 = tpu.memref_slice %arg8[%dma_start3A_138, %dma_start3A_139] : memref<25x80xi32, #tpu.memory_space<vmem>> -> memref<1x80xi32, #tpu.memory_space<vmem>>
      %dma_start3A_141 = tpu.memref_squeeze %dma_start3A_140 : memref<1x80xi32, #tpu.memory_space<vmem>> -> memref<80xi32, #tpu.memory_space<vmem>>
      %dma_start3A_142 = arith.constant 0 : i32
      %dma_start3A_143 = arith.constant 0 : i32
      %dma_start3A_144 = tpu.memref_slice %arg13[%dma_start3A_142, %dma_start3A_143] : memref<10240x128xf32, #tpu.memory_space<vmem_shared>> -> memref<10240x128xf32, #tpu.memory_space<vmem_shared>>
      tpu.enqueue_indirect_dma source(%arg12 : memref<80x128xf32, #tpu.memory_space<vmem>>) target(%dma_start3A_144 : memref<10240x128xf32, #tpu.memory_space<vmem_shared>>) offsets(%dma_start3A_141 : memref<80xi32, #tpu.memory_space<vmem>>) semaphore(%arg21 : memref<!tpu.dma_semaphore, #tpu.memory_space<semaphore_mem>>) {add = true}
      %dma_wait3A_145 = arith.constant 2 : i32
      %dma_wait3A_146 = arith.constant 0 : i32
      %dma_wait3A_147 = tpu.memref_slice %arg8[%dma_wait3A_145, %dma_wait3A_146] : memref<25x80xi32, #tpu.memory_space<vmem>> -> memref<1x80xi32, #tpu.memory_space<vmem>>
      %dma_wait3A_148 = tpu.memref_squeeze %dma_wait3A_147 : memref<1x80xi32, #tpu.memory_space<vmem>> -> memref<80xi32, #tpu.memory_space<vmem>>
      %dma_wait3A_149 = arith.constant 0 : i32
      %dma_wait3A_150 = arith.constant 0 : i32
      %dma_wait3A_151 = tpu.memref_slice %arg13[%dma_wait3A_149, %dma_wait3A_150] : memref<10240x128xf32, #tpu.memory_space<vmem_shared>> -> memref<10240x128xf32, #tpu.memory_space<vmem_shared>>
      tpu.wait_indirect_dma semaphore(%arg20 : memref<!tpu.dma_semaphore, #tpu.memory_space<semaphore_mem>>) src(%arg11 : memref<80x128xf32, #tpu.memory_space<vmem>>) dst(%dma_wait3A_151 : memref<10240x128xf32, #tpu.memory_space<vmem_shared>>)
      %dma_start3A_152 = arith.constant 6 : i32
      %dma_start3A_153 = arith.constant 0 : i32
      %dma_start3A_154 = tpu.memref_slice %arg7[%dma_start3A_152, %dma_start3A_153] : memref<25x80xi32, #tpu.memory_space<vmem>> -> memref<1x80xi32, #tpu.memory_space<vmem>>
      %dma_start3A_155 = tpu.memref_squeeze %dma_start3A_154 : memref<1x80xi32, #tpu.memory_space<vmem>> -> memref<80xi32, #tpu.memory_space<vmem>>
      %dma_start3A_156 = arith.constant 0 : i32
      %dma_start3A_157 = arith.constant 0 : i32
      %dma_start3A_158 = tpu.memref_slice %arg2[%dma_start3A_156, %dma_start3A_157] : memref<10000x128xf32, #tpu.memory_space<hbm>> -> memref<10000x128xf32, #tpu.memory_space<hbm>>
      tpu.enqueue_indirect_dma source(%dma_start3A_158 : memref<10000x128xf32, #tpu.memory_space<hbm>>) target(%arg11 : memref<80x128xf32, #tpu.memory_space<vmem>>) offsets(%dma_start3A_155 : memref<80xi32, #tpu.memory_space<vmem>>) semaphore(%arg16 : memref<!tpu.dma_semaphore, #tpu.memory_space<semaphore_mem>>)
      %dma_wait3A_159 = arith.constant 4 : i32
      %dma_wait3A_160 = arith.constant 0 : i32
      %dma_wait3A_161 = tpu.memref_slice %arg7[%dma_wait3A_159, %dma_wait3A_160] : memref<25x80xi32, #tpu.memory_space<vmem>> -> memref<1x80xi32, #tpu.memory_space<vmem>>
      %dma_wait3A_162 = tpu.memref_squeeze %dma_wait3A_161 : memref<1x80xi32, #tpu.memory_space<vmem>> -> memref<80xi32, #tpu.memory_space<vmem>>
      %dma_wait3A_163 = arith.constant 0 : i32
      %dma_wait3A_164 = arith.constant 0 : i32
      %dma_wait3A_165 = tpu.memref_slice %arg2[%dma_wait3A_163, %dma_wait3A_164] : memref<10000x128xf32, #tpu.memory_space<hbm>> -> memref<10000x128xf32, #tpu.memory_space<hbm>>
      tpu.wait_indirect_dma semaphore(%arg14 : memref<!tpu.dma_semaphore, #tpu.memory_space<semaphore_mem>>) src(%dma_wait3A_165 : memref<10000x128xf32, #tpu.memory_space<hbm>>) dst(%arg9 : memref<80x128xf32, #tpu.memory_space<vmem>>)
      %dma_start3A_166 = arith.constant 4 : i32
      %dma_start3A_167 = arith.constant 0 : i32
      %dma_start3A_168 = tpu.memref_slice %arg8[%dma_start3A_166, %dma_start3A_167] : memref<25x80xi32, #tpu.memory_space<vmem>> -> memref<1x80xi32, #tpu.memory_space<vmem>>
      %dma_start3A_169 = tpu.memref_squeeze %dma_start3A_168 : memref<1x80xi32, #tpu.memory_space<vmem>> -> memref<80xi32, #tpu.memory_space<vmem>>
      %dma_start3A_170 = arith.constant 0 : i32
      %dma_start3A_171 = arith.constant 0 : i32
      %dma_start3A_172 = tpu.memref_slice %arg13[%dma_start3A_170, %dma_start3A_171] : memref<10240x128xf32, #tpu.memory_space<vmem_shared>> -> memref<10240x128xf32, #tpu.memory_space<vmem_shared>>
      tpu.enqueue_indirect_dma source(%arg9 : memref<80x128xf32, #tpu.memory_space<vmem>>) target(%dma_start3A_172 : memref<10240x128xf32, #tpu.memory_space<vmem_shared>>) offsets(%dma_start3A_169 : memref<80xi32, #tpu.memory_space<vmem>>) semaphore(%arg18 : memref<!tpu.dma_semaphore, #tpu.memory_space<semaphore_mem>>) {add = true}
      %dma_wait3A_173 = arith.constant 3 : i32
      %dma_wait3A_174 = arith.constant 0 : i32
      %dma_wait3A_175 = tpu.memref_slice %arg8[%dma_wait3A_173, %dma_wait3A_174] : memref<25x80xi32, #tpu.memory_space<vmem>> -> memref<1x80xi32, #tpu.memory_space<vmem>>
      %dma_wait3A_176 = tpu.memref_squeeze %dma_wait3A_175 : memref<1x80xi32, #tpu.memory_space<vmem>> -> memref<80xi32, #tpu.memory_space<vmem>>
      %dma_wait3A_177 = arith.constant 0 : i32
      %dma_wait3A_178 = arith.constant 0 : i32
      %dma_wait3A_179 = tpu.memref_slice %arg13[%dma_wait3A_177, %dma_wait3A_178] : memref<10240x128xf32, #tpu.memory_space<vmem_shared>> -> memref<10240x128xf32, #tpu.memory_space<vmem_shared>>
      tpu.wait_indirect_dma semaphore(%arg21 : memref<!tpu.dma_semaphore, #tpu.memory_space<semaphore_mem>>) src(%arg12 : memref<80x128xf32, #tpu.memory_space<vmem>>) dst(%dma_wait3A_179 : memref<10240x128xf32, #tpu.memory_space<vmem_shared>>)
      %dma_start3A_180 = arith.constant 7 : i32
      %dma_start3A_181 = arith.constant 0 : i32
      %dma_start3A_182 = tpu.memref_slice %arg7[%dma_start3A_180, %dma_start3A_181] : memref<25x80xi32, #tpu.memory_space<vmem>> -> memref<1x80xi32, #tpu.memory_space<vmem>>
      %dma_start3A_183 = tpu.memref_squeeze %dma_start3A_182 : memref<1x80xi32, #tpu.memory_space<vmem>> -> memref<80xi32, #tpu.memory_space<vmem>>
      %dma_start3A_184 = arith.constant 0 : i32
      %dma_start3A_185 = arith.constant 0 : i32
      %dma_start3A_186 = tpu.memref_slice %arg2[%dma_start3A_184, %dma_start3A_185] : memref<10000x128xf32, #tpu.memory_space<hbm>> -> memref<10000x128xf32, #tpu.memory_space<hbm>>
      tpu.enqueue_indirect_dma source(%dma_start3A_186 : memref<10000x128xf32, #tpu.memory_space<hbm>>) target(%arg12 : memref<80x128xf32, #tpu.memory_space<vmem>>) offsets(%dma_start3A_183 : memref<80xi32, #tpu.memory_space<vmem>>) semaphore(%arg17 : memref<!tpu.dma_semaphore, #tpu.memory_space<semaphore_mem>>)
      %dma_wait3A_187 = arith.constant 5 : i32
      %dma_wait3A_188 = arith.constant 0 : i32
      %dma_wait3A_189 = tpu.memref_slice %arg7[%dma_wait3A_187, %dma_wait3A_188] : memref<25x80xi32, #tpu.memory_space<vmem>> -> memref<1x80xi32, #tpu.memory_space<vmem>>
      %dma_wait3A_190 = tpu.memref_squeeze %dma_wait3A_189 : memref<1x80xi32, #tpu.memory_space<vmem>> -> memref<80xi32, #tpu.memory_space<vmem>>
      %dma_wait3A_191 = arith.constant 0 : i32
      %dma_wait3A_192 = arith.constant 0 : i32
      %dma_wait3A_193 = tpu.memref_slice %arg2[%dma_wait3A_191, %dma_wait3A_192] : memref<10000x128xf32, #tpu.memory_space<hbm>> -> memref<10000x128xf32, #tpu.memory_space<hbm>>
      tpu.wait_indirect_dma semaphore(%arg15 : memref<!tpu.dma_semaphore, #tpu.memory_space<semaphore_mem>>) src(%dma_wait3A_193 : memref<10000x128xf32, #tpu.memory_space<hbm>>) dst(%arg10 : memref<80x128xf32, #tpu.memory_space<vmem>>)
      %dma_start3A_194 = arith.constant 5 : i32
      %dma_start3A_195 = arith.constant 0 : i32
      %dma_start3A_196 = tpu.memref_slice %arg8[%dma_start3A_194, %dma_start3A_195] : memref<25x80xi32, #tpu.memory_space<vmem>> -> memref<1x80xi32, #tpu.memory_space<vmem>>
      %dma_start3A_197 = tpu.memref_squeeze %dma_start3A_196 : memref<1x80xi32, #tpu.memory_space<vmem>> -> memref<80xi32, #tpu.memory_space<vmem>>
      %dma_start3A_198 = arith.constant 0 : i32
      %dma_start3A_199 = arith.constant 0 : i32
      %dma_start3A_200 = tpu.memref_slice %arg13[%dma_start3A_198, %dma_start3A_199] : memref<10240x128xf32, #tpu.memory_space<vmem_shared>> -> memref<10240x128xf32, #tpu.memory_space<vmem_shared>>
      tpu.enqueue_indirect_dma source(%arg10 : memref<80x128xf32, #tpu.memory_space<vmem>>) target(%dma_start3A_200 : memref<10240x128xf32, #tpu.memory_space<vmem_shared>>) offsets(%dma_start3A_197 : memref<80xi32, #tpu.memory_space<vmem>>) semaphore(%arg19 : memref<!tpu.dma_semaphore, #tpu.memory_space<semaphore_mem>>) {add = true}
      %dma_wait3A_201 = arith.constant 4 : i32
      %dma_wait3A_202 = arith.constant 0 : i32
      %dma_wait3A_203 = tpu.memref_slice %arg8[%dma_wait3A_201, %dma_wait3A_202] : memref<25x80xi32, #tpu.memory_space<vmem>> -> memref<1x80xi32, #tpu.memory_space<vmem>>
      %dma_wait3A_204 = tpu.memref_squeeze %dma_wait3A_203 : memref<1x80xi32, #tpu.memory_space<vmem>> -> memref<80xi32, #tpu.memory_space<vmem>>
      %dma_wait3A_205 = arith.constant 0 : i32
      %dma_wait3A_206 = arith.constant 0 : i32
      %dma_wait3A_207 = tpu.memref_slice %arg13[%dma_wait3A_205, %dma_wait3A_206] : memref<10240x128xf32, #tpu.memory_space<vmem_shared>> -> memref<10240x128xf32, #tpu.memory_space<vmem_shared>>
      tpu.wait_indirect_dma semaphore(%arg18 : memref<!tpu.dma_semaphore, #tpu.memory_space<semaphore_mem>>) src(%arg9 : memref<80x128xf32, #tpu.memory_space<vmem>>) dst(%dma_wait3A_207 : memref<10240x128xf32, #tpu.memory_space<vmem_shared>>)
      %dma_start3A_208 = arith.constant 8 : i32
      %dma_start3A_209 = arith.constant 0 : i32
      %dma_start3A_210 = tpu.memref_slice %arg7[%dma_start3A_208, %dma_start3A_209] : memref<25x80xi32, #tpu.memory_space<vmem>> -> memref<1x80xi32, #tpu.memory_space<vmem>>
      %dma_start3A_211 = tpu.memref_squeeze %dma_start3A_210 : memref<1x80xi32, #tpu.memory_space<vmem>> -> memref<80xi32, #tpu.memory_space<vmem>>
      %dma_start3A_212 = arith.constant 0 : i32
      %dma_start3A_213 = arith.constant 0 : i32
      %dma_start3A_214 = tpu.memref_slice %arg2[%dma_start3A_212, %dma_start3A_213] : memref<10000x128xf32, #tpu.memory_space<hbm>> -> memref<10000x128xf32, #tpu.memory_space<hbm>>
      tpu.enqueue_indirect_dma source(%dma_start3A_214 : memref<10000x128xf32, #tpu.memory_space<hbm>>) target(%arg9 : memref<80x128xf32, #tpu.memory_space<vmem>>) offsets(%dma_start3A_211 : memref<80xi32, #tpu.memory_space<vmem>>) semaphore(%arg14 : memref<!tpu.dma_semaphore, #tpu.memory_space<semaphore_mem>>)
      %dma_wait3A_215 = arith.constant 6 : i32
      %dma_wait3A_216 = arith.constant 0 : i32
      %dma_wait3A_217 = tpu.memref_slice %arg7[%dma_wait3A_215, %dma_wait3A_216] : memref<25x80xi32, #tpu.memory_space<vmem>> -> memref<1x80xi32, #tpu.memory_space<vmem>>
      %dma_wait3A_218 = tpu.memref_squeeze %dma_wait3A_217 : memref<1x80xi32, #tpu.memory_space<vmem>> -> memref<80xi32, #tpu.memory_space<vmem>>
      %dma_wait3A_219 = arith.constant 0 : i32
      %dma_wait3A_220 = arith.constant 0 : i32
      %dma_wait3A_221 = tpu.memref_slice %arg2[%dma_wait3A_219, %dma_wait3A_220] : memref<10000x128xf32, #tpu.memory_space<hbm>> -> memref<10000x128xf32, #tpu.memory_space<hbm>>
      tpu.wait_indirect_dma semaphore(%arg16 : memref<!tpu.dma_semaphore, #tpu.memory_space<semaphore_mem>>) src(%dma_wait3A_221 : memref<10000x128xf32, #tpu.memory_space<hbm>>) dst(%arg11 : memref<80x128xf32, #tpu.memory_space<vmem>>)
      %dma_start3A_222 = arith.constant 6 : i32
      %dma_start3A_223 = arith.constant 0 : i32
      %dma_start3A_224 = tpu.memref_slice %arg8[%dma_start3A_222, %dma_start3A_223] : memref<25x80xi32, #tpu.memory_space<vmem>> -> memref<1x80xi32, #tpu.memory_space<vmem>>
      %dma_start3A_225 = tpu.memref_squeeze %dma_start3A_224 : memref<1x80xi32, #tpu.memory_space<vmem>> -> memref<80xi32, #tpu.memory_space<vmem>>
      %dma_start3A_226 = arith.constant 0 : i32
      %dma_start3A_227 = arith.constant 0 : i32
      %dma_start3A_228 = tpu.memref_slice %arg13[%dma_start3A_226, %dma_start3A_227] : memref<10240x128xf32, #tpu.memory_space<vmem_shared>> -> memref<10240x128xf32, #tpu.memory_space<vmem_shared>>
      tpu.enqueue_indirect_dma source(%arg11 : memref<80x128xf32, #tpu.memory_space<vmem>>) target(%dma_start3A_228 : memref<10240x128xf32, #tpu.memory_space<vmem_shared>>) offsets(%dma_start3A_225 : memref<80xi32, #tpu.memory_space<vmem>>) semaphore(%arg20 : memref<!tpu.dma_semaphore, #tpu.memory_space<semaphore_mem>>) {add = true}
      %dma_wait3A_229 = arith.constant 5 : i32
      %dma_wait3A_230 = arith.constant 0 : i32
      %dma_wait3A_231 = tpu.memref_slice %arg8[%dma_wait3A_229, %dma_wait3A_230] : memref<25x80xi32, #tpu.memory_space<vmem>> -> memref<1x80xi32, #tpu.memory_space<vmem>>
      %dma_wait3A_232 = tpu.memref_squeeze %dma_wait3A_231 : memref<1x80xi32, #tpu.memory_space<vmem>> -> memref<80xi32, #tpu.memory_space<vmem>>
      %dma_wait3A_233 = arith.constant 0 : i32
      %dma_wait3A_234 = arith.constant 0 : i32
      %dma_wait3A_235 = tpu.memref_slice %arg13[%dma_wait3A_233, %dma_wait3A_234] : memref<10240x128xf32, #tpu.memory_space<vmem_shared>> -> memref<10240x128xf32, #tpu.memory_space<vmem_shared>>
      tpu.wait_indirect_dma semaphore(%arg19 : memref<!tpu.dma_semaphore, #tpu.memory_space<semaphore_mem>>) src(%arg10 : memref<80x128xf32, #tpu.memory_space<vmem>>) dst(%dma_wait3A_235 : memref<10240x128xf32, #tpu.memory_space<vmem_shared>>)
      %dma_start3A_236 = arith.constant 9 : i32
      %dma_start3A_237 = arith.constant 0 : i32
      %dma_start3A_238 = tpu.memref_slice %arg7[%dma_start3A_236, %dma_start3A_237] : memref<25x80xi32, #tpu.memory_space<vmem>> -> memref<1x80xi32, #tpu.memory_space<vmem>>
      %dma_start3A_239 = tpu.memref_squeeze %dma_start3A_238 : memref<1x80xi32, #tpu.memory_space<vmem>> -> memref<80xi32, #tpu.memory_space<vmem>>
      %dma_start3A_240 = arith.constant 0 : i32
      %dma_start3A_241 = arith.constant 0 : i32
      %dma_start3A_242 = tpu.memref_slice %arg2[%dma_start3A_240, %dma_start3A_241] : memref<10000x128xf32, #tpu.memory_space<hbm>> -> memref<10000x128xf32, #tpu.memory_space<hbm>>
      tpu.enqueue_indirect_dma source(%dma_start3A_242 : memref<10000x128xf32, #tpu.memory_space<hbm>>) target(%arg10 : memref<80x128xf32, #tpu.memory_space<vmem>>) offsets(%dma_start3A_239 : memref<80xi32, #tpu.memory_space<vmem>>) semaphore(%arg15 : memref<!tpu.dma_semaphore, #tpu.memory_space<semaphore_mem>>)
      %dma_wait3A_243 = arith.constant 7 : i32
      %dma_wait3A_244 = arith.constant 0 : i32
      %dma_wait3A_245 = tpu.memref_slice %arg7[%dma_wait3A_243, %dma_wait3A_244] : memref<25x80xi32, #tpu.memory_space<vmem>> -> memref<1x80xi32, #tpu.memory_space<vmem>>
      %dma_wait3A_246 = tpu.memref_squeeze %dma_wait3A_245 : memref<1x80xi32, #tpu.memory_space<vmem>> -> memref<80xi32, #tpu.memory_space<vmem>>
      %dma_wait3A_247 = arith.constant 0 : i32
      %dma_wait3A_248 = arith.constant 0 : i32
      %dma_wait3A_249 = tpu.memref_slice %arg2[%dma_wait3A_247, %dma_wait3A_248] : memref<10000x128xf32, #tpu.memory_space<hbm>> -> memref<10000x128xf32, #tpu.memory_space<hbm>>
      tpu.wait_indirect_dma semaphore(%arg17 : memref<!tpu.dma_semaphore, #tpu.memory_space<semaphore_mem>>) src(%dma_wait3A_249 : memref<10000x128xf32, #tpu.memory_space<hbm>>) dst(%arg12 : memref<80x128xf32, #tpu.memory_space<vmem>>)
      %dma_start3A_250 = arith.constant 7 : i32
      %dma_start3A_251 = arith.constant 0 : i32
      %dma_start3A_252 = tpu.memref_slice %arg8[%dma_start3A_250, %dma_start3A_251] : memref<25x80xi32, #tpu.memory_space<vmem>> -> memref<1x80xi32, #tpu.memory_space<vmem>>
      %dma_start3A_253 = tpu.memref_squeeze %dma_start3A_252 : memref<1x80xi32, #tpu.memory_space<vmem>> -> memref<80xi32, #tpu.memory_space<vmem>>
      %dma_start3A_254 = arith.constant 0 : i32
      %dma_start3A_255 = arith.constant 0 : i32
      %dma_start3A_256 = tpu.memref_slice %arg13[%dma_start3A_254, %dma_start3A_255] : memref<10240x128xf32, #tpu.memory_space<vmem_shared>> -> memref<10240x128xf32, #tpu.memory_space<vmem_shared>>
      tpu.enqueue_indirect_dma source(%arg12 : memref<80x128xf32, #tpu.memory_space<vmem>>) target(%dma_start3A_256 : memref<10240x128xf32, #tpu.memory_space<vmem_shared>>) offsets(%dma_start3A_253 : memref<80xi32, #tpu.memory_space<vmem>>) semaphore(%arg21 : memref<!tpu.dma_semaphore, #tpu.memory_space<semaphore_mem>>) {add = true}
      %dma_wait3A_257 = arith.constant 6 : i32
      %dma_wait3A_258 = arith.constant 0 : i32
      %dma_wait3A_259 = tpu.memref_slice %arg8[%dma_wait3A_257, %dma_wait3A_258] : memref<25x80xi32, #tpu.memory_space<vmem>> -> memref<1x80xi32, #tpu.memory_space<vmem>>
      %dma_wait3A_260 = tpu.memref_squeeze %dma_wait3A_259 : memref<1x80xi32, #tpu.memory_space<vmem>> -> memref<80xi32, #tpu.memory_space<vmem>>
      %dma_wait3A_261 = arith.constant 0 : i32
      %dma_wait3A_262 = arith.constant 0 : i32
      %dma_wait3A_263 = tpu.memref_slice %arg13[%dma_wait3A_261, %dma_wait3A_262] : memref<10240x128xf32, #tpu.memory_space<vmem_shared>> -> memref<10240x128xf32, #tpu.memory_space<vmem_shared>>
      tpu.wait_indirect_dma semaphore(%arg20 : memref<!tpu.dma_semaphore, #tpu.memory_space<semaphore_mem>>) src(%arg11 : memref<80x128xf32, #tpu.memory_space<vmem>>) dst(%dma_wait3A_263 : memref<10240x128xf32, #tpu.memory_space<vmem_shared>>)
      %dma_start3A_264 = arith.constant 10 : i32
      %dma_start3A_265 = arith.constant 0 : i32
      %dma_start3A_266 = tpu.memref_slice %arg7[%dma_start3A_264, %dma_start3A_265] : memref<25x80xi32, #tpu.memory_space<vmem>> -> memref<1x80xi32, #tpu.memory_space<vmem>>
      %dma_start3A_267 = tpu.memref_squeeze %dma_start3A_266 : memref<1x80xi32, #tpu.memory_space<vmem>> -> memref<80xi32, #tpu.memory_space<vmem>>
      %dma_start3A_268 = arith.constant 0 : i32
      %dma_start3A_269 = arith.constant 0 : i32
      %dma_start3A_270 = tpu.memref_slice %arg2[%dma_start3A_268, %dma_start3A_269] : memref<10000x128xf32, #tpu.memory_space<hbm>> -> memref<10000x128xf32, #tpu.memory_space<hbm>>
      tpu.enqueue_indirect_dma source(%dma_start3A_270 : memref<10000x128xf32, #tpu.memory_space<hbm>>) target(%arg11 : memref<80x128xf32, #tpu.memory_space<vmem>>) offsets(%dma_start3A_267 : memref<80xi32, #tpu.memory_space<vmem>>) semaphore(%arg16 : memref<!tpu.dma_semaphore, #tpu.memory_space<semaphore_mem>>)
      %dma_wait3A_271 = arith.constant 8 : i32
      %dma_wait3A_272 = arith.constant 0 : i32
      %dma_wait3A_273 = tpu.memref_slice %arg7[%dma_wait3A_271, %dma_wait3A_272] : memref<25x80xi32, #tpu.memory_space<vmem>> -> memref<1x80xi32, #tpu.memory_space<vmem>>
      %dma_wait3A_274 = tpu.memref_squeeze %dma_wait3A_273 : memref<1x80xi32, #tpu.memory_space<vmem>> -> memref<80xi32, #tpu.memory_space<vmem>>
      %dma_wait3A_275 = arith.constant 0 : i32
      %dma_wait3A_276 = arith.constant 0 : i32
      %dma_wait3A_277 = tpu.memref_slice %arg2[%dma_wait3A_275, %dma_wait3A_276] : memref<10000x128xf32, #tpu.memory_space<hbm>> -> memref<10000x128xf32, #tpu.memory_space<hbm>>
      tpu.wait_indirect_dma semaphore(%arg14 : memref<!tpu.dma_semaphore, #tpu.memory_space<semaphore_mem>>) src(%dma_wait3A_277 : memref<10000x128xf32, #tpu.memory_space<hbm>>) dst(%arg9 : memref<80x128xf32, #tpu.memory_space<vmem>>)
      %dma_start3A_278 = arith.constant 8 : i32
      %dma_start3A_279 = arith.constant 0 : i32
      %dma_start3A_280 = tpu.memref_slice %arg8[%dma_start3A_278, %dma_start3A_279] : memref<25x80xi32, #tpu.memory_space<vmem>> -> memref<1x80xi32, #tpu.memory_space<vmem>>
      %dma_start3A_281 = tpu.memref_squeeze %dma_start3A_280 : memref<1x80xi32, #tpu.memory_space<vmem>> -> memref<80xi32, #tpu.memory_space<vmem>>
      %dma_start3A_282 = arith.constant 0 : i32
      %dma_start3A_283 = arith.constant 0 : i32
      %dma_start3A_284 = tpu.memref_slice %arg13[%dma_start3A_282, %dma_start3A_283] : memref<10240x128xf32, #tpu.memory_space<vmem_shared>> -> memref<10240x128xf32, #tpu.memory_space<vmem_shared>>
      tpu.enqueue_indirect_dma source(%arg9 : memref<80x128xf32, #tpu.memory_space<vmem>>) target(%dma_start3A_284 : memref<10240x128xf32, #tpu.memory_space<vmem_shared>>) offsets(%dma_start3A_281 : memref<80xi32, #tpu.memory_space<vmem>>) semaphore(%arg18 : memref<!tpu.dma_semaphore, #tpu.memory_space<semaphore_mem>>) {add = true}
      %dma_wait3A_285 = arith.constant 7 : i32
      %dma_wait3A_286 = arith.constant 0 : i32
      %dma_wait3A_287 = tpu.memref_slice %arg8[%dma_wait3A_285, %dma_wait3A_286] : memref<25x80xi32, #tpu.memory_space<vmem>> -> memref<1x80xi32, #tpu.memory_space<vmem>>
      %dma_wait3A_288 = tpu.memref_squeeze %dma_wait3A_287 : memref<1x80xi32, #tpu.memory_space<vmem>> -> memref<80xi32, #tpu.memory_space<vmem>>
      %dma_wait3A_289 = arith.constant 0 : i32
      %dma_wait3A_290 = arith.constant 0 : i32
      %dma_wait3A_291 = tpu.memref_slice %arg13[%dma_wait3A_289, %dma_wait3A_290] : memref<10240x128xf32, #tpu.memory_space<vmem_shared>> -> memref<10240x128xf32, #tpu.memory_space<vmem_shared>>
      tpu.wait_indirect_dma semaphore(%arg21 : memref<!tpu.dma_semaphore, #tpu.memory_space<semaphore_mem>>) src(%arg12 : memref<80x128xf32, #tpu.memory_space<vmem>>) dst(%dma_wait3A_291 : memref<10240x128xf32, #tpu.memory_space<vmem_shared>>)
      %dma_start3A_292 = arith.constant 11 : i32
      %dma_start3A_293 = arith.constant 0 : i32
      %dma_start3A_294 = tpu.memref_slice %arg7[%dma_start3A_292, %dma_start3A_293] : memref<25x80xi32, #tpu.memory_space<vmem>> -> memref<1x80xi32, #tpu.memory_space<vmem>>
      %dma_start3A_295 = tpu.memref_squeeze %dma_start3A_294 : memref<1x80xi32, #tpu.memory_space<vmem>> -> memref<80xi32, #tpu.memory_space<vmem>>
      %dma_start3A_296 = arith.constant 0 : i32
      %dma_start3A_297 = arith.constant 0 : i32
      %dma_start3A_298 = tpu.memref_slice %arg2[%dma_start3A_296, %dma_start3A_297] : memref<10000x128xf32, #tpu.memory_space<hbm>> -> memref<10000x128xf32, #tpu.memory_space<hbm>>
      tpu.enqueue_indirect_dma source(%dma_start3A_298 : memref<10000x128xf32, #tpu.memory_space<hbm>>) target(%arg12 : memref<80x128xf32, #tpu.memory_space<vmem>>) offsets(%dma_start3A_295 : memref<80xi32, #tpu.memory_space<vmem>>) semaphore(%arg17 : memref<!tpu.dma_semaphore, #tpu.memory_space<semaphore_mem>>)
      %dma_wait3A_299 = arith.constant 9 : i32
      %dma_wait3A_300 = arith.constant 0 : i32
      %dma_wait3A_301 = tpu.memref_slice %arg7[%dma_wait3A_299, %dma_wait3A_300] : memref<25x80xi32, #tpu.memory_space<vmem>> -> memref<1x80xi32, #tpu.memory_space<vmem>>
      %dma_wait3A_302 = tpu.memref_squeeze %dma_wait3A_301 : memref<1x80xi32, #tpu.memory_space<vmem>> -> memref<80xi32, #tpu.memory_space<vmem>>
      %dma_wait3A_303 = arith.constant 0 : i32
      %dma_wait3A_304 = arith.constant 0 : i32
      %dma_wait3A_305 = tpu.memref_slice %arg2[%dma_wait3A_303, %dma_wait3A_304] : memref<10000x128xf32, #tpu.memory_space<hbm>> -> memref<10000x128xf32, #tpu.memory_space<hbm>>
      tpu.wait_indirect_dma semaphore(%arg15 : memref<!tpu.dma_semaphore, #tpu.memory_space<semaphore_mem>>) src(%dma_wait3A_305 : memref<10000x128xf32, #tpu.memory_space<hbm>>) dst(%arg10 : memref<80x128xf32, #tpu.memory_space<vmem>>)
      %dma_start3A_306 = arith.constant 9 : i32
      %dma_start3A_307 = arith.constant 0 : i32
      %dma_start3A_308 = tpu.memref_slice %arg8[%dma_start3A_306, %dma_start3A_307] : memref<25x80xi32, #tpu.memory_space<vmem>> -> memref<1x80xi32, #tpu.memory_space<vmem>>
      %dma_start3A_309 = tpu.memref_squeeze %dma_start3A_308 : memref<1x80xi32, #tpu.memory_space<vmem>> -> memref<80xi32, #tpu.memory_space<vmem>>
      %dma_start3A_310 = arith.constant 0 : i32
      %dma_start3A_311 = arith.constant 0 : i32
      %dma_start3A_312 = tpu.memref_slice %arg13[%dma_start3A_310, %dma_start3A_311] : memref<10240x128xf32, #tpu.memory_space<vmem_shared>> -> memref<10240x128xf32, #tpu.memory_space<vmem_shared>>
      tpu.enqueue_indirect_dma source(%arg10 : memref<80x128xf32, #tpu.memory_space<vmem>>) target(%dma_start3A_312 : memref<10240x128xf32, #tpu.memory_space<vmem_shared>>) offsets(%dma_start3A_309 : memref<80xi32, #tpu.memory_space<vmem>>) semaphore(%arg19 : memref<!tpu.dma_semaphore, #tpu.memory_space<semaphore_mem>>) {add = true}
      %dma_wait3A_313 = arith.constant 8 : i32
      %dma_wait3A_314 = arith.constant 0 : i32
      %dma_wait3A_315 = tpu.memref_slice %arg8[%dma_wait3A_313, %dma_wait3A_314] : memref<25x80xi32, #tpu.memory_space<vmem>> -> memref<1x80xi32, #tpu.memory_space<vmem>>
      %dma_wait3A_316 = tpu.memref_squeeze %dma_wait3A_315 : memref<1x80xi32, #tpu.memory_space<vmem>> -> memref<80xi32, #tpu.memory_space<vmem>>
      %dma_wait3A_317 = arith.constant 0 : i32
      %dma_wait3A_318 = arith.constant 0 : i32
      %dma_wait3A_319 = tpu.memref_slice %arg13[%dma_wait3A_317, %dma_wait3A_318] : memref<10240x128xf32, #tpu.memory_space<vmem_shared>> -> memref<10240x128xf32, #tpu.memory_space<vmem_shared>>
      tpu.wait_indirect_dma semaphore(%arg18 : memref<!tpu.dma_semaphore, #tpu.memory_space<semaphore_mem>>) src(%arg9 : memref<80x128xf32, #tpu.memory_space<vmem>>) dst(%dma_wait3A_319 : memref<10240x128xf32, #tpu.memory_space<vmem_shared>>)
      %dma_start3A_320 = arith.constant 12 : i32
      %dma_start3A_321 = arith.constant 0 : i32
      %dma_start3A_322 = tpu.memref_slice %arg7[%dma_start3A_320, %dma_start3A_321] : memref<25x80xi32, #tpu.memory_space<vmem>> -> memref<1x80xi32, #tpu.memory_space<vmem>>
      %dma_start3A_323 = tpu.memref_squeeze %dma_start3A_322 : memref<1x80xi32, #tpu.memory_space<vmem>> -> memref<80xi32, #tpu.memory_space<vmem>>
      %dma_start3A_324 = arith.constant 0 : i32
      %dma_start3A_325 = arith.constant 0 : i32
      %dma_start3A_326 = tpu.memref_slice %arg2[%dma_start3A_324, %dma_start3A_325] : memref<10000x128xf32, #tpu.memory_space<hbm>> -> memref<10000x128xf32, #tpu.memory_space<hbm>>
      tpu.enqueue_indirect_dma source(%dma_start3A_326 : memref<10000x128xf32, #tpu.memory_space<hbm>>) target(%arg9 : memref<80x128xf32, #tpu.memory_space<vmem>>) offsets(%dma_start3A_323 : memref<80xi32, #tpu.memory_space<vmem>>) semaphore(%arg14 : memref<!tpu.dma_semaphore, #tpu.memory_space<semaphore_mem>>)
      %dma_wait3A_327 = arith.constant 10 : i32
      %dma_wait3A_328 = arith.constant 0 : i32
      %dma_wait3A_329 = tpu.memref_slice %arg7[%dma_wait3A_327, %dma_wait3A_328] : memref<25x80xi32, #tpu.memory_space<vmem>> -> memref<1x80xi32, #tpu.memory_space<vmem>>
      %dma_wait3A_330 = tpu.memref_squeeze %dma_wait3A_329 : memref<1x80xi32, #tpu.memory_space<vmem>> -> memref<80xi32, #tpu.memory_space<vmem>>
      %dma_wait3A_331 = arith.constant 0 : i32
      %dma_wait3A_332 = arith.constant 0 : i32
      %dma_wait3A_333 = tpu.memref_slice %arg2[%dma_wait3A_331, %dma_wait3A_332] : memref<10000x128xf32, #tpu.memory_space<hbm>> -> memref<10000x128xf32, #tpu.memory_space<hbm>>
      tpu.wait_indirect_dma semaphore(%arg16 : memref<!tpu.dma_semaphore, #tpu.memory_space<semaphore_mem>>) src(%dma_wait3A_333 : memref<10000x128xf32, #tpu.memory_space<hbm>>) dst(%arg11 : memref<80x128xf32, #tpu.memory_space<vmem>>)
      %dma_start3A_334 = arith.constant 10 : i32
      %dma_start3A_335 = arith.constant 0 : i32
      %dma_start3A_336 = tpu.memref_slice %arg8[%dma_start3A_334, %dma_start3A_335] : memref<25x80xi32, #tpu.memory_space<vmem>> -> memref<1x80xi32, #tpu.memory_space<vmem>>
      %dma_start3A_337 = tpu.memref_squeeze %dma_start3A_336 : memref<1x80xi32, #tpu.memory_space<vmem>> -> memref<80xi32, #tpu.memory_space<vmem>>
      %dma_start3A_338 = arith.constant 0 : i32
      %dma_start3A_339 = arith.constant 0 : i32
      %dma_start3A_340 = tpu.memref_slice %arg13[%dma_start3A_338, %dma_start3A_339] : memref<10240x128xf32, #tpu.memory_space<vmem_shared>> -> memref<10240x128xf32, #tpu.memory_space<vmem_shared>>
      tpu.enqueue_indirect_dma source(%arg11 : memref<80x128xf32, #tpu.memory_space<vmem>>) target(%dma_start3A_340 : memref<10240x128xf32, #tpu.memory_space<vmem_shared>>) offsets(%dma_start3A_337 : memref<80xi32, #tpu.memory_space<vmem>>) semaphore(%arg20 : memref<!tpu.dma_semaphore, #tpu.memory_space<semaphore_mem>>) {add = true}
      %dma_wait3A_341 = arith.constant 9 : i32
      %dma_wait3A_342 = arith.constant 0 : i32
      %dma_wait3A_343 = tpu.memref_slice %arg8[%dma_wait3A_341, %dma_wait3A_342] : memref<25x80xi32, #tpu.memory_space<vmem>> -> memref<1x80xi32, #tpu.memory_space<vmem>>
      %dma_wait3A_344 = tpu.memref_squeeze %dma_wait3A_343 : memref<1x80xi32, #tpu.memory_space<vmem>> -> memref<80xi32, #tpu.memory_space<vmem>>
      %dma_wait3A_345 = arith.constant 0 : i32
      %dma_wait3A_346 = arith.constant 0 : i32
      %dma_wait3A_347 = tpu.memref_slice %arg13[%dma_wait3A_345, %dma_wait3A_346] : memref<10240x128xf32, #tpu.memory_space<vmem_shared>> -> memref<10240x128xf32, #tpu.memory_space<vmem_shared>>
      tpu.wait_indirect_dma semaphore(%arg19 : memref<!tpu.dma_semaphore, #tpu.memory_space<semaphore_mem>>) src(%arg10 : memref<80x128xf32, #tpu.memory_space<vmem>>) dst(%dma_wait3A_347 : memref<10240x128xf32, #tpu.memory_space<vmem_shared>>)
      %dma_start3A_348 = arith.constant 13 : i32
      %dma_start3A_349 = arith.constant 0 : i32
      %dma_start3A_350 = tpu.memref_slice %arg7[%dma_start3A_348, %dma_start3A_349] : memref<25x80xi32, #tpu.memory_space<vmem>> -> memref<1x80xi32, #tpu.memory_space<vmem>>
      %dma_start3A_351 = tpu.memref_squeeze %dma_start3A_350 : memref<1x80xi32, #tpu.memory_space<vmem>> -> memref<80xi32, #tpu.memory_space<vmem>>
      %dma_start3A_352 = arith.constant 0 : i32
      %dma_start3A_353 = arith.constant 0 : i32
      %dma_start3A_354 = tpu.memref_slice %arg2[%dma_start3A_352, %dma_start3A_353] : memref<10000x128xf32, #tpu.memory_space<hbm>> -> memref<10000x128xf32, #tpu.memory_space<hbm>>
      tpu.enqueue_indirect_dma source(%dma_start3A_354 : memref<10000x128xf32, #tpu.memory_space<hbm>>) target(%arg10 : memref<80x128xf32, #tpu.memory_space<vmem>>) offsets(%dma_start3A_351 : memref<80xi32, #tpu.memory_space<vmem>>) semaphore(%arg15 : memref<!tpu.dma_semaphore, #tpu.memory_space<semaphore_mem>>)
      %dma_wait3A_355 = arith.constant 11 : i32
      %dma_wait3A_356 = arith.constant 0 : i32
      %dma_wait3A_357 = tpu.memref_slice %arg7[%dma_wait3A_355, %dma_wait3A_356] : memref<25x80xi32, #tpu.memory_space<vmem>> -> memref<1x80xi32, #tpu.memory_space<vmem>>
      %dma_wait3A_358 = tpu.memref_squeeze %dma_wait3A_357 : memref<1x80xi32, #tpu.memory_space<vmem>> -> memref<80xi32, #tpu.memory_space<vmem>>
      %dma_wait3A_359 = arith.constant 0 : i32
      %dma_wait3A_360 = arith.constant 0 : i32
      %dma_wait3A_361 = tpu.memref_slice %arg2[%dma_wait3A_359, %dma_wait3A_360] : memref<10000x128xf32, #tpu.memory_space<hbm>> -> memref<10000x128xf32, #tpu.memory_space<hbm>>
      tpu.wait_indirect_dma semaphore(%arg17 : memref<!tpu.dma_semaphore, #tpu.memory_space<semaphore_mem>>) src(%dma_wait3A_361 : memref<10000x128xf32, #tpu.memory_space<hbm>>) dst(%arg12 : memref<80x128xf32, #tpu.memory_space<vmem>>)
      %dma_start3A_362 = arith.constant 11 : i32
      %dma_start3A_363 = arith.constant 0 : i32
      %dma_start3A_364 = tpu.memref_slice %arg8[%dma_start3A_362, %dma_start3A_363] : memref<25x80xi32, #tpu.memory_space<vmem>> -> memref<1x80xi32, #tpu.memory_space<vmem>>
      %dma_start3A_365 = tpu.memref_squeeze %dma_start3A_364 : memref<1x80xi32, #tpu.memory_space<vmem>> -> memref<80xi32, #tpu.memory_space<vmem>>
      %dma_start3A_366 = arith.constant 0 : i32
      %dma_start3A_367 = arith.constant 0 : i32
      %dma_start3A_368 = tpu.memref_slice %arg13[%dma_start3A_366, %dma_start3A_367] : memref<10240x128xf32, #tpu.memory_space<vmem_shared>> -> memref<10240x128xf32, #tpu.memory_space<vmem_shared>>
      tpu.enqueue_indirect_dma source(%arg12 : memref<80x128xf32, #tpu.memory_space<vmem>>) target(%dma_start3A_368 : memref<10240x128xf32, #tpu.memory_space<vmem_shared>>) offsets(%dma_start3A_365 : memref<80xi32, #tpu.memory_space<vmem>>) semaphore(%arg21 : memref<!tpu.dma_semaphore, #tpu.memory_space<semaphore_mem>>) {add = true}
      %dma_wait3A_369 = arith.constant 10 : i32
      %dma_wait3A_370 = arith.constant 0 : i32
      %dma_wait3A_371 = tpu.memref_slice %arg8[%dma_wait3A_369, %dma_wait3A_370] : memref<25x80xi32, #tpu.memory_space<vmem>> -> memref<1x80xi32, #tpu.memory_space<vmem>>
      %dma_wait3A_372 = tpu.memref_squeeze %dma_wait3A_371 : memref<1x80xi32, #tpu.memory_space<vmem>> -> memref<80xi32, #tpu.memory_space<vmem>>
      %dma_wait3A_373 = arith.constant 0 : i32
      %dma_wait3A_374 = arith.constant 0 : i32
      %dma_wait3A_375 = tpu.memref_slice %arg13[%dma_wait3A_373, %dma_wait3A_374] : memref<10240x128xf32, #tpu.memory_space<vmem_shared>> -> memref<10240x128xf32, #tpu.memory_space<vmem_shared>>
      tpu.wait_indirect_dma semaphore(%arg20 : memref<!tpu.dma_semaphore, #tpu.memory_space<semaphore_mem>>) src(%arg11 : memref<80x128xf32, #tpu.memory_space<vmem>>) dst(%dma_wait3A_375 : memref<10240x128xf32, #tpu.memory_space<vmem_shared>>)
      %dma_start3A_376 = arith.constant 14 : i32
      %dma_start3A_377 = arith.constant 0 : i32
      %dma_start3A_378 = tpu.memref_slice %arg7[%dma_start3A_376, %dma_start3A_377] : memref<25x80xi32, #tpu.memory_space<vmem>> -> memref<1x80xi32, #tpu.memory_space<vmem>>
      %dma_start3A_379 = tpu.memref_squeeze %dma_start3A_378 : memref<1x80xi32, #tpu.memory_space<vmem>> -> memref<80xi32, #tpu.memory_space<vmem>>
      %dma_start3A_380 = arith.constant 0 : i32
      %dma_start3A_381 = arith.constant 0 : i32
      %dma_start3A_382 = tpu.memref_slice %arg2[%dma_start3A_380, %dma_start3A_381] : memref<10000x128xf32, #tpu.memory_space<hbm>> -> memref<10000x128xf32, #tpu.memory_space<hbm>>
      tpu.enqueue_indirect_dma source(%dma_start3A_382 : memref<10000x128xf32, #tpu.memory_space<hbm>>) target(%arg11 : memref<80x128xf32, #tpu.memory_space<vmem>>) offsets(%dma_start3A_379 : memref<80xi32, #tpu.memory_space<vmem>>) semaphore(%arg16 : memref<!tpu.dma_semaphore, #tpu.memory_space<semaphore_mem>>)
      %dma_wait3A_383 = arith.constant 12 : i32
      %dma_wait3A_384 = arith.constant 0 : i32
      %dma_wait3A_385 = tpu.memref_slice %arg7[%dma_wait3A_383, %dma_wait3A_384] : memref<25x80xi32, #tpu.memory_space<vmem>> -> memref<1x80xi32, #tpu.memory_space<vmem>>
      %dma_wait3A_386 = tpu.memref_squeeze %dma_wait3A_385 : memref<1x80xi32, #tpu.memory_space<vmem>> -> memref<80xi32, #tpu.memory_space<vmem>>
      %dma_wait3A_387 = arith.constant 0 : i32
      %dma_wait3A_388 = arith.constant 0 : i32
      %dma_wait3A_389 = tpu.memref_slice %arg2[%dma_wait3A_387, %dma_wait3A_388] : memref<10000x128xf32, #tpu.memory_space<hbm>> -> memref<10000x128xf32, #tpu.memory_space<hbm>>
      tpu.wait_indirect_dma semaphore(%arg14 : memref<!tpu.dma_semaphore, #tpu.memory_space<semaphore_mem>>) src(%dma_wait3A_389 : memref<10000x128xf32, #tpu.memory_space<hbm>>) dst(%arg9 : memref<80x128xf32, #tpu.memory_space<vmem>>)
      %dma_start3A_390 = arith.constant 12 : i32
      %dma_start3A_391 = arith.constant 0 : i32
      %dma_start3A_392 = tpu.memref_slice %arg8[%dma_start3A_390, %dma_start3A_391] : memref<25x80xi32, #tpu.memory_space<vmem>> -> memref<1x80xi32, #tpu.memory_space<vmem>>
      %dma_start3A_393 = tpu.memref_squeeze %dma_start3A_392 : memref<1x80xi32, #tpu.memory_space<vmem>> -> memref<80xi32, #tpu.memory_space<vmem>>
      %dma_start3A_394 = arith.constant 0 : i32
      %dma_start3A_395 = arith.constant 0 : i32
      %dma_start3A_396 = tpu.memref_slice %arg13[%dma_start3A_394, %dma_start3A_395] : memref<10240x128xf32, #tpu.memory_space<vmem_shared>> -> memref<10240x128xf32, #tpu.memory_space<vmem_shared>>
      tpu.enqueue_indirect_dma source(%arg9 : memref<80x128xf32, #tpu.memory_space<vmem>>) target(%dma_start3A_396 : memref<10240x128xf32, #tpu.memory_space<vmem_shared>>) offsets(%dma_start3A_393 : memref<80xi32, #tpu.memory_space<vmem>>) semaphore(%arg18 : memref<!tpu.dma_semaphore, #tpu.memory_space<semaphore_mem>>) {add = true}
      %dma_wait3A_397 = arith.constant 11 : i32
      %dma_wait3A_398 = arith.constant 0 : i32
      %dma_wait3A_399 = tpu.memref_slice %arg8[%dma_wait3A_397, %dma_wait3A_398] : memref<25x80xi32, #tpu.memory_space<vmem>> -> memref<1x80xi32, #tpu.memory_space<vmem>>
      %dma_wait3A_400 = tpu.memref_squeeze %dma_wait3A_399 : memref<1x80xi32, #tpu.memory_space<vmem>> -> memref<80xi32, #tpu.memory_space<vmem>>
      %dma_wait3A_401 = arith.constant 0 : i32
      %dma_wait3A_402 = arith.constant 0 : i32
      %dma_wait3A_403 = tpu.memref_slice %arg13[%dma_wait3A_401, %dma_wait3A_402] : memref<10240x128xf32, #tpu.memory_space<vmem_shared>> -> memref<10240x128xf32, #tpu.memory_space<vmem_shared>>
      tpu.wait_indirect_dma semaphore(%arg21 : memref<!tpu.dma_semaphore, #tpu.memory_space<semaphore_mem>>) src(%arg12 : memref<80x128xf32, #tpu.memory_space<vmem>>) dst(%dma_wait3A_403 : memref<10240x128xf32, #tpu.memory_space<vmem_shared>>)
      %dma_start3A_404 = arith.constant 15 : i32
      %dma_start3A_405 = arith.constant 0 : i32
      %dma_start3A_406 = tpu.memref_slice %arg7[%dma_start3A_404, %dma_start3A_405] : memref<25x80xi32, #tpu.memory_space<vmem>> -> memref<1x80xi32, #tpu.memory_space<vmem>>
      %dma_start3A_407 = tpu.memref_squeeze %dma_start3A_406 : memref<1x80xi32, #tpu.memory_space<vmem>> -> memref<80xi32, #tpu.memory_space<vmem>>
      %dma_start3A_408 = arith.constant 0 : i32
      %dma_start3A_409 = arith.constant 0 : i32
      %dma_start3A_410 = tpu.memref_slice %arg2[%dma_start3A_408, %dma_start3A_409] : memref<10000x128xf32, #tpu.memory_space<hbm>> -> memref<10000x128xf32, #tpu.memory_space<hbm>>
      tpu.enqueue_indirect_dma source(%dma_start3A_410 : memref<10000x128xf32, #tpu.memory_space<hbm>>) target(%arg12 : memref<80x128xf32, #tpu.memory_space<vmem>>) offsets(%dma_start3A_407 : memref<80xi32, #tpu.memory_space<vmem>>) semaphore(%arg17 : memref<!tpu.dma_semaphore, #tpu.memory_space<semaphore_mem>>)
      %dma_wait3A_411 = arith.constant 13 : i32
      %dma_wait3A_412 = arith.constant 0 : i32
      %dma_wait3A_413 = tpu.memref_slice %arg7[%dma_wait3A_411, %dma_wait3A_412] : memref<25x80xi32, #tpu.memory_space<vmem>> -> memref<1x80xi32, #tpu.memory_space<vmem>>
      %dma_wait3A_414 = tpu.memref_squeeze %dma_wait3A_413 : memref<1x80xi32, #tpu.memory_space<vmem>> -> memref<80xi32, #tpu.memory_space<vmem>>
      %dma_wait3A_415 = arith.constant 0 : i32
      %dma_wait3A_416 = arith.constant 0 : i32
      %dma_wait3A_417 = tpu.memref_slice %arg2[%dma_wait3A_415, %dma_wait3A_416] : memref<10000x128xf32, #tpu.memory_space<hbm>> -> memref<10000x128xf32, #tpu.memory_space<hbm>>
      tpu.wait_indirect_dma semaphore(%arg15 : memref<!tpu.dma_semaphore, #tpu.memory_space<semaphore_mem>>) src(%dma_wait3A_417 : memref<10000x128xf32, #tpu.memory_space<hbm>>) dst(%arg10 : memref<80x128xf32, #tpu.memory_space<vmem>>)
      %dma_start3A_418 = arith.constant 13 : i32
      %dma_start3A_419 = arith.constant 0 : i32
      %dma_start3A_420 = tpu.memref_slice %arg8[%dma_start3A_418, %dma_start3A_419] : memref<25x80xi32, #tpu.memory_space<vmem>> -> memref<1x80xi32, #tpu.memory_space<vmem>>
      %dma_start3A_421 = tpu.memref_squeeze %dma_start3A_420 : memref<1x80xi32, #tpu.memory_space<vmem>> -> memref<80xi32, #tpu.memory_space<vmem>>
      %dma_start3A_422 = arith.constant 0 : i32
      %dma_start3A_423 = arith.constant 0 : i32
      %dma_start3A_424 = tpu.memref_slice %arg13[%dma_start3A_422, %dma_start3A_423] : memref<10240x128xf32, #tpu.memory_space<vmem_shared>> -> memref<10240x128xf32, #tpu.memory_space<vmem_shared>>
      tpu.enqueue_indirect_dma source(%arg10 : memref<80x128xf32, #tpu.memory_space<vmem>>) target(%dma_start3A_424 : memref<10240x128xf32, #tpu.memory_space<vmem_shared>>) offsets(%dma_start3A_421 : memref<80xi32, #tpu.memory_space<vmem>>) semaphore(%arg19 : memref<!tpu.dma_semaphore, #tpu.memory_space<semaphore_mem>>) {add = true}
      %dma_wait3A_425 = arith.constant 12 : i32
      %dma_wait3A_426 = arith.constant 0 : i32
      %dma_wait3A_427 = tpu.memref_slice %arg8[%dma_wait3A_425, %dma_wait3A_426] : memref<25x80xi32, #tpu.memory_space<vmem>> -> memref<1x80xi32, #tpu.memory_space<vmem>>
      %dma_wait3A_428 = tpu.memref_squeeze %dma_wait3A_427 : memref<1x80xi32, #tpu.memory_space<vmem>> -> memref<80xi32, #tpu.memory_space<vmem>>
      %dma_wait3A_429 = arith.constant 0 : i32
      %dma_wait3A_430 = arith.constant 0 : i32
      %dma_wait3A_431 = tpu.memref_slice %arg13[%dma_wait3A_429, %dma_wait3A_430] : memref<10240x128xf32, #tpu.memory_space<vmem_shared>> -> memref<10240x128xf32, #tpu.memory_space<vmem_shared>>
      tpu.wait_indirect_dma semaphore(%arg18 : memref<!tpu.dma_semaphore, #tpu.memory_space<semaphore_mem>>) src(%arg9 : memref<80x128xf32, #tpu.memory_space<vmem>>) dst(%dma_wait3A_431 : memref<10240x128xf32, #tpu.memory_space<vmem_shared>>)
      %dma_start3A_432 = arith.constant 16 : i32
      %dma_start3A_433 = arith.constant 0 : i32
      %dma_start3A_434 = tpu.memref_slice %arg7[%dma_start3A_432, %dma_start3A_433] : memref<25x80xi32, #tpu.memory_space<vmem>> -> memref<1x80xi32, #tpu.memory_space<vmem>>
      %dma_start3A_435 = tpu.memref_squeeze %dma_start3A_434 : memref<1x80xi32, #tpu.memory_space<vmem>> -> memref<80xi32, #tpu.memory_space<vmem>>
      %dma_start3A_436 = arith.constant 0 : i32
      %dma_start3A_437 = arith.constant 0 : i32
      %dma_start3A_438 = tpu.memref_slice %arg2[%dma_start3A_436, %dma_start3A_437] : memref<10000x128xf32, #tpu.memory_space<hbm>> -> memref<10000x128xf32, #tpu.memory_space<hbm>>
      tpu.enqueue_indirect_dma source(%dma_start3A_438 : memref<10000x128xf32, #tpu.memory_space<hbm>>) target(%arg9 : memref<80x128xf32, #tpu.memory_space<vmem>>) offsets(%dma_start3A_435 : memref<80xi32, #tpu.memory_space<vmem>>) semaphore(%arg14 : memref<!tpu.dma_semaphore, #tpu.memory_space<semaphore_mem>>)
      %dma_wait3A_439 = arith.constant 14 : i32
      %dma_wait3A_440 = arith.constant 0 : i32
      %dma_wait3A_441 = tpu.memref_slice %arg7[%dma_wait3A_439, %dma_wait3A_440] : memref<25x80xi32, #tpu.memory_space<vmem>> -> memref<1x80xi32, #tpu.memory_space<vmem>>
      %dma_wait3A_442 = tpu.memref_squeeze %dma_wait3A_441 : memref<1x80xi32, #tpu.memory_space<vmem>> -> memref<80xi32, #tpu.memory_space<vmem>>
      %dma_wait3A_443 = arith.constant 0 : i32
      %dma_wait3A_444 = arith.constant 0 : i32
      %dma_wait3A_445 = tpu.memref_slice %arg2[%dma_wait3A_443, %dma_wait3A_444] : memref<10000x128xf32, #tpu.memory_space<hbm>> -> memref<10000x128xf32, #tpu.memory_space<hbm>>
      tpu.wait_indirect_dma semaphore(%arg16 : memref<!tpu.dma_semaphore, #tpu.memory_space<semaphore_mem>>) src(%dma_wait3A_445 : memref<10000x128xf32, #tpu.memory_space<hbm>>) dst(%arg11 : memref<80x128xf32, #tpu.memory_space<vmem>>)
      %dma_start3A_446 = arith.constant 14 : i32
      %dma_start3A_447 = arith.constant 0 : i32
      %dma_start3A_448 = tpu.memref_slice %arg8[%dma_start3A_446, %dma_start3A_447] : memref<25x80xi32, #tpu.memory_space<vmem>> -> memref<1x80xi32, #tpu.memory_space<vmem>>
      %dma_start3A_449 = tpu.memref_squeeze %dma_start3A_448 : memref<1x80xi32, #tpu.memory_space<vmem>> -> memref<80xi32, #tpu.memory_space<vmem>>
      %dma_start3A_450 = arith.constant 0 : i32
      %dma_start3A_451 = arith.constant 0 : i32
      %dma_start3A_452 = tpu.memref_slice %arg13[%dma_start3A_450, %dma_start3A_451] : memref<10240x128xf32, #tpu.memory_space<vmem_shared>> -> memref<10240x128xf32, #tpu.memory_space<vmem_shared>>
      tpu.enqueue_indirect_dma source(%arg11 : memref<80x128xf32, #tpu.memory_space<vmem>>) target(%dma_start3A_452 : memref<10240x128xf32, #tpu.memory_space<vmem_shared>>) offsets(%dma_start3A_449 : memref<80xi32, #tpu.memory_space<vmem>>) semaphore(%arg20 : memref<!tpu.dma_semaphore, #tpu.memory_space<semaphore_mem>>) {add = true}
      %dma_wait3A_453 = arith.constant 13 : i32
      %dma_wait3A_454 = arith.constant 0 : i32
      %dma_wait3A_455 = tpu.memref_slice %arg8[%dma_wait3A_453, %dma_wait3A_454] : memref<25x80xi32, #tpu.memory_space<vmem>> -> memref<1x80xi32, #tpu.memory_space<vmem>>
      %dma_wait3A_456 = tpu.memref_squeeze %dma_wait3A_455 : memref<1x80xi32, #tpu.memory_space<vmem>> -> memref<80xi32, #tpu.memory_space<vmem>>
      %dma_wait3A_457 = arith.constant 0 : i32
      %dma_wait3A_458 = arith.constant 0 : i32
      %dma_wait3A_459 = tpu.memref_slice %arg13[%dma_wait3A_457, %dma_wait3A_458] : memref<10240x128xf32, #tpu.memory_space<vmem_shared>> -> memref<10240x128xf32, #tpu.memory_space<vmem_shared>>
      tpu.wait_indirect_dma semaphore(%arg19 : memref<!tpu.dma_semaphore, #tpu.memory_space<semaphore_mem>>) src(%arg10 : memref<80x128xf32, #tpu.memory_space<vmem>>) dst(%dma_wait3A_459 : memref<10240x128xf32, #tpu.memory_space<vmem_shared>>)
      %dma_start3A_460 = arith.constant 17 : i32
      %dma_start3A_461 = arith.constant 0 : i32
      %dma_start3A_462 = tpu.memref_slice %arg7[%dma_start3A_460, %dma_start3A_461] : memref<25x80xi32, #tpu.memory_space<vmem>> -> memref<1x80xi32, #tpu.memory_space<vmem>>
      %dma_start3A_463 = tpu.memref_squeeze %dma_start3A_462 : memref<1x80xi32, #tpu.memory_space<vmem>> -> memref<80xi32, #tpu.memory_space<vmem>>
      %dma_start3A_464 = arith.constant 0 : i32
      %dma_start3A_465 = arith.constant 0 : i32
      %dma_start3A_466 = tpu.memref_slice %arg2[%dma_start3A_464, %dma_start3A_465] : memref<10000x128xf32, #tpu.memory_space<hbm>> -> memref<10000x128xf32, #tpu.memory_space<hbm>>
      tpu.enqueue_indirect_dma source(%dma_start3A_466 : memref<10000x128xf32, #tpu.memory_space<hbm>>) target(%arg10 : memref<80x128xf32, #tpu.memory_space<vmem>>) offsets(%dma_start3A_463 : memref<80xi32, #tpu.memory_space<vmem>>) semaphore(%arg15 : memref<!tpu.dma_semaphore, #tpu.memory_space<semaphore_mem>>)
      %dma_wait3A_467 = arith.constant 15 : i32
      %dma_wait3A_468 = arith.constant 0 : i32
      %dma_wait3A_469 = tpu.memref_slice %arg7[%dma_wait3A_467, %dma_wait3A_468] : memref<25x80xi32, #tpu.memory_space<vmem>> -> memref<1x80xi32, #tpu.memory_space<vmem>>
      %dma_wait3A_470 = tpu.memref_squeeze %dma_wait3A_469 : memref<1x80xi32, #tpu.memory_space<vmem>> -> memref<80xi32, #tpu.memory_space<vmem>>
      %dma_wait3A_471 = arith.constant 0 : i32
      %dma_wait3A_472 = arith.constant 0 : i32
      %dma_wait3A_473 = tpu.memref_slice %arg2[%dma_wait3A_471, %dma_wait3A_472] : memref<10000x128xf32, #tpu.memory_space<hbm>> -> memref<10000x128xf32, #tpu.memory_space<hbm>>
      tpu.wait_indirect_dma semaphore(%arg17 : memref<!tpu.dma_semaphore, #tpu.memory_space<semaphore_mem>>) src(%dma_wait3A_473 : memref<10000x128xf32, #tpu.memory_space<hbm>>) dst(%arg12 : memref<80x128xf32, #tpu.memory_space<vmem>>)
      %dma_start3A_474 = arith.constant 15 : i32
      %dma_start3A_475 = arith.constant 0 : i32
      %dma_start3A_476 = tpu.memref_slice %arg8[%dma_start3A_474, %dma_start3A_475] : memref<25x80xi32, #tpu.memory_space<vmem>> -> memref<1x80xi32, #tpu.memory_space<vmem>>
      %dma_start3A_477 = tpu.memref_squeeze %dma_start3A_476 : memref<1x80xi32, #tpu.memory_space<vmem>> -> memref<80xi32, #tpu.memory_space<vmem>>
      %dma_start3A_478 = arith.constant 0 : i32
      %dma_start3A_479 = arith.constant 0 : i32
      %dma_start3A_480 = tpu.memref_slice %arg13[%dma_start3A_478, %dma_start3A_479] : memref<10240x128xf32, #tpu.memory_space<vmem_shared>> -> memref<10240x128xf32, #tpu.memory_space<vmem_shared>>
      tpu.enqueue_indirect_dma source(%arg12 : memref<80x128xf32, #tpu.memory_space<vmem>>) target(%dma_start3A_480 : memref<10240x128xf32, #tpu.memory_space<vmem_shared>>) offsets(%dma_start3A_477 : memref<80xi32, #tpu.memory_space<vmem>>) semaphore(%arg21 : memref<!tpu.dma_semaphore, #tpu.memory_space<semaphore_mem>>) {add = true}
      %dma_wait3A_481 = arith.constant 14 : i32
      %dma_wait3A_482 = arith.constant 0 : i32
      %dma_wait3A_483 = tpu.memref_slice %arg8[%dma_wait3A_481, %dma_wait3A_482] : memref<25x80xi32, #tpu.memory_space<vmem>> -> memref<1x80xi32, #tpu.memory_space<vmem>>
      %dma_wait3A_484 = tpu.memref_squeeze %dma_wait3A_483 : memref<1x80xi32, #tpu.memory_space<vmem>> -> memref<80xi32, #tpu.memory_space<vmem>>
      %dma_wait3A_485 = arith.constant 0 : i32
      %dma_wait3A_486 = arith.constant 0 : i32
      %dma_wait3A_487 = tpu.memref_slice %arg13[%dma_wait3A_485, %dma_wait3A_486] : memref<10240x128xf32, #tpu.memory_space<vmem_shared>> -> memref<10240x128xf32, #tpu.memory_space<vmem_shared>>
      tpu.wait_indirect_dma semaphore(%arg20 : memref<!tpu.dma_semaphore, #tpu.memory_space<semaphore_mem>>) src(%arg11 : memref<80x128xf32, #tpu.memory_space<vmem>>) dst(%dma_wait3A_487 : memref<10240x128xf32, #tpu.memory_space<vmem_shared>>)
      %dma_start3A_488 = arith.constant 18 : i32
      %dma_start3A_489 = arith.constant 0 : i32
      %dma_start3A_490 = tpu.memref_slice %arg7[%dma_start3A_488, %dma_start3A_489] : memref<25x80xi32, #tpu.memory_space<vmem>> -> memref<1x80xi32, #tpu.memory_space<vmem>>
      %dma_start3A_491 = tpu.memref_squeeze %dma_start3A_490 : memref<1x80xi32, #tpu.memory_space<vmem>> -> memref<80xi32, #tpu.memory_space<vmem>>
      %dma_start3A_492 = arith.constant 0 : i32
      %dma_start3A_493 = arith.constant 0 : i32
      %dma_start3A_494 = tpu.memref_slice %arg2[%dma_start3A_492, %dma_start3A_493] : memref<10000x128xf32, #tpu.memory_space<hbm>> -> memref<10000x128xf32, #tpu.memory_space<hbm>>
      tpu.enqueue_indirect_dma source(%dma_start3A_494 : memref<10000x128xf32, #tpu.memory_space<hbm>>) target(%arg11 : memref<80x128xf32, #tpu.memory_space<vmem>>) offsets(%dma_start3A_491 : memref<80xi32, #tpu.memory_space<vmem>>) semaphore(%arg16 : memref<!tpu.dma_semaphore, #tpu.memory_space<semaphore_mem>>)
      %dma_wait3A_495 = arith.constant 16 : i32
      %dma_wait3A_496 = arith.constant 0 : i32
      %dma_wait3A_497 = tpu.memref_slice %arg7[%dma_wait3A_495, %dma_wait3A_496] : memref<25x80xi32, #tpu.memory_space<vmem>> -> memref<1x80xi32, #tpu.memory_space<vmem>>
      %dma_wait3A_498 = tpu.memref_squeeze %dma_wait3A_497 : memref<1x80xi32, #tpu.memory_space<vmem>> -> memref<80xi32, #tpu.memory_space<vmem>>
      %dma_wait3A_499 = arith.constant 0 : i32
      %dma_wait3A_500 = arith.constant 0 : i32
      %dma_wait3A_501 = tpu.memref_slice %arg2[%dma_wait3A_499, %dma_wait3A_500] : memref<10000x128xf32, #tpu.memory_space<hbm>> -> memref<10000x128xf32, #tpu.memory_space<hbm>>
      tpu.wait_indirect_dma semaphore(%arg14 : memref<!tpu.dma_semaphore, #tpu.memory_space<semaphore_mem>>) src(%dma_wait3A_501 : memref<10000x128xf32, #tpu.memory_space<hbm>>) dst(%arg9 : memref<80x128xf32, #tpu.memory_space<vmem>>)
      %dma_start3A_502 = arith.constant 16 : i32
      %dma_start3A_503 = arith.constant 0 : i32
      %dma_start3A_504 = tpu.memref_slice %arg8[%dma_start3A_502, %dma_start3A_503] : memref<25x80xi32, #tpu.memory_space<vmem>> -> memref<1x80xi32, #tpu.memory_space<vmem>>
      %dma_start3A_505 = tpu.memref_squeeze %dma_start3A_504 : memref<1x80xi32, #tpu.memory_space<vmem>> -> memref<80xi32, #tpu.memory_space<vmem>>
      %dma_start3A_506 = arith.constant 0 : i32
      %dma_start3A_507 = arith.constant 0 : i32
      %dma_start3A_508 = tpu.memref_slice %arg13[%dma_start3A_506, %dma_start3A_507] : memref<10240x128xf32, #tpu.memory_space<vmem_shared>> -> memref<10240x128xf32, #tpu.memory_space<vmem_shared>>
      tpu.enqueue_indirect_dma source(%arg9 : memref<80x128xf32, #tpu.memory_space<vmem>>) target(%dma_start3A_508 : memref<10240x128xf32, #tpu.memory_space<vmem_shared>>) offsets(%dma_start3A_505 : memref<80xi32, #tpu.memory_space<vmem>>) semaphore(%arg18 : memref<!tpu.dma_semaphore, #tpu.memory_space<semaphore_mem>>) {add = true}
      %dma_wait3A_509 = arith.constant 15 : i32
      %dma_wait3A_510 = arith.constant 0 : i32
      %dma_wait3A_511 = tpu.memref_slice %arg8[%dma_wait3A_509, %dma_wait3A_510] : memref<25x80xi32, #tpu.memory_space<vmem>> -> memref<1x80xi32, #tpu.memory_space<vmem>>
      %dma_wait3A_512 = tpu.memref_squeeze %dma_wait3A_511 : memref<1x80xi32, #tpu.memory_space<vmem>> -> memref<80xi32, #tpu.memory_space<vmem>>
      %dma_wait3A_513 = arith.constant 0 : i32
      %dma_wait3A_514 = arith.constant 0 : i32
      %dma_wait3A_515 = tpu.memref_slice %arg13[%dma_wait3A_513, %dma_wait3A_514] : memref<10240x128xf32, #tpu.memory_space<vmem_shared>> -> memref<10240x128xf32, #tpu.memory_space<vmem_shared>>
      tpu.wait_indirect_dma semaphore(%arg21 : memref<!tpu.dma_semaphore, #tpu.memory_space<semaphore_mem>>) src(%arg12 : memref<80x128xf32, #tpu.memory_space<vmem>>) dst(%dma_wait3A_515 : memref<10240x128xf32, #tpu.memory_space<vmem_shared>>)
      %dma_start3A_516 = arith.constant 19 : i32
      %dma_start3A_517 = arith.constant 0 : i32
      %dma_start3A_518 = tpu.memref_slice %arg7[%dma_start3A_516, %dma_start3A_517] : memref<25x80xi32, #tpu.memory_space<vmem>> -> memref<1x80xi32, #tpu.memory_space<vmem>>
      %dma_start3A_519 = tpu.memref_squeeze %dma_start3A_518 : memref<1x80xi32, #tpu.memory_space<vmem>> -> memref<80xi32, #tpu.memory_space<vmem>>
      %dma_start3A_520 = arith.constant 0 : i32
      %dma_start3A_521 = arith.constant 0 : i32
      %dma_start3A_522 = tpu.memref_slice %arg2[%dma_start3A_520, %dma_start3A_521] : memref<10000x128xf32, #tpu.memory_space<hbm>> -> memref<10000x128xf32, #tpu.memory_space<hbm>>
      tpu.enqueue_indirect_dma source(%dma_start3A_522 : memref<10000x128xf32, #tpu.memory_space<hbm>>) target(%arg12 : memref<80x128xf32, #tpu.memory_space<vmem>>) offsets(%dma_start3A_519 : memref<80xi32, #tpu.memory_space<vmem>>) semaphore(%arg17 : memref<!tpu.dma_semaphore, #tpu.memory_space<semaphore_mem>>)
      %dma_wait3A_523 = arith.constant 17 : i32
      %dma_wait3A_524 = arith.constant 0 : i32
      %dma_wait3A_525 = tpu.memref_slice %arg7[%dma_wait3A_523, %dma_wait3A_524] : memref<25x80xi32, #tpu.memory_space<vmem>> -> memref<1x80xi32, #tpu.memory_space<vmem>>
      %dma_wait3A_526 = tpu.memref_squeeze %dma_wait3A_525 : memref<1x80xi32, #tpu.memory_space<vmem>> -> memref<80xi32, #tpu.memory_space<vmem>>
      %dma_wait3A_527 = arith.constant 0 : i32
      %dma_wait3A_528 = arith.constant 0 : i32
      %dma_wait3A_529 = tpu.memref_slice %arg2[%dma_wait3A_527, %dma_wait3A_528] : memref<10000x128xf32, #tpu.memory_space<hbm>> -> memref<10000x128xf32, #tpu.memory_space<hbm>>
      tpu.wait_indirect_dma semaphore(%arg15 : memref<!tpu.dma_semaphore, #tpu.memory_space<semaphore_mem>>) src(%dma_wait3A_529 : memref<10000x128xf32, #tpu.memory_space<hbm>>) dst(%arg10 : memref<80x128xf32, #tpu.memory_space<vmem>>)
      %dma_start3A_530 = arith.constant 17 : i32
      %dma_start3A_531 = arith.constant 0 : i32
      %dma_start3A_532 = tpu.memref_slice %arg8[%dma_start3A_530, %dma_start3A_531] : memref<25x80xi32, #tpu.memory_space<vmem>> -> memref<1x80xi32, #tpu.memory_space<vmem>>
      %dma_start3A_533 = tpu.memref_squeeze %dma_start3A_532 : memref<1x80xi32, #tpu.memory_space<vmem>> -> memref<80xi32, #tpu.memory_space<vmem>>
      %dma_start3A_534 = arith.constant 0 : i32
      %dma_start3A_535 = arith.constant 0 : i32
      %dma_start3A_536 = tpu.memref_slice %arg13[%dma_start3A_534, %dma_start3A_535] : memref<10240x128xf32, #tpu.memory_space<vmem_shared>> -> memref<10240x128xf32, #tpu.memory_space<vmem_shared>>
      tpu.enqueue_indirect_dma source(%arg10 : memref<80x128xf32, #tpu.memory_space<vmem>>) target(%dma_start3A_536 : memref<10240x128xf32, #tpu.memory_space<vmem_shared>>) offsets(%dma_start3A_533 : memref<80xi32, #tpu.memory_space<vmem>>) semaphore(%arg19 : memref<!tpu.dma_semaphore, #tpu.memory_space<semaphore_mem>>) {add = true}
      %dma_wait3A_537 = arith.constant 16 : i32
      %dma_wait3A_538 = arith.constant 0 : i32
      %dma_wait3A_539 = tpu.memref_slice %arg8[%dma_wait3A_537, %dma_wait3A_538] : memref<25x80xi32, #tpu.memory_space<vmem>> -> memref<1x80xi32, #tpu.memory_space<vmem>>
      %dma_wait3A_540 = tpu.memref_squeeze %dma_wait3A_539 : memref<1x80xi32, #tpu.memory_space<vmem>> -> memref<80xi32, #tpu.memory_space<vmem>>
      %dma_wait3A_541 = arith.constant 0 : i32
      %dma_wait3A_542 = arith.constant 0 : i32
      %dma_wait3A_543 = tpu.memref_slice %arg13[%dma_wait3A_541, %dma_wait3A_542] : memref<10240x128xf32, #tpu.memory_space<vmem_shared>> -> memref<10240x128xf32, #tpu.memory_space<vmem_shared>>
      tpu.wait_indirect_dma semaphore(%arg18 : memref<!tpu.dma_semaphore, #tpu.memory_space<semaphore_mem>>) src(%arg9 : memref<80x128xf32, #tpu.memory_space<vmem>>) dst(%dma_wait3A_543 : memref<10240x128xf32, #tpu.memory_space<vmem_shared>>)
      %dma_start3A_544 = arith.constant 20 : i32
      %dma_start3A_545 = arith.constant 0 : i32
      %dma_start3A_546 = tpu.memref_slice %arg7[%dma_start3A_544, %dma_start3A_545] : memref<25x80xi32, #tpu.memory_space<vmem>> -> memref<1x80xi32, #tpu.memory_space<vmem>>
      %dma_start3A_547 = tpu.memref_squeeze %dma_start3A_546 : memref<1x80xi32, #tpu.memory_space<vmem>> -> memref<80xi32, #tpu.memory_space<vmem>>
      %dma_start3A_548 = arith.constant 0 : i32
      %dma_start3A_549 = arith.constant 0 : i32
      %dma_start3A_550 = tpu.memref_slice %arg2[%dma_start3A_548, %dma_start3A_549] : memref<10000x128xf32, #tpu.memory_space<hbm>> -> memref<10000x128xf32, #tpu.memory_space<hbm>>
      tpu.enqueue_indirect_dma source(%dma_start3A_550 : memref<10000x128xf32, #tpu.memory_space<hbm>>) target(%arg9 : memref<80x128xf32, #tpu.memory_space<vmem>>) offsets(%dma_start3A_547 : memref<80xi32, #tpu.memory_space<vmem>>) semaphore(%arg14 : memref<!tpu.dma_semaphore, #tpu.memory_space<semaphore_mem>>)
      %dma_wait3A_551 = arith.constant 18 : i32
      %dma_wait3A_552 = arith.constant 0 : i32
      %dma_wait3A_553 = tpu.memref_slice %arg7[%dma_wait3A_551, %dma_wait3A_552] : memref<25x80xi32, #tpu.memory_space<vmem>> -> memref<1x80xi32, #tpu.memory_space<vmem>>
      %dma_wait3A_554 = tpu.memref_squeeze %dma_wait3A_553 : memref<1x80xi32, #tpu.memory_space<vmem>> -> memref<80xi32, #tpu.memory_space<vmem>>
      %dma_wait3A_555 = arith.constant 0 : i32
      %dma_wait3A_556 = arith.constant 0 : i32
      %dma_wait3A_557 = tpu.memref_slice %arg2[%dma_wait3A_555, %dma_wait3A_556] : memref<10000x128xf32, #tpu.memory_space<hbm>> -> memref<10000x128xf32, #tpu.memory_space<hbm>>
      tpu.wait_indirect_dma semaphore(%arg16 : memref<!tpu.dma_semaphore, #tpu.memory_space<semaphore_mem>>) src(%dma_wait3A_557 : memref<10000x128xf32, #tpu.memory_space<hbm>>) dst(%arg11 : memref<80x128xf32, #tpu.memory_space<vmem>>)
      %dma_start3A_558 = arith.constant 18 : i32
      %dma_start3A_559 = arith.constant 0 : i32
      %dma_start3A_560 = tpu.memref_slice %arg8[%dma_start3A_558, %dma_start3A_559] : memref<25x80xi32, #tpu.memory_space<vmem>> -> memref<1x80xi32, #tpu.memory_space<vmem>>
      %dma_start3A_561 = tpu.memref_squeeze %dma_start3A_560 : memref<1x80xi32, #tpu.memory_space<vmem>> -> memref<80xi32, #tpu.memory_space<vmem>>
      %dma_start3A_562 = arith.constant 0 : i32
      %dma_start3A_563 = arith.constant 0 : i32
      %dma_start3A_564 = tpu.memref_slice %arg13[%dma_start3A_562, %dma_start3A_563] : memref<10240x128xf32, #tpu.memory_space<vmem_shared>> -> memref<10240x128xf32, #tpu.memory_space<vmem_shared>>
      tpu.enqueue_indirect_dma source(%arg11 : memref<80x128xf32, #tpu.memory_space<vmem>>) target(%dma_start3A_564 : memref<10240x128xf32, #tpu.memory_space<vmem_shared>>) offsets(%dma_start3A_561 : memref<80xi32, #tpu.memory_space<vmem>>) semaphore(%arg20 : memref<!tpu.dma_semaphore, #tpu.memory_space<semaphore_mem>>) {add = true}
      %dma_wait3A_565 = arith.constant 17 : i32
      %dma_wait3A_566 = arith.constant 0 : i32
      %dma_wait3A_567 = tpu.memref_slice %arg8[%dma_wait3A_565, %dma_wait3A_566] : memref<25x80xi32, #tpu.memory_space<vmem>> -> memref<1x80xi32, #tpu.memory_space<vmem>>
      %dma_wait3A_568 = tpu.memref_squeeze %dma_wait3A_567 : memref<1x80xi32, #tpu.memory_space<vmem>> -> memref<80xi32, #tpu.memory_space<vmem>>
      %dma_wait3A_569 = arith.constant 0 : i32
      %dma_wait3A_570 = arith.constant 0 : i32
      %dma_wait3A_571 = tpu.memref_slice %arg13[%dma_wait3A_569, %dma_wait3A_570] : memref<10240x128xf32, #tpu.memory_space<vmem_shared>> -> memref<10240x128xf32, #tpu.memory_space<vmem_shared>>
      tpu.wait_indirect_dma semaphore(%arg19 : memref<!tpu.dma_semaphore, #tpu.memory_space<semaphore_mem>>) src(%arg10 : memref<80x128xf32, #tpu.memory_space<vmem>>) dst(%dma_wait3A_571 : memref<10240x128xf32, #tpu.memory_space<vmem_shared>>)
      %dma_start3A_572 = arith.constant 21 : i32
      %dma_start3A_573 = arith.constant 0 : i32
      %dma_start3A_574 = tpu.memref_slice %arg7[%dma_start3A_572, %dma_start3A_573] : memref<25x80xi32, #tpu.memory_space<vmem>> -> memref<1x80xi32, #tpu.memory_space<vmem>>
      %dma_start3A_575 = tpu.memref_squeeze %dma_start3A_574 : memref<1x80xi32, #tpu.memory_space<vmem>> -> memref<80xi32, #tpu.memory_space<vmem>>
      %dma_start3A_576 = arith.constant 0 : i32
      %dma_start3A_577 = arith.constant 0 : i32
      %dma_start3A_578 = tpu.memref_slice %arg2[%dma_start3A_576, %dma_start3A_577] : memref<10000x128xf32, #tpu.memory_space<hbm>> -> memref<10000x128xf32, #tpu.memory_space<hbm>>
      tpu.enqueue_indirect_dma source(%dma_start3A_578 : memref<10000x128xf32, #tpu.memory_space<hbm>>) target(%arg10 : memref<80x128xf32, #tpu.memory_space<vmem>>) offsets(%dma_start3A_575 : memref<80xi32, #tpu.memory_space<vmem>>) semaphore(%arg15 : memref<!tpu.dma_semaphore, #tpu.memory_space<semaphore_mem>>)
      %dma_wait3A_579 = arith.constant 19 : i32
      %dma_wait3A_580 = arith.constant 0 : i32
      %dma_wait3A_581 = tpu.memref_slice %arg7[%dma_wait3A_579, %dma_wait3A_580] : memref<25x80xi32, #tpu.memory_space<vmem>> -> memref<1x80xi32, #tpu.memory_space<vmem>>
      %dma_wait3A_582 = tpu.memref_squeeze %dma_wait3A_581 : memref<1x80xi32, #tpu.memory_space<vmem>> -> memref<80xi32, #tpu.memory_space<vmem>>
      %dma_wait3A_583 = arith.constant 0 : i32
      %dma_wait3A_584 = arith.constant 0 : i32
      %dma_wait3A_585 = tpu.memref_slice %arg2[%dma_wait3A_583, %dma_wait3A_584] : memref<10000x128xf32, #tpu.memory_space<hbm>> -> memref<10000x128xf32, #tpu.memory_space<hbm>>
      tpu.wait_indirect_dma semaphore(%arg17 : memref<!tpu.dma_semaphore, #tpu.memory_space<semaphore_mem>>) src(%dma_wait3A_585 : memref<10000x128xf32, #tpu.memory_space<hbm>>) dst(%arg12 : memref<80x128xf32, #tpu.memory_space<vmem>>)
      %dma_start3A_586 = arith.constant 19 : i32
      %dma_start3A_587 = arith.constant 0 : i32
      %dma_start3A_588 = tpu.memref_slice %arg8[%dma_start3A_586, %dma_start3A_587] : memref<25x80xi32, #tpu.memory_space<vmem>> -> memref<1x80xi32, #tpu.memory_space<vmem>>
      %dma_start3A_589 = tpu.memref_squeeze %dma_start3A_588 : memref<1x80xi32, #tpu.memory_space<vmem>> -> memref<80xi32, #tpu.memory_space<vmem>>
      %dma_start3A_590 = arith.constant 0 : i32
      %dma_start3A_591 = arith.constant 0 : i32
      %dma_start3A_592 = tpu.memref_slice %arg13[%dma_start3A_590, %dma_start3A_591] : memref<10240x128xf32, #tpu.memory_space<vmem_shared>> -> memref<10240x128xf32, #tpu.memory_space<vmem_shared>>
      tpu.enqueue_indirect_dma source(%arg12 : memref<80x128xf32, #tpu.memory_space<vmem>>) target(%dma_start3A_592 : memref<10240x128xf32, #tpu.memory_space<vmem_shared>>) offsets(%dma_start3A_589 : memref<80xi32, #tpu.memory_space<vmem>>) semaphore(%arg21 : memref<!tpu.dma_semaphore, #tpu.memory_space<semaphore_mem>>) {add = true}
      %dma_wait3A_593 = arith.constant 18 : i32
      %dma_wait3A_594 = arith.constant 0 : i32
      %dma_wait3A_595 = tpu.memref_slice %arg8[%dma_wait3A_593, %dma_wait3A_594] : memref<25x80xi32, #tpu.memory_space<vmem>> -> memref<1x80xi32, #tpu.memory_space<vmem>>
      %dma_wait3A_596 = tpu.memref_squeeze %dma_wait3A_595 : memref<1x80xi32, #tpu.memory_space<vmem>> -> memref<80xi32, #tpu.memory_space<vmem>>
      %dma_wait3A_597 = arith.constant 0 : i32
      %dma_wait3A_598 = arith.constant 0 : i32
      %dma_wait3A_599 = tpu.memref_slice %arg13[%dma_wait3A_597, %dma_wait3A_598] : memref<10240x128xf32, #tpu.memory_space<vmem_shared>> -> memref<10240x128xf32, #tpu.memory_space<vmem_shared>>
      tpu.wait_indirect_dma semaphore(%arg20 : memref<!tpu.dma_semaphore, #tpu.memory_space<semaphore_mem>>) src(%arg11 : memref<80x128xf32, #tpu.memory_space<vmem>>) dst(%dma_wait3A_599 : memref<10240x128xf32, #tpu.memory_space<vmem_shared>>)
      %dma_start3A_600 = arith.constant 22 : i32
      %dma_start3A_601 = arith.constant 0 : i32
      %dma_start3A_602 = tpu.memref_slice %arg7[%dma_start3A_600, %dma_start3A_601] : memref<25x80xi32, #tpu.memory_space<vmem>> -> memref<1x80xi32, #tpu.memory_space<vmem>>
      %dma_start3A_603 = tpu.memref_squeeze %dma_start3A_602 : memref<1x80xi32, #tpu.memory_space<vmem>> -> memref<80xi32, #tpu.memory_space<vmem>>
      %dma_start3A_604 = arith.constant 0 : i32
      %dma_start3A_605 = arith.constant 0 : i32
      %dma_start3A_606 = tpu.memref_slice %arg2[%dma_start3A_604, %dma_start3A_605] : memref<10000x128xf32, #tpu.memory_space<hbm>> -> memref<10000x128xf32, #tpu.memory_space<hbm>>
      tpu.enqueue_indirect_dma source(%dma_start3A_606 : memref<10000x128xf32, #tpu.memory_space<hbm>>) target(%arg11 : memref<80x128xf32, #tpu.memory_space<vmem>>) offsets(%dma_start3A_603 : memref<80xi32, #tpu.memory_space<vmem>>) semaphore(%arg16 : memref<!tpu.dma_semaphore, #tpu.memory_space<semaphore_mem>>)
      %dma_wait3A_607 = arith.constant 20 : i32
      %dma_wait3A_608 = arith.constant 0 : i32
      %dma_wait3A_609 = tpu.memref_slice %arg7[%dma_wait3A_607, %dma_wait3A_608] : memref<25x80xi32, #tpu.memory_space<vmem>> -> memref<1x80xi32, #tpu.memory_space<vmem>>
      %dma_wait3A_610 = tpu.memref_squeeze %dma_wait3A_609 : memref<1x80xi32, #tpu.memory_space<vmem>> -> memref<80xi32, #tpu.memory_space<vmem>>
      %dma_wait3A_611 = arith.constant 0 : i32
      %dma_wait3A_612 = arith.constant 0 : i32
      %dma_wait3A_613 = tpu.memref_slice %arg2[%dma_wait3A_611, %dma_wait3A_612] : memref<10000x128xf32, #tpu.memory_space<hbm>> -> memref<10000x128xf32, #tpu.memory_space<hbm>>
      tpu.wait_indirect_dma semaphore(%arg14 : memref<!tpu.dma_semaphore, #tpu.memory_space<semaphore_mem>>) src(%dma_wait3A_613 : memref<10000x128xf32, #tpu.memory_space<hbm>>) dst(%arg9 : memref<80x128xf32, #tpu.memory_space<vmem>>)
      %dma_start3A_614 = arith.constant 20 : i32
      %dma_start3A_615 = arith.constant 0 : i32
      %dma_start3A_616 = tpu.memref_slice %arg8[%dma_start3A_614, %dma_start3A_615] : memref<25x80xi32, #tpu.memory_space<vmem>> -> memref<1x80xi32, #tpu.memory_space<vmem>>
      %dma_start3A_617 = tpu.memref_squeeze %dma_start3A_616 : memref<1x80xi32, #tpu.memory_space<vmem>> -> memref<80xi32, #tpu.memory_space<vmem>>
      %dma_start3A_618 = arith.constant 0 : i32
      %dma_start3A_619 = arith.constant 0 : i32
      %dma_start3A_620 = tpu.memref_slice %arg13[%dma_start3A_618, %dma_start3A_619] : memref<10240x128xf32, #tpu.memory_space<vmem_shared>> -> memref<10240x128xf32, #tpu.memory_space<vmem_shared>>
      tpu.enqueue_indirect_dma source(%arg9 : memref<80x128xf32, #tpu.memory_space<vmem>>) target(%dma_start3A_620 : memref<10240x128xf32, #tpu.memory_space<vmem_shared>>) offsets(%dma_start3A_617 : memref<80xi32, #tpu.memory_space<vmem>>) semaphore(%arg18 : memref<!tpu.dma_semaphore, #tpu.memory_space<semaphore_mem>>) {add = true}
      %dma_wait3A_621 = arith.constant 19 : i32
      %dma_wait3A_622 = arith.constant 0 : i32
      %dma_wait3A_623 = tpu.memref_slice %arg8[%dma_wait3A_621, %dma_wait3A_622] : memref<25x80xi32, #tpu.memory_space<vmem>> -> memref<1x80xi32, #tpu.memory_space<vmem>>
      %dma_wait3A_624 = tpu.memref_squeeze %dma_wait3A_623 : memref<1x80xi32, #tpu.memory_space<vmem>> -> memref<80xi32, #tpu.memory_space<vmem>>
      %dma_wait3A_625 = arith.constant 0 : i32
      %dma_wait3A_626 = arith.constant 0 : i32
      %dma_wait3A_627 = tpu.memref_slice %arg13[%dma_wait3A_625, %dma_wait3A_626] : memref<10240x128xf32, #tpu.memory_space<vmem_shared>> -> memref<10240x128xf32, #tpu.memory_space<vmem_shared>>
      tpu.wait_indirect_dma semaphore(%arg21 : memref<!tpu.dma_semaphore, #tpu.memory_space<semaphore_mem>>) src(%arg12 : memref<80x128xf32, #tpu.memory_space<vmem>>) dst(%dma_wait3A_627 : memref<10240x128xf32, #tpu.memory_space<vmem_shared>>)
      %dma_start3A_628 = arith.constant 23 : i32
      %dma_start3A_629 = arith.constant 0 : i32
      %dma_start3A_630 = tpu.memref_slice %arg7[%dma_start3A_628, %dma_start3A_629] : memref<25x80xi32, #tpu.memory_space<vmem>> -> memref<1x80xi32, #tpu.memory_space<vmem>>
      %dma_start3A_631 = tpu.memref_squeeze %dma_start3A_630 : memref<1x80xi32, #tpu.memory_space<vmem>> -> memref<80xi32, #tpu.memory_space<vmem>>
      %dma_start3A_632 = arith.constant 0 : i32
      %dma_start3A_633 = arith.constant 0 : i32
      %dma_start3A_634 = tpu.memref_slice %arg2[%dma_start3A_632, %dma_start3A_633] : memref<10000x128xf32, #tpu.memory_space<hbm>> -> memref<10000x128xf32, #tpu.memory_space<hbm>>
      tpu.enqueue_indirect_dma source(%dma_start3A_634 : memref<10000x128xf32, #tpu.memory_space<hbm>>) target(%arg12 : memref<80x128xf32, #tpu.memory_space<vmem>>) offsets(%dma_start3A_631 : memref<80xi32, #tpu.memory_space<vmem>>) semaphore(%arg17 : memref<!tpu.dma_semaphore, #tpu.memory_space<semaphore_mem>>)
      %dma_wait3A_635 = arith.constant 21 : i32
      %dma_wait3A_636 = arith.constant 0 : i32
      %dma_wait3A_637 = tpu.memref_slice %arg7[%dma_wait3A_635, %dma_wait3A_636] : memref<25x80xi32, #tpu.memory_space<vmem>> -> memref<1x80xi32, #tpu.memory_space<vmem>>
      %dma_wait3A_638 = tpu.memref_squeeze %dma_wait3A_637 : memref<1x80xi32, #tpu.memory_space<vmem>> -> memref<80xi32, #tpu.memory_space<vmem>>
      %dma_wait3A_639 = arith.constant 0 : i32
      %dma_wait3A_640 = arith.constant 0 : i32
      %dma_wait3A_641 = tpu.memref_slice %arg2[%dma_wait3A_639, %dma_wait3A_640] : memref<10000x128xf32, #tpu.memory_space<hbm>> -> memref<10000x128xf32, #tpu.memory_space<hbm>>
      tpu.wait_indirect_dma semaphore(%arg15 : memref<!tpu.dma_semaphore, #tpu.memory_space<semaphore_mem>>) src(%dma_wait3A_641 : memref<10000x128xf32, #tpu.memory_space<hbm>>) dst(%arg10 : memref<80x128xf32, #tpu.memory_space<vmem>>)
      %dma_start3A_642 = arith.constant 21 : i32
      %dma_start3A_643 = arith.constant 0 : i32
      %dma_start3A_644 = tpu.memref_slice %arg8[%dma_start3A_642, %dma_start3A_643] : memref<25x80xi32, #tpu.memory_space<vmem>> -> memref<1x80xi32, #tpu.memory_space<vmem>>
      %dma_start3A_645 = tpu.memref_squeeze %dma_start3A_644 : memref<1x80xi32, #tpu.memory_space<vmem>> -> memref<80xi32, #tpu.memory_space<vmem>>
      %dma_start3A_646 = arith.constant 0 : i32
      %dma_start3A_647 = arith.constant 0 : i32
      %dma_start3A_648 = tpu.memref_slice %arg13[%dma_start3A_646, %dma_start3A_647] : memref<10240x128xf32, #tpu.memory_space<vmem_shared>> -> memref<10240x128xf32, #tpu.memory_space<vmem_shared>>
      tpu.enqueue_indirect_dma source(%arg10 : memref<80x128xf32, #tpu.memory_space<vmem>>) target(%dma_start3A_648 : memref<10240x128xf32, #tpu.memory_space<vmem_shared>>) offsets(%dma_start3A_645 : memref<80xi32, #tpu.memory_space<vmem>>) semaphore(%arg19 : memref<!tpu.dma_semaphore, #tpu.memory_space<semaphore_mem>>) {add = true}
      %dma_wait3A_649 = arith.constant 20 : i32
      %dma_wait3A_650 = arith.constant 0 : i32
      %dma_wait3A_651 = tpu.memref_slice %arg8[%dma_wait3A_649, %dma_wait3A_650] : memref<25x80xi32, #tpu.memory_space<vmem>> -> memref<1x80xi32, #tpu.memory_space<vmem>>
      %dma_wait3A_652 = tpu.memref_squeeze %dma_wait3A_651 : memref<1x80xi32, #tpu.memory_space<vmem>> -> memref<80xi32, #tpu.memory_space<vmem>>
      %dma_wait3A_653 = arith.constant 0 : i32
      %dma_wait3A_654 = arith.constant 0 : i32
      %dma_wait3A_655 = tpu.memref_slice %arg13[%dma_wait3A_653, %dma_wait3A_654] : memref<10240x128xf32, #tpu.memory_space<vmem_shared>> -> memref<10240x128xf32, #tpu.memory_space<vmem_shared>>
      tpu.wait_indirect_dma semaphore(%arg18 : memref<!tpu.dma_semaphore, #tpu.memory_space<semaphore_mem>>) src(%arg9 : memref<80x128xf32, #tpu.memory_space<vmem>>) dst(%dma_wait3A_655 : memref<10240x128xf32, #tpu.memory_space<vmem_shared>>)
      %dma_start3A_656 = arith.constant 24 : i32
      %dma_start3A_657 = arith.constant 0 : i32
      %dma_start3A_658 = tpu.memref_slice %arg7[%dma_start3A_656, %dma_start3A_657] : memref<25x80xi32, #tpu.memory_space<vmem>> -> memref<1x80xi32, #tpu.memory_space<vmem>>
      %dma_start3A_659 = tpu.memref_squeeze %dma_start3A_658 : memref<1x80xi32, #tpu.memory_space<vmem>> -> memref<80xi32, #tpu.memory_space<vmem>>
      %dma_start3A_660 = arith.constant 0 : i32
      %dma_start3A_661 = arith.constant 0 : i32
      %dma_start3A_662 = tpu.memref_slice %arg2[%dma_start3A_660, %dma_start3A_661] : memref<10000x128xf32, #tpu.memory_space<hbm>> -> memref<10000x128xf32, #tpu.memory_space<hbm>>
      tpu.enqueue_indirect_dma source(%dma_start3A_662 : memref<10000x128xf32, #tpu.memory_space<hbm>>) target(%arg9 : memref<80x128xf32, #tpu.memory_space<vmem>>) offsets(%dma_start3A_659 : memref<80xi32, #tpu.memory_space<vmem>>) semaphore(%arg14 : memref<!tpu.dma_semaphore, #tpu.memory_space<semaphore_mem>>)
      %dma_wait3A_663 = arith.constant 22 : i32
      %dma_wait3A_664 = arith.constant 0 : i32
      %dma_wait3A_665 = tpu.memref_slice %arg7[%dma_wait3A_663, %dma_wait3A_664] : memref<25x80xi32, #tpu.memory_space<vmem>> -> memref<1x80xi32, #tpu.memory_space<vmem>>
      %dma_wait3A_666 = tpu.memref_squeeze %dma_wait3A_665 : memref<1x80xi32, #tpu.memory_space<vmem>> -> memref<80xi32, #tpu.memory_space<vmem>>
      %dma_wait3A_667 = arith.constant 0 : i32
      %dma_wait3A_668 = arith.constant 0 : i32
      %dma_wait3A_669 = tpu.memref_slice %arg2[%dma_wait3A_667, %dma_wait3A_668] : memref<10000x128xf32, #tpu.memory_space<hbm>> -> memref<10000x128xf32, #tpu.memory_space<hbm>>
      tpu.wait_indirect_dma semaphore(%arg16 : memref<!tpu.dma_semaphore, #tpu.memory_space<semaphore_mem>>) src(%dma_wait3A_669 : memref<10000x128xf32, #tpu.memory_space<hbm>>) dst(%arg11 : memref<80x128xf32, #tpu.memory_space<vmem>>)
      %dma_start3A_670 = arith.constant 22 : i32
      %dma_start3A_671 = arith.constant 0 : i32
      %dma_start3A_672 = tpu.memref_slice %arg8[%dma_start3A_670, %dma_start3A_671] : memref<25x80xi32, #tpu.memory_space<vmem>> -> memref<1x80xi32, #tpu.memory_space<vmem>>
      %dma_start3A_673 = tpu.memref_squeeze %dma_start3A_672 : memref<1x80xi32, #tpu.memory_space<vmem>> -> memref<80xi32, #tpu.memory_space<vmem>>
      %dma_start3A_674 = arith.constant 0 : i32
      %dma_start3A_675 = arith.constant 0 : i32
      %dma_start3A_676 = tpu.memref_slice %arg13[%dma_start3A_674, %dma_start3A_675] : memref<10240x128xf32, #tpu.memory_space<vmem_shared>> -> memref<10240x128xf32, #tpu.memory_space<vmem_shared>>
      tpu.enqueue_indirect_dma source(%arg11 : memref<80x128xf32, #tpu.memory_space<vmem>>) target(%dma_start3A_676 : memref<10240x128xf32, #tpu.memory_space<vmem_shared>>) offsets(%dma_start3A_673 : memref<80xi32, #tpu.memory_space<vmem>>) semaphore(%arg20 : memref<!tpu.dma_semaphore, #tpu.memory_space<semaphore_mem>>) {add = true}
      %dma_wait3A_677 = arith.constant 23 : i32
      %dma_wait3A_678 = arith.constant 0 : i32
      %dma_wait3A_679 = tpu.memref_slice %arg7[%dma_wait3A_677, %dma_wait3A_678] : memref<25x80xi32, #tpu.memory_space<vmem>> -> memref<1x80xi32, #tpu.memory_space<vmem>>
      %dma_wait3A_680 = tpu.memref_squeeze %dma_wait3A_679 : memref<1x80xi32, #tpu.memory_space<vmem>> -> memref<80xi32, #tpu.memory_space<vmem>>
      %dma_wait3A_681 = arith.constant 0 : i32
      %dma_wait3A_682 = arith.constant 0 : i32
      %dma_wait3A_683 = tpu.memref_slice %arg2[%dma_wait3A_681, %dma_wait3A_682] : memref<10000x128xf32, #tpu.memory_space<hbm>> -> memref<10000x128xf32, #tpu.memory_space<hbm>>
      tpu.wait_indirect_dma semaphore(%arg17 : memref<!tpu.dma_semaphore, #tpu.memory_space<semaphore_mem>>) src(%dma_wait3A_683 : memref<10000x128xf32, #tpu.memory_space<hbm>>) dst(%arg12 : memref<80x128xf32, #tpu.memory_space<vmem>>)
      %dma_start3A_684 = arith.constant 23 : i32
      %dma_start3A_685 = arith.constant 0 : i32
      %dma_start3A_686 = tpu.memref_slice %arg8[%dma_start3A_684, %dma_start3A_685] : memref<25x80xi32, #tpu.memory_space<vmem>> -> memref<1x80xi32, #tpu.memory_space<vmem>>
      %dma_start3A_687 = tpu.memref_squeeze %dma_start3A_686 : memref<1x80xi32, #tpu.memory_space<vmem>> -> memref<80xi32, #tpu.memory_space<vmem>>
      %dma_start3A_688 = arith.constant 0 : i32
      %dma_start3A_689 = arith.constant 0 : i32
      %dma_start3A_690 = tpu.memref_slice %arg13[%dma_start3A_688, %dma_start3A_689] : memref<10240x128xf32, #tpu.memory_space<vmem_shared>> -> memref<10240x128xf32, #tpu.memory_space<vmem_shared>>
      tpu.enqueue_indirect_dma source(%arg12 : memref<80x128xf32, #tpu.memory_space<vmem>>) target(%dma_start3A_690 : memref<10240x128xf32, #tpu.memory_space<vmem_shared>>) offsets(%dma_start3A_687 : memref<80xi32, #tpu.memory_space<vmem>>) semaphore(%arg21 : memref<!tpu.dma_semaphore, #tpu.memory_space<semaphore_mem>>) {add = true}
      %dma_wait3A_691 = arith.constant 24 : i32
      %dma_wait3A_692 = arith.constant 0 : i32
      %dma_wait3A_693 = tpu.memref_slice %arg7[%dma_wait3A_691, %dma_wait3A_692] : memref<25x80xi32, #tpu.memory_space<vmem>> -> memref<1x80xi32, #tpu.memory_space<vmem>>
      %dma_wait3A_694 = tpu.memref_squeeze %dma_wait3A_693 : memref<1x80xi32, #tpu.memory_space<vmem>> -> memref<80xi32, #tpu.memory_space<vmem>>
      %dma_wait3A_695 = arith.constant 0 : i32
      %dma_wait3A_696 = arith.constant 0 : i32
      %dma_wait3A_697 = tpu.memref_slice %arg2[%dma_wait3A_695, %dma_wait3A_696] : memref<10000x128xf32, #tpu.memory_space<hbm>> -> memref<10000x128xf32, #tpu.memory_space<hbm>>
      tpu.wait_indirect_dma semaphore(%arg14 : memref<!tpu.dma_semaphore, #tpu.memory_space<semaphore_mem>>) src(%dma_wait3A_697 : memref<10000x128xf32, #tpu.memory_space<hbm>>) dst(%arg9 : memref<80x128xf32, #tpu.memory_space<vmem>>)
      %dma_start3A_698 = arith.constant 24 : i32
      %dma_start3A_699 = arith.constant 0 : i32
      %dma_start3A_700 = tpu.memref_slice %arg8[%dma_start3A_698, %dma_start3A_699] : memref<25x80xi32, #tpu.memory_space<vmem>> -> memref<1x80xi32, #tpu.memory_space<vmem>>
      %dma_start3A_701 = tpu.memref_squeeze %dma_start3A_700 : memref<1x80xi32, #tpu.memory_space<vmem>> -> memref<80xi32, #tpu.memory_space<vmem>>
      %dma_start3A_702 = arith.constant 0 : i32
      %dma_start3A_703 = arith.constant 0 : i32
      %dma_start3A_704 = tpu.memref_slice %arg13[%dma_start3A_702, %dma_start3A_703] : memref<10240x128xf32, #tpu.memory_space<vmem_shared>> -> memref<10240x128xf32, #tpu.memory_space<vmem_shared>>
      tpu.enqueue_indirect_dma source(%arg9 : memref<80x128xf32, #tpu.memory_space<vmem>>) target(%dma_start3A_704 : memref<10240x128xf32, #tpu.memory_space<vmem_shared>>) offsets(%dma_start3A_701 : memref<80xi32, #tpu.memory_space<vmem>>) semaphore(%arg18 : memref<!tpu.dma_semaphore, #tpu.memory_space<semaphore_mem>>) {add = true}
      %dma_wait3A_705 = arith.constant 21 : i32
      %dma_wait3A_706 = arith.constant 0 : i32
      %dma_wait3A_707 = tpu.memref_slice %arg8[%dma_wait3A_705, %dma_wait3A_706] : memref<25x80xi32, #tpu.memory_space<vmem>> -> memref<1x80xi32, #tpu.memory_space<vmem>>
      %dma_wait3A_708 = tpu.memref_squeeze %dma_wait3A_707 : memref<1x80xi32, #tpu.memory_space<vmem>> -> memref<80xi32, #tpu.memory_space<vmem>>
      %dma_wait3A_709 = arith.constant 0 : i32
      %dma_wait3A_710 = arith.constant 0 : i32
      %dma_wait3A_711 = tpu.memref_slice %arg13[%dma_wait3A_709, %dma_wait3A_710] : memref<10240x128xf32, #tpu.memory_space<vmem_shared>> -> memref<10240x128xf32, #tpu.memory_space<vmem_shared>>
      tpu.wait_indirect_dma semaphore(%arg19 : memref<!tpu.dma_semaphore, #tpu.memory_space<semaphore_mem>>) src(%arg10 : memref<80x128xf32, #tpu.memory_space<vmem>>) dst(%dma_wait3A_711 : memref<10240x128xf32, #tpu.memory_space<vmem_shared>>)
      %dma_wait3A_712 = arith.constant 22 : i32
      %dma_wait3A_713 = arith.constant 0 : i32
      %dma_wait3A_714 = tpu.memref_slice %arg8[%dma_wait3A_712, %dma_wait3A_713] : memref<25x80xi32, #tpu.memory_space<vmem>> -> memref<1x80xi32, #tpu.memory_space<vmem>>
      %dma_wait3A_715 = tpu.memref_squeeze %dma_wait3A_714 : memref<1x80xi32, #tpu.memory_space<vmem>> -> memref<80xi32, #tpu.memory_space<vmem>>
      %dma_wait3A_716 = arith.constant 0 : i32
      %dma_wait3A_717 = arith.constant 0 : i32
      %dma_wait3A_718 = tpu.memref_slice %arg13[%dma_wait3A_716, %dma_wait3A_717] : memref<10240x128xf32, #tpu.memory_space<vmem_shared>> -> memref<10240x128xf32, #tpu.memory_space<vmem_shared>>
      tpu.wait_indirect_dma semaphore(%arg20 : memref<!tpu.dma_semaphore, #tpu.memory_space<semaphore_mem>>) src(%arg11 : memref<80x128xf32, #tpu.memory_space<vmem>>) dst(%dma_wait3A_718 : memref<10240x128xf32, #tpu.memory_space<vmem_shared>>)
      %dma_wait3A_719 = arith.constant 23 : i32
      %dma_wait3A_720 = arith.constant 0 : i32
      %dma_wait3A_721 = tpu.memref_slice %arg8[%dma_wait3A_719, %dma_wait3A_720] : memref<25x80xi32, #tpu.memory_space<vmem>> -> memref<1x80xi32, #tpu.memory_space<vmem>>
      %dma_wait3A_722 = tpu.memref_squeeze %dma_wait3A_721 : memref<1x80xi32, #tpu.memory_space<vmem>> -> memref<80xi32, #tpu.memory_space<vmem>>
      %dma_wait3A_723 = arith.constant 0 : i32
      %dma_wait3A_724 = arith.constant 0 : i32
      %dma_wait3A_725 = tpu.memref_slice %arg13[%dma_wait3A_723, %dma_wait3A_724] : memref<10240x128xf32, #tpu.memory_space<vmem_shared>> -> memref<10240x128xf32, #tpu.memory_space<vmem_shared>>
      tpu.wait_indirect_dma semaphore(%arg21 : memref<!tpu.dma_semaphore, #tpu.memory_space<semaphore_mem>>) src(%arg12 : memref<80x128xf32, #tpu.memory_space<vmem>>) dst(%dma_wait3A_725 : memref<10240x128xf32, #tpu.memory_space<vmem_shared>>)
      %dma_wait3A_726 = arith.constant 24 : i32
      %dma_wait3A_727 = arith.constant 0 : i32
      %dma_wait3A_728 = tpu.memref_slice %arg8[%dma_wait3A_726, %dma_wait3A_727] : memref<25x80xi32, #tpu.memory_space<vmem>> -> memref<1x80xi32, #tpu.memory_space<vmem>>
      %dma_wait3A_729 = tpu.memref_squeeze %dma_wait3A_728 : memref<1x80xi32, #tpu.memory_space<vmem>> -> memref<80xi32, #tpu.memory_space<vmem>>
      %dma_wait3A_730 = arith.constant 0 : i32
      %dma_wait3A_731 = arith.constant 0 : i32
      %dma_wait3A_732 = tpu.memref_slice %arg13[%dma_wait3A_730, %dma_wait3A_731] : memref<10240x128xf32, #tpu.memory_space<vmem_shared>> -> memref<10240x128xf32, #tpu.memory_space<vmem_shared>>
      tpu.wait_indirect_dma semaphore(%arg18 : memref<!tpu.dma_semaphore, #tpu.memory_space<semaphore_mem>>) src(%arg9 : memref<80x128xf32, #tpu.memory_space<vmem>>) dst(%dma_wait3A_732 : memref<10240x128xf32, #tpu.memory_space<vmem_shared>>)
    }
    %scan3A_25 = arith.constant 5 : i32
    %barrier3A_26 = arith.constant 0 : index
    tpu.barrier barrier_id(%barrier3A_26)
    %mul3A_27 = arith.constant 640 : i32
    %mul3A_28 = arith.muli %arg1, %mul3A_27 : i32
    %mul3A_29 = arith.constant 10240 : i32
    %mul3A_30 = arith.muli %arg0, %mul3A_29 : i32
    %mul3A_31 = arith.constant 640 : i32
    %mul3A_32 = arith.muli %arg1, %mul3A_31 : i32
    %add3A_33 = arith.addi %mul3A_30, %mul3A_32 : i32
    "tpu.region"() ({
      %run_scoped3A = tpu.sem_alloc : memref<!tpu.dma_semaphore, #tpu.memory_space<semaphore_mem>>
      %dma_start3A = arith.constant 0 : i32
      %dma_start3A_34 = tpu.memref_slice %arg6[%add3A_33, %dma_start3A] : memref<20480x128xf32, #tpu.memory_space<hbm>> -> memref<640x128xf32, #tpu.memory_space<hbm>>
      %dma_start3A_35 = arith.constant 0 : i32
      %dma_start3A_36 = tpu.memref_slice %arg13[%mul3A_28, %dma_start3A_35] : memref<10240x128xf32, #tpu.memory_space<vmem_shared>> -> memref<640x128xf32, #tpu.memory_space<vmem_shared>>
      tpu.enqueue_dma source(%dma_start3A_36 : memref<640x128xf32, #tpu.memory_space<vmem_shared>>) target(%dma_start3A_34 : memref<640x128xf32, #tpu.memory_space<hbm>>) target_semaphore(%run_scoped3A : memref<!tpu.dma_semaphore, #tpu.memory_space<semaphore_mem>>)
      %dma_wait3A = arith.constant 0 : i32
      %dma_wait3A_37 = tpu.memref_slice %arg6[%add3A_33, %dma_wait3A] : memref<20480x128xf32, #tpu.memory_space<hbm>> -> memref<640x128xf32, #tpu.memory_space<hbm>>
      %dma_wait3A_38 = arith.constant 0 : i32
      %dma_wait3A_39 = tpu.memref_slice %arg13[%mul3A_28, %dma_wait3A_38] : memref<10240x128xf32, #tpu.memory_space<vmem_shared>> -> memref<640x128xf32, #tpu.memory_space<vmem_shared>>
      tpu.wait_dma2 semaphore(%run_scoped3A : memref<!tpu.dma_semaphore, #tpu.memory_space<semaphore_mem>>) src(%dma_wait3A_39 : memref<640x128xf32, #tpu.memory_space<vmem_shared>>) dst(%dma_wait3A_37 : memref<640x128xf32, #tpu.memory_space<hbm>>)
      tpu.yield
    }) : () -> ()
    return
  }
}

#map = affine_map<(d0, d1) -> (0, 0, 0)>
#map1 = affine_map<(d0, d1) -> (0, 0)>
module attributes {stable_mosaic.version = 14 : i64} {
  func.func @_deg_kernel(%arg0: i32, %arg1: i32, %arg2: memref<32x125x80xi32, #tpu.memory_space<hbm>>, %arg3: memref<80x128xf32, #tpu.memory_space<hbm>>, %arg4: memref<128x128xf32, #tpu.memory_space<hbm>>, %arg5: memref<20480x128xf32, #tpu.memory_space<hbm>>, %arg6: memref<125x80xi32, #tpu.memory_space<vmem>>, %arg7: memref<80x128xf32, #tpu.memory_space<vmem>>, %arg8: memref<10240x128xf32, #tpu.memory_space<vmem_shared>>, %arg9: memref<!tpu.dma_semaphore, #tpu.memory_space<semaphore_mem>>) attributes {dimension_semantics = [#tpu.dimension_semantics<core_parallel>, #tpu.dimension_semantics<subcore_parallel>], iteration_bounds = array<i64: 2, 16>, scalar_prefetch = 0 : i64, scratch_operands = 4 : i64, tpu.core_type = #tpu.core_type<sc_vector_subcore>, window_params = [{transform_indices = #map}, {transform_indices = #map1}, {transform_indices = #map1}, {transform_indices = #map1}]} {
    %mul3A = arith.constant 16 : i32
    %mul3A_0 = arith.muli %arg0, %mul3A : i32
    %add3A = arith.addi %mul3A_0, %arg1 : i32
    "tpu.region"() ({
      %run_scoped3A = tpu.sem_alloc : memref<!tpu.dma_semaphore, #tpu.memory_space<semaphore_mem>>
      %dma_start3A = arith.constant 0 : i32
      %dma_start3A_40 = arith.constant 0 : i32
      %dma_start3A_41 = tpu.memref_slice %arg2[%add3A, %dma_start3A, %dma_start3A_40] : memref<32x125x80xi32, #tpu.memory_space<hbm>> -> memref<1x125x80xi32, #tpu.memory_space<hbm>>
      %dma_start3A_42 = tpu.memref_squeeze %dma_start3A_41 : memref<1x125x80xi32, #tpu.memory_space<hbm>> -> memref<125x80xi32, #tpu.memory_space<hbm>>
      %dma_start3A_43 = arith.constant 0 : i32
      %dma_start3A_44 = arith.constant 0 : i32
      %dma_start3A_45 = tpu.memref_slice %arg2[%add3A, %dma_start3A_43, %dma_start3A_44] : memref<32x125x80xi32, #tpu.memory_space<hbm>> -> memref<1x125x80xi32, #tpu.memory_space<hbm>>
      %dma_start3A_46 = tpu.memref_squeeze %dma_start3A_45 : memref<1x125x80xi32, #tpu.memory_space<hbm>> -> memref<125x80xi32, #tpu.memory_space<hbm>>
      tpu.enqueue_dma source(%dma_start3A_46 : memref<125x80xi32, #tpu.memory_space<hbm>>) target(%arg6 : memref<125x80xi32, #tpu.memory_space<vmem>>) target_semaphore(%run_scoped3A : memref<!tpu.dma_semaphore, #tpu.memory_space<semaphore_mem>>)
      %dma_wait3A = arith.constant 0 : i32
      %dma_wait3A_47 = arith.constant 0 : i32
      %dma_wait3A_48 = tpu.memref_slice %arg2[%add3A, %dma_wait3A, %dma_wait3A_47] : memref<32x125x80xi32, #tpu.memory_space<hbm>> -> memref<1x125x80xi32, #tpu.memory_space<hbm>>
      %dma_wait3A_49 = tpu.memref_squeeze %dma_wait3A_48 : memref<1x125x80xi32, #tpu.memory_space<hbm>> -> memref<125x80xi32, #tpu.memory_space<hbm>>
      %dma_wait3A_50 = arith.constant 0 : i32
      %dma_wait3A_51 = arith.constant 0 : i32
      %dma_wait3A_52 = tpu.memref_slice %arg2[%add3A, %dma_wait3A_50, %dma_wait3A_51] : memref<32x125x80xi32, #tpu.memory_space<hbm>> -> memref<1x125x80xi32, #tpu.memory_space<hbm>>
      %dma_wait3A_53 = tpu.memref_squeeze %dma_wait3A_52 : memref<1x125x80xi32, #tpu.memory_space<hbm>> -> memref<125x80xi32, #tpu.memory_space<hbm>>
      tpu.wait_dma2 semaphore(%run_scoped3A : memref<!tpu.dma_semaphore, #tpu.memory_space<semaphore_mem>>) src(%dma_wait3A_53 : memref<125x80xi32, #tpu.memory_space<hbm>>) dst(%arg6 : memref<125x80xi32, #tpu.memory_space<vmem>>)
      tpu.yield
    }) : () -> ()
    "tpu.region"() ({
      %run_scoped3A = tpu.sem_alloc : memref<!tpu.dma_semaphore, #tpu.memory_space<semaphore_mem>>
      tpu.enqueue_dma source(%arg3 : memref<80x128xf32, #tpu.memory_space<hbm>>) target(%arg7 : memref<80x128xf32, #tpu.memory_space<vmem>>) target_semaphore(%run_scoped3A : memref<!tpu.dma_semaphore, #tpu.memory_space<semaphore_mem>>)
      tpu.wait_dma2 semaphore(%run_scoped3A : memref<!tpu.dma_semaphore, #tpu.memory_space<semaphore_mem>>) src(%arg3 : memref<80x128xf32, #tpu.memory_space<hbm>>) dst(%arg7 : memref<80x128xf32, #tpu.memory_space<vmem>>)
      tpu.yield
    }) : () -> ()
    %mul3A_1 = arith.constant 640 : i32
    %mul3A_2 = arith.muli %arg1, %mul3A_1 : i32
    %add3A_3 = arith.constant 0 : i32
    %add3A_4 = arith.addi %mul3A_2, %add3A_3 : i32
    "tpu.region"() ({
      %run_scoped3A = tpu.sem_alloc : memref<!tpu.dma_semaphore, #tpu.memory_space<semaphore_mem>>
      %dma_start3A = arith.constant 0 : i32
      %dma_start3A_40 = tpu.memref_slice %arg8[%add3A_4, %dma_start3A] : memref<10240x128xf32, #tpu.memory_space<vmem_shared>> -> memref<128x128xf32, #tpu.memory_space<vmem_shared>>
      tpu.enqueue_dma source(%arg4 : memref<128x128xf32, #tpu.memory_space<hbm>>) target(%dma_start3A_40 : memref<128x128xf32, #tpu.memory_space<vmem_shared>>) target_semaphore(%run_scoped3A : memref<!tpu.dma_semaphore, #tpu.memory_space<semaphore_mem>>)
      %dma_wait3A = arith.constant 0 : i32
      %dma_wait3A_41 = tpu.memref_slice %arg8[%add3A_4, %dma_wait3A] : memref<10240x128xf32, #tpu.memory_space<vmem_shared>> -> memref<128x128xf32, #tpu.memory_space<vmem_shared>>
      tpu.wait_dma2 semaphore(%run_scoped3A : memref<!tpu.dma_semaphore, #tpu.memory_space<semaphore_mem>>) src(%arg4 : memref<128x128xf32, #tpu.memory_space<hbm>>) dst(%dma_wait3A_41 : memref<128x128xf32, #tpu.memory_space<vmem_shared>>)
      tpu.yield
    }) : () -> ()
    %mul3A_5 = arith.constant 640 : i32
    %mul3A_6 = arith.muli %arg1, %mul3A_5 : i32
    %add3A_7 = arith.constant 128 : i32
    %add3A_8 = arith.addi %mul3A_6, %add3A_7 : i32
    "tpu.region"() ({
      %run_scoped3A = tpu.sem_alloc : memref<!tpu.dma_semaphore, #tpu.memory_space<semaphore_mem>>
      %dma_start3A = arith.constant 0 : i32
      %dma_start3A_40 = tpu.memref_slice %arg8[%add3A_8, %dma_start3A] : memref<10240x128xf32, #tpu.memory_space<vmem_shared>> -> memref<128x128xf32, #tpu.memory_space<vmem_shared>>
      tpu.enqueue_dma source(%arg4 : memref<128x128xf32, #tpu.memory_space<hbm>>) target(%dma_start3A_40 : memref<128x128xf32, #tpu.memory_space<vmem_shared>>) target_semaphore(%run_scoped3A : memref<!tpu.dma_semaphore, #tpu.memory_space<semaphore_mem>>)
      %dma_wait3A = arith.constant 0 : i32
      %dma_wait3A_41 = tpu.memref_slice %arg8[%add3A_8, %dma_wait3A] : memref<10240x128xf32, #tpu.memory_space<vmem_shared>> -> memref<128x128xf32, #tpu.memory_space<vmem_shared>>
      tpu.wait_dma2 semaphore(%run_scoped3A : memref<!tpu.dma_semaphore, #tpu.memory_space<semaphore_mem>>) src(%arg4 : memref<128x128xf32, #tpu.memory_space<hbm>>) dst(%dma_wait3A_41 : memref<128x128xf32, #tpu.memory_space<vmem_shared>>)
      tpu.yield
    }) : () -> ()
    %mul3A_9 = arith.constant 640 : i32
    %mul3A_10 = arith.muli %arg1, %mul3A_9 : i32
    %add3A_11 = arith.constant 256 : i32
    %add3A_12 = arith.addi %mul3A_10, %add3A_11 : i32
    "tpu.region"() ({
      %run_scoped3A = tpu.sem_alloc : memref<!tpu.dma_semaphore, #tpu.memory_space<semaphore_mem>>
      %dma_start3A = arith.constant 0 : i32
      %dma_start3A_40 = tpu.memref_slice %arg8[%add3A_12, %dma_start3A] : memref<10240x128xf32, #tpu.memory_space<vmem_shared>> -> memref<128x128xf32, #tpu.memory_space<vmem_shared>>
      tpu.enqueue_dma source(%arg4 : memref<128x128xf32, #tpu.memory_space<hbm>>) target(%dma_start3A_40 : memref<128x128xf32, #tpu.memory_space<vmem_shared>>) target_semaphore(%run_scoped3A : memref<!tpu.dma_semaphore, #tpu.memory_space<semaphore_mem>>)
      %dma_wait3A = arith.constant 0 : i32
      %dma_wait3A_41 = tpu.memref_slice %arg8[%add3A_12, %dma_wait3A] : memref<10240x128xf32, #tpu.memory_space<vmem_shared>> -> memref<128x128xf32, #tpu.memory_space<vmem_shared>>
      tpu.wait_dma2 semaphore(%run_scoped3A : memref<!tpu.dma_semaphore, #tpu.memory_space<semaphore_mem>>) src(%arg4 : memref<128x128xf32, #tpu.memory_space<hbm>>) dst(%dma_wait3A_41 : memref<128x128xf32, #tpu.memory_space<vmem_shared>>)
      tpu.yield
    }) : () -> ()
    %mul3A_13 = arith.constant 640 : i32
    %mul3A_14 = arith.muli %arg1, %mul3A_13 : i32
    %add3A_15 = arith.constant 384 : i32
    %add3A_16 = arith.addi %mul3A_14, %add3A_15 : i32
    "tpu.region"() ({
      %run_scoped3A = tpu.sem_alloc : memref<!tpu.dma_semaphore, #tpu.memory_space<semaphore_mem>>
      %dma_start3A = arith.constant 0 : i32
      %dma_start3A_40 = tpu.memref_slice %arg8[%add3A_16, %dma_start3A] : memref<10240x128xf32, #tpu.memory_space<vmem_shared>> -> memref<128x128xf32, #tpu.memory_space<vmem_shared>>
      tpu.enqueue_dma source(%arg4 : memref<128x128xf32, #tpu.memory_space<hbm>>) target(%dma_start3A_40 : memref<128x128xf32, #tpu.memory_space<vmem_shared>>) target_semaphore(%run_scoped3A : memref<!tpu.dma_semaphore, #tpu.memory_space<semaphore_mem>>)
      %dma_wait3A = arith.constant 0 : i32
      %dma_wait3A_41 = tpu.memref_slice %arg8[%add3A_16, %dma_wait3A] : memref<10240x128xf32, #tpu.memory_space<vmem_shared>> -> memref<128x128xf32, #tpu.memory_space<vmem_shared>>
      tpu.wait_dma2 semaphore(%run_scoped3A : memref<!tpu.dma_semaphore, #tpu.memory_space<semaphore_mem>>) src(%arg4 : memref<128x128xf32, #tpu.memory_space<hbm>>) dst(%dma_wait3A_41 : memref<128x128xf32, #tpu.memory_space<vmem_shared>>)
      tpu.yield
    }) : () -> ()
    %mul3A_17 = arith.constant 640 : i32
    %mul3A_18 = arith.muli %arg1, %mul3A_17 : i32
    %add3A_19 = arith.constant 512 : i32
    %add3A_20 = arith.addi %mul3A_18, %add3A_19 : i32
    "tpu.region"() ({
      %run_scoped3A = tpu.sem_alloc : memref<!tpu.dma_semaphore, #tpu.memory_space<semaphore_mem>>
      %dma_start3A = arith.constant 0 : i32
      %dma_start3A_40 = tpu.memref_slice %arg8[%add3A_20, %dma_start3A] : memref<10240x128xf32, #tpu.memory_space<vmem_shared>> -> memref<128x128xf32, #tpu.memory_space<vmem_shared>>
      tpu.enqueue_dma source(%arg4 : memref<128x128xf32, #tpu.memory_space<hbm>>) target(%dma_start3A_40 : memref<128x128xf32, #tpu.memory_space<vmem_shared>>) target_semaphore(%run_scoped3A : memref<!tpu.dma_semaphore, #tpu.memory_space<semaphore_mem>>)
      %dma_wait3A = arith.constant 0 : i32
      %dma_wait3A_41 = tpu.memref_slice %arg8[%add3A_20, %dma_wait3A] : memref<10240x128xf32, #tpu.memory_space<vmem_shared>> -> memref<128x128xf32, #tpu.memory_space<vmem_shared>>
      tpu.wait_dma2 semaphore(%run_scoped3A : memref<!tpu.dma_semaphore, #tpu.memory_space<semaphore_mem>>) src(%arg4 : memref<128x128xf32, #tpu.memory_space<hbm>>) dst(%dma_wait3A_41 : memref<128x128xf32, #tpu.memory_space<vmem_shared>>)
      tpu.yield
    }) : () -> ()
    %barrier3A = arith.constant 0 : index
    tpu.barrier barrier_id(%barrier3A)
    %scan3A = arith.constant 0 : i32
    %scan3A_21 = arith.constant 0 : i32
    %scan3A_22 = arith.constant 125 : i32
    %scan3A_23 = arith.addi %scan3A_21, %scan3A_22 : i32
    %scan3A_24 = arith.constant 1 : i32
    scf.for %scan3A_40 = %scan3A_21 to %scan3A_23 step %scan3A_24  : i32 {
      %dma_start3A = arith.constant 0 : i32
      %dma_start3A_41 = tpu.memref_slice %arg6[%scan3A_40, %dma_start3A] : memref<125x80xi32, #tpu.memory_space<vmem>> -> memref<1x80xi32, #tpu.memory_space<vmem>>
      %dma_start3A_42 = tpu.memref_squeeze %dma_start3A_41 : memref<1x80xi32, #tpu.memory_space<vmem>> -> memref<80xi32, #tpu.memory_space<vmem>>
      %dma_start3A_43 = arith.constant 0 : i32
      %dma_start3A_44 = arith.constant 0 : i32
      %dma_start3A_45 = tpu.memref_slice %arg8[%dma_start3A_43, %dma_start3A_44] : memref<10240x128xf32, #tpu.memory_space<vmem_shared>> -> memref<10240x128xf32, #tpu.memory_space<vmem_shared>>
      tpu.enqueue_indirect_dma source(%arg7 : memref<80x128xf32, #tpu.memory_space<vmem>>) target(%dma_start3A_45 : memref<10240x128xf32, #tpu.memory_space<vmem_shared>>) offsets(%dma_start3A_42 : memref<80xi32, #tpu.memory_space<vmem>>) semaphore(%arg9 : memref<!tpu.dma_semaphore, #tpu.memory_space<semaphore_mem>>) {add = true}
    }
    %scan3A_25 = arith.constant 125 : i32
    %scan3A_26 = arith.constant 0 : i32
    %scan3A_27 = arith.constant 0 : i32
    %scan3A_28 = arith.constant 125 : i32
    %scan3A_29 = arith.addi %scan3A_27, %scan3A_28 : i32
    %scan3A_30 = arith.constant 1 : i32
    scf.for %scan3A_40 = %scan3A_27 to %scan3A_29 step %scan3A_30  : i32 {
      %dma_wait3A = arith.constant 0 : i32
      %dma_wait3A_41 = arith.constant 0 : i32
      %dma_wait3A_42 = tpu.memref_slice %arg6[%dma_wait3A, %dma_wait3A_41] : memref<125x80xi32, #tpu.memory_space<vmem>> -> memref<1x80xi32, #tpu.memory_space<vmem>>
      %dma_wait3A_43 = tpu.memref_squeeze %dma_wait3A_42 : memref<1x80xi32, #tpu.memory_space<vmem>> -> memref<80xi32, #tpu.memory_space<vmem>>
      %dma_wait3A_44 = arith.constant 0 : i32
      %dma_wait3A_45 = arith.constant 0 : i32
      %dma_wait3A_46 = tpu.memref_slice %arg8[%dma_wait3A_44, %dma_wait3A_45] : memref<10240x128xf32, #tpu.memory_space<vmem_shared>> -> memref<10240x128xf32, #tpu.memory_space<vmem_shared>>
      tpu.wait_indirect_dma semaphore(%arg9 : memref<!tpu.dma_semaphore, #tpu.memory_space<semaphore_mem>>) src(%arg7 : memref<80x128xf32, #tpu.memory_space<vmem>>) dst(%dma_wait3A_46 : memref<10240x128xf32, #tpu.memory_space<vmem_shared>>)
    }
    %scan3A_31 = arith.constant 125 : i32
    %barrier3A_32 = arith.constant 0 : index
    tpu.barrier barrier_id(%barrier3A_32)
    %mul3A_33 = arith.constant 640 : i32
    %mul3A_34 = arith.muli %arg1, %mul3A_33 : i32
    %mul3A_35 = arith.constant 10240 : i32
    %mul3A_36 = arith.muli %arg0, %mul3A_35 : i32
    %mul3A_37 = arith.constant 640 : i32
    %mul3A_38 = arith.muli %arg1, %mul3A_37 : i32
    %add3A_39 = arith.addi %mul3A_36, %mul3A_38 : i32
    "tpu.region"() ({
      %run_scoped3A = tpu.sem_alloc : memref<!tpu.dma_semaphore, #tpu.memory_space<semaphore_mem>>
      %dma_start3A = arith.constant 0 : i32
      %dma_start3A_40 = tpu.memref_slice %arg5[%add3A_39, %dma_start3A] : memref<20480x128xf32, #tpu.memory_space<hbm>> -> memref<640x128xf32, #tpu.memory_space<hbm>>
      %dma_start3A_41 = arith.constant 0 : i32
      %dma_start3A_42 = tpu.memref_slice %arg8[%mul3A_34, %dma_start3A_41] : memref<10240x128xf32, #tpu.memory_space<vmem_shared>> -> memref<640x128xf32, #tpu.memory_space<vmem_shared>>
      tpu.enqueue_dma source(%dma_start3A_42 : memref<640x128xf32, #tpu.memory_space<vmem_shared>>) target(%dma_start3A_40 : memref<640x128xf32, #tpu.memory_space<hbm>>) target_semaphore(%run_scoped3A : memref<!tpu.dma_semaphore, #tpu.memory_space<semaphore_mem>>)
      %dma_wait3A = arith.constant 0 : i32
      %dma_wait3A_43 = tpu.memref_slice %arg5[%add3A_39, %dma_wait3A] : memref<20480x128xf32, #tpu.memory_space<hbm>> -> memref<640x128xf32, #tpu.memory_space<hbm>>
      %dma_wait3A_44 = arith.constant 0 : i32
      %dma_wait3A_45 = tpu.memref_slice %arg8[%mul3A_34, %dma_wait3A_44] : memref<10240x128xf32, #tpu.memory_space<vmem_shared>> -> memref<640x128xf32, #tpu.memory_space<vmem_shared>>
      tpu.wait_dma2 semaphore(%run_scoped3A : memref<!tpu.dma_semaphore, #tpu.memory_space<semaphore_mem>>) src(%dma_wait3A_45 : memref<640x128xf32, #tpu.memory_space<vmem_shared>>) dst(%dma_wait3A_43 : memref<640x128xf32, #tpu.memory_space<hbm>>)
      tpu.yield
    }) : () -> ()
    return
  }
}

module attributes {stable_mosaic.version = 14 : i64} {
  func.func @_mm_body(%arg0: i32, %arg1: memref<1000x128xf32, #tpu.memory_space<vmem>>, %arg2: memref<128x128xf32, #tpu.memory_space<vmem>>, %arg3: memref<2x1000x128xf32, #tpu.memory_space<vmem>>, %arg4: memref<1000x128xf32, #tpu.memory_space<vmem>>) attributes {dimension_semantics = [#tpu.dimension_semantics<arbitrary>], iteration_bounds = array<i64: 10>, scalar_prefetch = 0 : i64, scratch_operands = 0 : i64, tpu.core_type = #tpu.core_type<tc>, window_params = [{transform_indices = @transform_0, window_bounds = array<i64: 1000, 128>}, {pipeline_mode = #tpu.pipeline_mode<synchronous>, transform_indices = @transform_1, window_bounds = array<i64: 128, 128>}, {transform_indices = @transform_2, window_bounds = array<i64: 2, 1000, 128>}, {transform_indices = @transform_3, window_bounds = array<i64: 1000, 128>}]} {
    %get3A = arith.constant 0 : index
    %get3A_0 = arith.constant 0 : index
    %get3A_1 = vector.load %arg1[%get3A, %get3A_0] : memref<1000x128xf32, #tpu.memory_space<vmem>>, vector<1000x128xf32>
    %get3A_2 = arith.constant 0 : index
    %get3A_3 = arith.constant 0 : index
    %get3A_4 = vector.load %arg2[%get3A_2, %get3A_3] : memref<128x128xf32, #tpu.memory_space<vmem>>, vector<128x128xf32>
    %dot_general3A = arith.constant dense<0.000000e+00> : vector<1000x128xf32>
    %dot_general3A_5 = tpu.matmul %get3A_1, %get3A_4, %dot_general3A {dimension_numbers = #tpu.dot_dimension_numbers<[1], [0], [0], [1], [0, 0, 1, 1], [], []>, transpose_lhs_hint = false} : vector<1000x128xf32>, vector<128x128xf32>, vector<1000x128xf32> -> vector<1000x128xf32>
    %get3A_6 = arith.constant 0 : index
    %get3A_7 = arith.constant 0 : index
    %get3A_8 = arith.constant 0 : index
    %get3A_9 = vector.load %arg3[%get3A_6, %get3A_7, %get3A_8] : memref<2x1000x128xf32, #tpu.memory_space<vmem>>, vector<1x1000x1xf32>
    %get3A_10 = vector.shape_cast %get3A_9 : vector<1x1000x1xf32> to vector<1000x1xf32>
    %get3A_11 = arith.constant 1 : index
    %get3A_12 = arith.constant 0 : index
    %get3A_13 = arith.constant 0 : index
    %get3A_14 = vector.load %arg3[%get3A_11, %get3A_12, %get3A_13] : memref<2x1000x128xf32, #tpu.memory_space<vmem>>, vector<1x1000x1xf32>
    %get3A_15 = vector.shape_cast %get3A_14 : vector<1x1000x1xf32> to vector<1000x1xf32>
    %add3A = arith.addf %get3A_10, %get3A_15 : vector<1000x1xf32>
    %add3A_16 = arith.constant 1.000000e+00 : f32
    %add3A_17 = vector.broadcast %add3A_16 : f32 to vector<1000x1xf32>
    %add3A_18 = arith.addf %add3A, %add3A_17 : vector<1000x1xf32>
    %rsqrt3A = math.rsqrt %add3A_18 : vector<1000x1xf32>
    %mul3A = vector.broadcast %rsqrt3A : vector<1000x1xf32> to vector<1000x128xf32>
    %mul3A_19 = arith.mulf %dot_general3A_5, %mul3A : vector<1000x128xf32>
    %swap3A = arith.constant 0 : index
    %swap3A_20 = arith.constant 0 : index
    %swap3A_21 = vector.load %arg4[%swap3A, %swap3A_20] : memref<1000x128xf32, #tpu.memory_space<vmem>>, vector<1000x128xf32>
    tpu.vector_store %arg4[%swap3A, %swap3A_20], %mul3A_19 {strides = array<i32>} : memref<1000x128xf32, #tpu.memory_space<vmem>>, vector<1000x128xf32>,
    return
  }
  func.func @transform_0(%arg0: i32) -> (i32, i32) {
    %c0_i32 = arith.constant 0 : i32
    %c0_i32_0 = arith.constant 0 : i32
    return %arg0, %c0_i32 : i32, i32
  }
  func.func @transform_1(%arg0: i32) -> (i32, i32) {
    %c0_i32 = arith.constant 0 : i32
    %c0_i32_0 = arith.constant 0 : i32
    %c0_i32_1 = arith.constant 0 : i32
    return %c0_i32, %c0_i32_0 : i32, i32
  }
  func.func @transform_2(%arg0: i32) -> (i32, i32, i32) {
    %c0_i32 = arith.constant 0 : i32
    %c0_i32_0 = arith.constant 0 : i32
    %c0_i32_1 = arith.constant 0 : i32
    return %c0_i32, %arg0, %c0_i32_0 : i32, i32, i32
  }
  func.func @transform_3(%arg0: i32) -> (i32, i32) {
    %c0_i32 = arith.constant 0 : i32
    %c0_i32_0 = arith.constant 0 : i32
    return %arg0, %c0_i32 : i32, i32
  }
}

module attributes {stable_mosaic.version = 14 : i64} {
  func.func @_fin_body(%arg0: i32, %arg1: memref<2x1000x128xf32, #tpu.memory_space<vmem>>, %arg2: memref<1000x128xf32, #tpu.memory_space<vmem>>, %arg3: memref<2x1000x128xf32, #tpu.memory_space<vmem>>, %arg4: memref<1x128xf32, #tpu.memory_space<vmem>>, %arg5: memref<1x128xf32, #tpu.memory_space<vmem>>, %arg6: memref<1x128xf32, #tpu.memory_space<vmem>>, %arg7: memref<1000x128xf32, #tpu.memory_space<vmem>>) attributes {dimension_semantics = [#tpu.dimension_semantics<arbitrary>], iteration_bounds = array<i64: 10>, scalar_prefetch = 0 : i64, scratch_operands = 0 : i64, tpu.core_type = #tpu.core_type<tc>, window_params = [{transform_indices = @transform_0, window_bounds = array<i64: 2, 1000, 128>}, {transform_indices = @transform_1, window_bounds = array<i64: 1000, 128>}, {transform_indices = @transform_2, window_bounds = array<i64: 2, 1000, 128>}, {pipeline_mode = #tpu.pipeline_mode<synchronous>, transform_indices = @transform_3, window_bounds = array<i64: 1, 128>}, {pipeline_mode = #tpu.pipeline_mode<synchronous>, transform_indices = @transform_4, window_bounds = array<i64: 1, 128>}, {pipeline_mode = #tpu.pipeline_mode<synchronous>, transform_indices = @transform_5, window_bounds = array<i64: 1, 128>}, {transform_indices = @transform_6, window_bounds = array<i64: 1000, 128>}]} {
    %get3A = arith.constant 0 : index
    %get3A_0 = arith.constant 0 : index
    %get3A_1 = arith.constant 0 : index
    %get3A_2 = vector.load %arg3[%get3A, %get3A_0, %get3A_1] : memref<2x1000x128xf32, #tpu.memory_space<vmem>>, vector<1x1000x1xf32>
    %get3A_3 = vector.shape_cast %get3A_2 : vector<1x1000x1xf32> to vector<1000x1xf32>
    %get3A_4 = arith.constant 1 : index
    %get3A_5 = arith.constant 0 : index
    %get3A_6 = arith.constant 0 : index
    %get3A_7 = vector.load %arg3[%get3A_4, %get3A_5, %get3A_6] : memref<2x1000x128xf32, #tpu.memory_space<vmem>>, vector<1x1000x1xf32>
    %get3A_8 = vector.shape_cast %get3A_7 : vector<1x1000x1xf32> to vector<1000x1xf32>
    %add3A = arith.addf %get3A_3, %get3A_8 : vector<1000x1xf32>
    %add3A_9 = arith.constant 1.000000e+00 : f32
    %add3A_10 = vector.broadcast %add3A_9 : f32 to vector<1000x1xf32>
    %add3A_11 = arith.addf %add3A, %add3A_10 : vector<1000x1xf32>
    %rsqrt3A = math.rsqrt %add3A_11 : vector<1000x1xf32>
    %get3A_12 = arith.constant 0 : index
    %get3A_13 = arith.constant 0 : index
    %get3A_14 = arith.constant 0 : index
    %get3A_15 = vector.load %arg1[%get3A_12, %get3A_13, %get3A_14] : memref<2x1000x128xf32, #tpu.memory_space<vmem>>, vector<1x1000x128xf32>
    %get3A_16 = vector.shape_cast %get3A_15 : vector<1x1000x128xf32> to vector<1000x128xf32>
    %get3A_17 = arith.constant 1 : index
    %get3A_18 = arith.constant 0 : index
    %get3A_19 = arith.constant 0 : index
    %get3A_20 = vector.load %arg1[%get3A_17, %get3A_18, %get3A_19] : memref<2x1000x128xf32, #tpu.memory_space<vmem>>, vector<1x1000x128xf32>
    %get3A_21 = vector.shape_cast %get3A_20 : vector<1x1000x128xf32> to vector<1000x128xf32>
    %add3A_22 = arith.addf %get3A_16, %get3A_21 : vector<1000x128xf32>
    %get3A_23 = arith.constant 0 : index
    %get3A_24 = arith.constant 0 : index
    %get3A_25 = vector.load %arg2[%get3A_23, %get3A_24] : memref<1000x128xf32, #tpu.memory_space<vmem>>, vector<1000x128xf32>
    %add3A_26 = arith.addf %add3A_22, %get3A_25 : vector<1000x128xf32>
    %mul3A = vector.broadcast %rsqrt3A : vector<1000x1xf32> to vector<1000x128xf32>
    %mul3A_27 = arith.mulf %mul3A, %add3A_26 : vector<1000x128xf32>
    %get3A_28 = arith.constant 0 : index
    %get3A_29 = arith.constant 0 : index
    %get3A_30 = vector.load %arg4[%get3A_28, %get3A_29] : memref<1x128xf32, #tpu.memory_space<vmem>>, vector<1x128xf32>
    %add3A_31 = vector.broadcast %get3A_30 : vector<1x128xf32> to vector<1000x128xf32>
    %add3A_32 = arith.addf %mul3A_27, %add3A_31 : vector<1000x128xf32>
    %mul3A_33 = arith.constant 5.000000e-01 : f32
    %mul3A_34 = vector.broadcast %mul3A_33 : f32 to vector<1000x128xf32>
    %mul3A_35 = arith.mulf %mul3A_34, %add3A_32 : vector<1000x128xf32>
    %mul3A_36 = arith.constant 0.707106769 : f32
    %mul3A_37 = vector.broadcast %mul3A_36 : f32 to vector<1000x128xf32>
    %mul3A_38 = arith.mulf %add3A_32, %mul3A_37 : vector<1000x128xf32>
    %erf3A = math.erf %mul3A_38 : vector<1000x128xf32>
    %add3A_39 = arith.constant 1.000000e+00 : f32
    %add3A_40 = vector.broadcast %add3A_39 : f32 to vector<1000x128xf32>
    %add3A_41 = arith.addf %add3A_40, %erf3A : vector<1000x128xf32>
    %mul3A_42 = arith.mulf %mul3A_35, %add3A_41 : vector<1000x128xf32>
    %reduce_sum3A = arith.constant dense<0.000000e+00> : vector<1000xf32>
    %reduce_sum3A_43 = vector.multi_reduction <add>, %mul3A_42, %reduce_sum3A [1] : vector<1000x128xf32> to vector<1000xf32>
    %broadcast_in_dim3A = vector.shape_cast %reduce_sum3A_43 : vector<1000xf32> to vector<1000x1xf32>
    %div3A = arith.constant 1.280000e+02 : f32
    %div3A_44 = vector.broadcast %div3A : f32 to vector<1000x1xf32>
    %div3A_45 = arith.divf %broadcast_in_dim3A, %div3A_44 : vector<1000x1xf32>
    %sub3A = vector.broadcast %div3A_45 : vector<1000x1xf32> to vector<1000x128xf32>
    %sub3A_46 = arith.subf %mul3A_42, %sub3A : vector<1000x128xf32>
    %mul3A_47 = arith.mulf %sub3A_46, %sub3A_46 : vector<1000x128xf32>
    %reduce_sum3A_48 = arith.constant dense<0.000000e+00> : vector<1000xf32>
    %reduce_sum3A_49 = vector.multi_reduction <add>, %mul3A_47, %reduce_sum3A_48 [1] : vector<1000x128xf32> to vector<1000xf32>
    %broadcast_in_dim3A_50 = vector.shape_cast %reduce_sum3A_49 : vector<1000xf32> to vector<1000x1xf32>
    %div3A_51 = arith.constant 1.280000e+02 : f32
    %div3A_52 = vector.broadcast %div3A_51 : f32 to vector<1000x1xf32>
    %div3A_53 = arith.divf %broadcast_in_dim3A_50, %div3A_52 : vector<1000x1xf32>
    %add3A_54 = arith.constant 9.99999974E-6 : f32
    %add3A_55 = vector.broadcast %add3A_54 : f32 to vector<1000x1xf32>
    %add3A_56 = arith.addf %div3A_53, %add3A_55 : vector<1000x1xf32>
    %rsqrt3A_57 = math.rsqrt %add3A_56 : vector<1000x1xf32>
    %mul3A_58 = vector.broadcast %rsqrt3A_57 : vector<1000x1xf32> to vector<1000x128xf32>
    %mul3A_59 = arith.mulf %sub3A_46, %mul3A_58 : vector<1000x128xf32>
    %get3A_60 = arith.constant 0 : index
    %get3A_61 = arith.constant 0 : index
    %get3A_62 = vector.load %arg5[%get3A_60, %get3A_61] : memref<1x128xf32, #tpu.memory_space<vmem>>, vector<1x128xf32>
    %mul3A_63 = vector.broadcast %get3A_62 : vector<1x128xf32> to vector<1000x128xf32>
    %mul3A_64 = arith.mulf %mul3A_59, %mul3A_63 : vector<1000x128xf32>
    %get3A_65 = arith.constant 0 : index
    %get3A_66 = arith.constant 0 : index
    %get3A_67 = vector.load %arg6[%get3A_65, %get3A_66] : memref<1x128xf32, #tpu.memory_space<vmem>>, vector<1x128xf32>
    %add3A_68 = vector.broadcast %get3A_67 : vector<1x128xf32> to vector<1000x128xf32>
    %add3A_69 = arith.addf %mul3A_64, %add3A_68 : vector<1000x128xf32>
    %swap3A = arith.constant 0 : index
    %swap3A_70 = arith.constant 0 : index
    %swap3A_71 = vector.load %arg7[%swap3A, %swap3A_70] : memref<1000x128xf32, #tpu.memory_space<vmem>>, vector<1000x128xf32>
    tpu.vector_store %arg7[%swap3A, %swap3A_70], %add3A_69 {strides = array<i32>} : memref<1000x128xf32, #tpu.memory_space<vmem>>, vector<1000x128xf32>,
    return
  }
  func.func @transform_0(%arg0: i32) -> (i32, i32, i32) {
    %c0_i32 = arith.constant 0 : i32
    %c0_i32_0 = arith.constant 0 : i32
    %c0_i32_1 = arith.constant 0 : i32
    return %c0_i32, %arg0, %c0_i32_0 : i32, i32, i32
  }
  func.func @transform_1(%arg0: i32) -> (i32, i32) {
    %c0_i32 = arith.constant 0 : i32
    %c0_i32_0 = arith.constant 0 : i32
    return %arg0, %c0_i32 : i32, i32
  }
  func.func @transform_2(%arg0: i32) -> (i32, i32, i32) {
    %c0_i32 = arith.constant 0 : i32
    %c0_i32_0 = arith.constant 0 : i32
    %c0_i32_1 = arith.constant 0 : i32
    return %c0_i32, %arg0, %c0_i32_0 : i32, i32, i32
  }
  func.func @transform_3(%arg0: i32) -> (i32, i32) {
    %c0_i32 = arith.constant 0 : i32
    %c0_i32_0 = arith.constant 0 : i32
    %c0_i32_1 = arith.constant 0 : i32
    return %c0_i32, %c0_i32_0 : i32, i32
  }
  func.func @transform_4(%arg0: i32) -> (i32, i32) {
    %c0_i32 = arith.constant 0 : i32
    %c0_i32_0 = arith.constant 0 : i32
    %c0_i32_1 = arith.constant 0 : i32
    return %c0_i32, %c0_i32_0 : i32, i32
  }
  func.func @transform_5(%arg0: i32) -> (i32, i32) {
    %c0_i32 = arith.constant 0 : i32
    %c0_i32_0 = arith.constant 0 : i32
    %c0_i32_1 = arith.constant 0 : i32
    return %c0_i32, %c0_i32_0 : i32, i32
  }
  func.func @transform_6(%arg0: i32) -> (i32, i32) {
    %c0_i32 = arith.constant 0 : i32
    %c0_i32_0 = arith.constant 0 : i32
    return %arg0, %c0_i32 : i32, i32
  }
}

</mosaic_0001>

<sc_bundles>
// kernel: kernel.6.cloned.1.call-start
scs
__scs_entry_jumppad:
0x0: {  	(pc) =	sbr.rel $0x88, $3  }
0x1: {  	(tag) =	ssettag $0x0;
	lr =	simm.s32 $0x1  }
0x2: {  	[smem:$0x3F9B] =	sst lr;
	_ =	strace $0xD0000000  }
0x3: {  	_ = 	snop  }
0x4: {  	_ = 	snop  }
0x5: {  	_ = 	snop  }
0x6: {  	_ = 	snop  }
0x7: {  	_ = 	snop  }
__scs_overlays_trampoline_lowered:
0x8: {  	[smem:$0x3FAA] =	sst s0  }
0x9: {  	[smem:$0x3FAB] =	sst s1  }
0xa: {  	[smem:$0x3FAC] =	sst s2  }
0xb: {  	[smem:$0x3FAD] =	sst s3  }
0xc: {  	[smem:$0x3FAE] =	sst s4  }
0xd: {  	[smem:$0x3FAF] =	sst s5  }
0xe: {  	[smem:$0x3FB0] =	sst s6  }
0xf: {  	[smem:$0x3FB1] =	sst s7  }
0x10: {  	[smem:$0x3FB2] =	sst s8  }
0x11: {  	[smem:$0x3FB3] =	sst s9;
	s0 =	simm.s32 @!p0 $0x0  }
0x12: {  	s1 =	sld [smem:$0x3F99];
	s0 =	simm.s32 @p0 $0x1  }
0x13: {  	[smem:$0x3FB4] =	sst s0;
	s0 =	simm.s32 @!p1 $0x0  }
0x14: {  	s2 =	sld [smem:$0x3F98];
	s0 =	simm.s32 @p1 $0x1  }
0x15: {  	[smem:$0x3FB5] =	sst s0;
	s0 =	simm.s32 @!p2 $0x0  }
0x16: {  	s3 =	sld [smem:$0x3FDB];
	s0 =	simm.s32 @p2 $0x1  }
0x17: {  	s4 =	simm.s32 $0x1BF5;
	[smem:$0x3FB7] =	sst s0  }
0x18: {  	s0 =	sld [smem:$0x3F9A];
	_ =	swait.ge [sflag:s4], $0x0  }
0x19: {  	s7 =	sld [smem:$0x3F9B]  }
0x1a: {  	s8 =	sadd.s32 $0xFFFFE003, lr  }
0x1b: {  	s9 =	sadd.s32 $0xFFFFFEF7, lr;
	s5 =	simm.s32 $0xFFFFFFFF;
	p2 =	slt.u32 s8, $0xFFFFF086  }
0x1c: {  	p1 =	slt.u32 s9, $0xF7A;
	s5 =	simm.s32 @!p2 $0x0  }
0x1d: {  	s5 =	simm.s32 @p1 $0x1;
	p0 =	seq.s32 s7, s2  }
0x1e: {  	s7 =	smul.u32 @!p0 $0xF7A, s2;
	p2 =	seq.s32 @!p0 s5, $0x0  }
0x1f: {  	s9 =	smul.u32 $0xF7A, s1;
	s8 =	simm.s32 @!p0 $0x1BF5;
	p2 =	por !p2, p0  }
0x20: {  	[sflag:s8] =	ssyncset.s32 @!p0 $0xFFFFF086;
	s6 =	sadd.s32 @!p0 s3, s7;
	s7 =	simm.s32 @!p0 $0x108  }
0x21: {  	s3 =	sadd.s32 s3, s9;
	s6 =	sadd.s32 @!p0 $0x88, s6;
	s7 =	simm.s32 @p2 $0x1082  }
0x22: {  	[simem:s7], [sflag:s8] =	dma.local @!p0 [hbm:s6], $0xF7A  }
0x23: {  	s9 =	sor.u32 $0xD0000000, s2;
	s6 =	simm.s32 $0x108;
	_ =	swait.ge @!p0 [sflag:s8], $0x0  }
0x24: {  	s3 =	sadd.s32 $0x88, s3;
	s6 =	simm.s32 @!p1 $0x1082;
	[sflag:s4] =	ssyncset.s32 $0xFFFFF086  }
0x25: {  	[simem:s6], [sflag:s4] =	dma.local [hbm:s3], $0xF7A  }
0x26: {  	[smem:$0x3F9B] =	sst s1;
	(tag) =	ssettag s2;
	_ =	strace s9  }
0x27: {  	s1 =	sld [smem:$0x3FAB]  }
0x28: {  	s2 =	sld [smem:$0x3FAC]  }
0x29: {  	s4 =	sld [smem:$0x3FAE]  }
0x2a: {  	p0 =	seq.s32 s5, $0x0;
	s5 =	sld [smem:$0x3FAF]  }
0x2b: {  	s6 =	sld [smem:$0x3FB0]  }
0x2c: {  	s7 =	sld [smem:$0x3FB1]  }
0x2d: {  	s3 =	simm.s32 $0x108;
	s8 =	sld [smem:$0x3FB2]  }
0x2e: {  	s3 =	simm.s32 @!p0 $0x1082;
	s9 =	sld [smem:$0x3FB3]  }
0x2f: {  	lr =	sadd.s32 s0, s3;
	s0 =	sld [smem:$0x3FAA]  }
0x30: {  	s3 =	sld [smem:$0x3FAD]  }
0x31: {  	[smem:$0x3FB6] =	sst s10  }
0x32: {  	s10 =	sld [smem:$0x3FB4];
	_ =	sdelay $0x3  }
0x33: {  	p0 =	seq.s32 s10, $0x1;
	s10 =	sld [smem:$0x3FB6];
	_ =	sdelay $0x3  }
0x34: {  	[smem:$0x3FB6] =	sst s10  }
0x35: {  	s10 =	sld [smem:$0x3FB5];
	_ =	sdelay $0x3  }
0x36: {  	p1 =	seq.s32 s10, $0x1;
	s10 =	sld [smem:$0x3FB6];
	_ =	sdelay $0x3  }
0x37: {  	[smem:$0x3FB6] =	sst s10  }
0x38: {  	s10 =	sld [smem:$0x3FB7]  }
0x39: {  	_ = 	snop;
	(pc) =	sbr.ind lr, $3  }
0x3a: {  	_ = 	snop  }
0x3b: {  	_ = 	snop  }
0x3c: {  	p2 =	seq.s32 s10, $0x1;
	s10 =	sld [smem:$0x3FB6]  }
0x3d: {  	_ =	shalt  }
0x3e: {  	_ =	shalt  }
0x3f: {  	_ =	shalt  }
0x40: {  	_ =	shalt  }
0x41: {  	_ =	shalt  }
0x42: {  	_ =	shalt  }
0x43: {  	_ =	shalt  }
0x44: {  	_ =	shalt  }
0x45: {  	_ =	shalt  }
0x46: {  	_ =	shalt  }
0x47: {  	_ =	shalt  }
0x48: {  	_ =	shalt  }
0x49: {  	_ =	shalt  }
0x4a: {  	_ =	shalt  }
0x4b: {  	_ =	shalt  }
0x4c: {  	_ =	shalt  }
0x4d: {  	_ =	shalt  }
0x4e: {  	_ =	shalt  }
0x4f: {  	_ =	shalt  }
0x50: {  	_ =	shalt  }
0x51: {  	_ =	shalt  }
0x52: {  	_ =	shalt  }
0x53: {  	_ =	shalt  }
0x54: {  	_ =	shalt  }
0x55: {  	_ =	shalt  }
0x56: {  	_ =	shalt  }
0x57: {  	_ =	shalt  }
0x58: {  	_ =	shalt  }
0x59: {  	_ =	shalt  }
0x5a: {  	_ =	shalt  }
0x5b: {  	_ =	shalt  }
0x5c: {  	_ =	shalt  }
0x5d: {  	_ =	shalt  }
0x5e: {  	_ =	shalt  }
0x5f: {  	_ =	shalt  }
0x60: {  	_ =	shalt  }
0x61: {  	_ =	shalt  }
0x62: {  	_ =	shalt  }
0x63: {  	_ =	shalt  }
0x64: {  	_ =	shalt  }
0x65: {  	_ =	shalt  }
0x66: {  	_ =	shalt  }
0x67: {  	_ =	shalt  }
0x68: {  	_ =	shalt  }
0x69: {  	_ =	shalt  }
0x6a: {  	_ =	shalt  }
0x6b: {  	_ =	shalt  }
0x6c: {  	_ =	shalt  }
0x6d: {  	_ =	shalt  }
0x6e: {  	_ =	shalt  }
0x6f: {  	_ =	shalt  }
0x70: {  	_ =	shalt  }
0x71: {  	_ =	shalt  }
0x72: {  	_ =	shalt  }
0x73: {  	_ =	shalt  }
0x74: {  	_ =	shalt  }
0x75: {  	_ =	shalt  }
0x76: {  	_ =	shalt  }
0x77: {  	_ =	shalt  }
0x78: {  	_ =	shalt  }
0x79: {  	_ =	shalt  }
0x7a: {  	_ =	shalt  }
0x7b: {  	_ =	shalt  }
0x7c: {  	_ =	shalt  }
0x7d: {  	_ =	shalt  }
0x7e: {  	_ =	shalt  }
0x7f: {  	_ =	shalt  }
0x80: {  	_ =	shalt  }
0x81: {  	_ =	shalt  }
0x82: {  	_ =	shalt  }
0x83: {  	_ =	shalt  }
0x84: {  	_ =	shalt  }
0x85: {  	_ =	shalt  }
0x86: {  	_ =	shalt  }
0x87: {  	_ =	shalt  }
.Lfunc_end0:
.L_simem_size_0:
called_computation_lowered:
.L_overlay_start_0:
0x88: {  	s2 =	sld [smem:$0x3FD9]  }
0x89: {  	s3 =	sld [smem:$0x3FFE];
	_ =	sdelay $0x1  }
0x8a: {  	s1 =	srdreg.scid  }
0x8b: {  	s0 =	sand.u32 $0x1, s1  }
0x8c: {  	s17 =	sshll.u32 s0, $0xA;
	s2 =	sadd.s32 s3, s2  }
0x8d: {  	s2 =	sadd.s32 s2, s17  }
0x8e: {  	[smem:$0x3FC2] =	sst s2  }
0x8f: {  	_ = 	snop  }
0x90: {  	s2 =	sld [smem:$0x3FD0];
	(tm) =	ssettm $0x1  }
0x91: {  	s18 =	sld [smem:$0x3FFB];
	_ =	sdelay $0x3  }
0x92: {  	_ =	strace s18  }
0x93: {  	s3 =	sld [smem:$0x3FFC];
	_ =	sdelay $0x3  }
0x94: {  	_ =	strace s3  }
0x95: {  	s3 =	sld [smem:$0x3FFD];
	_ =	sdelay $0x3  }
0x96: {  	_ =	strace s3  }
0x97: {  	_ =	strace $0x8FFFFFFF  }
0x98: {  	s19 =	sld [smem:$0x3FDB];
	_ =	sdelay $0x1  }
0x99: {  	s4 =	simm.s32 $_scs_section_size  }
0x9a: {  	s5 =	simm.s32 $_size__tile_overlayer_lowered;
	s6 =	simm.s32 $_tile_overlayer_lowered  }
0x9b: {  	s22 =	simm.s32 $0x1BFF;
	s21 =	sshll.u32 s6, $0x1;
	s3 =	sadd.s32 s4, s19  }
0x9c: {  	s7 =	simm.s32 $0x0;
	s20 =	sshll.u32 s5, $0x1;
	s5 =	sadd.s32 s21, s3  }
0x9d: {  	[timem:s7], [sflag:s22] =	dma.local [hbm:s5], s20  }
0x9e: {  	_ =	swait.ge [sflag:s22], s20  }
0x9f: {  	s4 =	ssub.s32 $0x0, s20;
	[sflag:s22] =	ssyncset.done $0x0  }
0xa0: {  	[sflag:s22] =	ssyncadd.s32 s4;
	_ =	sdelay $0x1  }
0xa1: {  	s23 =	simm.s32 $0x1B8B  }
0xa2: {  	_ =	swait.ge [sflag:s23], $0x1  }
0xa3: {  	[sflag:s23] =	ssyncset.done $0x0  }
0xa4: {  	s25 =	simm.s32 $0x1B8E;
	s24 =	sld [smem:$0x3FFE];
	[sflag:s23] =	ssyncadd.s32 $0xFFFFFFFF  }
0xa5: {  	s26 =	simm.s32 $execute0_lowered;
	[smem:$0x3FD2] =	sst s25  }
0xa6: {  	s5 =	sshll.u32 s26, $0x1;
	_ =	strace $0x80000046;
	[dreg:$0x1] =	wrdreg $0xFFFFFFFF  }
0xa7: {  	s28 =	simm.s32 $_size_execute0_lowered;
	s3 =	sadd.s32 s3, s5;
	[dreg:$0x0] =	wrdreg $0x0  }
0xa8: {  	s5 =	sshll.u32 s28, $0x1;
	[dreg:$0x2] =	wrdreg s3  }
0xa9: {  	[dreg:$0x3] =	wrdreg s5  }
0xaa: {  	[dreg:$0x4] =	wrdreg $0xC0  }
0xab: {  	_ =	task [dreg:s7], $0x5FFFF  }
0xac: {  	[dreg:$0x1] =	wrdreg $0xFFFFFFFF  }
0xad: {  	[dreg:$0x0] =	wrdreg $0x60  }
0xae: {  	[dreg:$0x2] =	wrdreg s2  }
0xaf: {  	[dreg:$0x3] =	wrdreg s24  }
0xb0: {  	[dreg:$0x4] =	wrdreg $0x68000  }
0xb1: {  	[dreg:$0x5] =	wrdreg $0x9  }
0xb2: {  	_ =	task.clear_ibuf [dreg:s7], $0x6FFFF;
	_ =	strace $0x90000046  }
0xb3: {  	s29 =	simm.s32 $0x9;
	_ =	strace $0x80000048  }
0xb4: {  	_ =	swait.ge [sflag:s29], $0x1  }
0xb5: {  	[sflag:s29] =	ssyncadd.s32 $0xFFFFFFFF  }
0xb6: {  	_ =	strace $0x90000048  }
0xb7: {  	_ =	sfence  }
0xb8: {  	s30 =	sld [smem:$0x0];
	_ =	sdelay $0x2  }
0xb9: {  	s31 =	sshll.u32 s1, $0xD;
	s1 =	sshrl.u32 s1, $0x2  }
0xba: {  	s3 =	sand.u32 $0x4000, s31;
	s1 =	sadd.s32 s1, s30  }
0xbb: {  	s0 =	sor.u32 s3, s0;
	s1 =	sshll.u32 s1, $0x11  }
0xbc: {  	s0 =	sor.u32 s1, s0  }
0xbd: {  	s0 =	sadd.s32 $0x8F2B, s0  }
0xbe: {  	[sflag:s0] =	ssyncadd.remote.s32 $0x1  }
0xbf: {  	_ =	sfence.sel $0xFFFF  }
0xc0: {  	[dreg:$0x0] =	wrdreg $0xFFFFFFFF;
	(pc) =	sbr.abs _section_cstart, $3  }
0xc1: {  	[dreg:$0x1] =	wrdreg $0xFFFFFFFF  }
0xc2: {  	_ =	task.clear_ibuf [dreg:s7], $0x2FFFF;
	_ =	strace $0x9FFFFFFF  }
0xc3: {  	(tm) =	ssettm $0x7FFFFFFF  }
tec
execute0_lowered:
.L_overlay_start_1:
0x0: {  	(tag) =	ssettag $0x1  }
0x1: {  	s6 =	rddreg [dreg:$0x0]  }
0x2: {  	s7 =	rddreg [dreg:$0x1]  }
0x3: {  	s2 =	rddreg [dreg:$0x2]  }
0x4: {  	s0 =	rddreg [dreg:$0x3];
	s4 =	srdreg.scid  }
0x5: {  	s1 =	stileid.u32;
	s3 =	simm.s32 $0x0;
	s17 =	simm.s32 $0x50  }
0x6: {  	s18 =	simm.s32 $0x1;
	s19 =	simm.s32 $0x0;
	s8 =	sand.u32 $0x1, s4  }
0x7: {  	s9 =	smul.u32 $0x2800, s1;
	[smem:$0x7FF] =	sst s3;
	s4 =	sadd.s32 $0x1800, s7  }
0x8: {  	s5 =	sadd.s32 $0x1E00, s7;
	s11 =	smul.u32 $0x50000, s1;
	s12 =	sshll.u32 s1, $0xB  }
0x9: {  	s31 =	sshll.u32 s1, $0x6;
	s10 =	smul.u32 $0x28000, s8;
	_ =	strace $0x80000047  }
0xa: {  	s28 =	ssub.s32 $0x2, s8;
	s8 =	sshll.u32 s8, $0xF;
	s6 =	sadd.s32 s6, s12  }
0xb: {  	s29 =	sshrl.u32 s28, $0x1;
	s11 =	sshrl.u32 s11, $0x2;
	s6 =	sadd.s32 s8, s6  }
0xc: {  	s9 =	sadd.s32 s9, s10;
	s30 =	sadd.s32 s11, s2;
	s10 =	simm.s32 $0x4000  }
0xd: {  	s11 =	sor.u32 $0x1C02, s31;
	s7 =	sadd.s32 s9, s7;
	s9 =	ssub.s32 s28, s29  }
0xe: {  	s13 =	sadd.s32 $0x4000, s30;
	s14 =	sadd.s32 $0x8000, s30;
	s15 =	sadd.s32 $0xC000, s30  }
0xf: {  	s16 =	sadd.s32 $0x10000, s30;
	s12 =	sshrl.u32 s30, $0x3;
	s7 =	sadd.s32 $0x2600, s7  }
0x10: {  	s8 =	smax.u32 s9, $0x1;
	s9 =	simm.s32 $0x2;
	s13 =	sshrl.u32 s13, $0x3  }
0x11: {  	s14 =	sshrl.u32 s14, $0x3;
	s15 =	sshrl.u32 s15, $0x3;
	s16 =	sshrl.u32 s16, $0x3  }
.LBB2_1:
0x12: {  	[tilespmem:s3], [sflag:$0x2] =	stream.linear.gather [hbm4b:s6+s3], $0x3E80, $0x38;
	[tilespmem:$0x1A800] =	vst v63  }
0x13: {  	_ =	swait.ge [sflag:s9], $0x3E80  }
0x14: {  	[sflag:s9] =	ssyncset.done $0x0  }
0x15: {  	[sflag:s9] =	ssyncadd.s32 $0xFFFFC180  }
0x16: {  	[tilespmem:s10], [sflag:$0x2] =	stream.linear.gather [hbm4b:s4+s3], $0x2800, $0x38;
	[tilespmem:$0x1A800] =	vst v63  }
0x17: {  	_ =	swait.ge [sflag:s9], $0x2800  }
0x18: {  	[sflag:s9] =	ssyncset.done $0x0  }
0x19: {  	[sflag:s9] =	ssyncadd.s32 $0xFFFFD800  }
0x1a: {  	[spmem:s12], [sflag:s11] =	dma.local [hbm:s5], $0x800  }
0x1b: {  	_ =	swait.ge [sflag:s9], $0x800  }
0x1c: {  	[sflag:s9] =	ssyncset.done $0x0  }
0x1d: {  	[sflag:s9] =	ssyncadd.s32 $0xFFFFF800  }
0x1e: {  	[spmem:s13], [sflag:s11] =	dma.local [hbm:s5], $0x800  }
0x1f: {  	_ =	swait.ge [sflag:s9], $0x800  }
0x20: {  	[sflag:s9] =	ssyncset.done $0x0  }
0x21: {  	[sflag:s9] =	ssyncadd.s32 $0xFFFFF800  }
0x22: {  	[spmem:s14], [sflag:s11] =	dma.local [hbm:s5], $0x800  }
0x23: {  	_ =	swait.ge [sflag:s9], $0x800  }
0x24: {  	[sflag:s9] =	ssyncset.done $0x0  }
0x25: {  	[sflag:s9] =	ssyncadd.s32 $0xFFFFF800  }
0x26: {  	[spmem:s15], [sflag:s11] =	dma.local [hbm:s5], $0x800  }
0x27: {  	_ =	swait.ge [sflag:s9], $0x800  }
0x28: {  	[sflag:s9] =	ssyncset.done $0x0  }
0x29: {  	[sflag:s9] =	ssyncadd.s32 $0xFFFFF800  }
0x2a: {  	[spmem:s16], [sflag:s11] =	dma.local [hbm:s5], $0x800  }
0x2b: {  	_ =	swait.ge [sflag:s9], $0x800  }
0x2c: {  	[sflag:s9] =	ssyncset.done $0x0  }
0x2d: {  	[sflag:s9] =	ssyncadd.s32 $0xFFFFF800  }
0x2e: {  	s20 =	simm.s32 $0x0;
	[bflag:$0x0] =	sbarrier.arrive $0xFFFF  }
.LBB2_2:
0x2f: {  	p0 =	sne.s32 s20, $0xF800  }
.Ltmp0:
0x30: {  	_ = 	snop;
	(pc) =	sbr.rel @p0 .LBB2_2-.Ltmp0, $3  }
0x31: {  	_ =	sdelay $0x1  }
0x32: {  	s21 =	sshra.s32 s20, $0x2;
	s20 =	sadd.s32 $0x200, s20  }
0x33: {  	[spmem:s2] =	stream.indirect.scatter.add.f32 [tilespmem:s10], [sflag:$0x1], $0x80, s21, s17, $0xb8;
	[tilespmem:$0x1A800] =	vst v63  }
0x34: {  	_ =	swait.ge [sflag:s18], $0x2800  }
0x35: {  	s20 =	simm.s32 $0x7C;
	[sflag:s18] =	ssyncset.done $0x0  }
.LBB2_4:
0x36: {  	p0 =	sne.s32 s20, $0x1;
	s20 =	sadd.s32 $0xFFFFFFFF, s20;
	[sflag:s18] =	ssyncadd.s32 $0xFFFFD800  }
.Ltmp1:
0x37: {  	(pc) =	sbr.rel @p0 .LBB2_4-.Ltmp1, $3  }
0x38: {  	_ =	sdelay $0x1  }
0x39: {  	_ =	swait.ge [sflag:s18], $0x2800  }
0x3a: {  	[sflag:s18] =	ssyncset.done $0x0  }
0x3b: {  	s19 =	sadd.s32 $0x1, s19  }
0x3c: {  	[sflag:s18] =	ssyncadd.s32 $0xFFFFD800;
	p0 =	sne.s32 s19, s8  }
.Ltmp2:
0x3d: {  	[bflag:$0x0] =	sbarrier.arrive $0xFFFF;
	(pc) =	sbr.rel @p0 .LBB2_1-.Ltmp2, $4  }
0x3e: {  	[hbm:s7], [sflag:s11] =	dma.local [spmem:s12], $0x2800  }
0x3f: {  	_ =	swait.ge [sflag:s9], $0x2800  }
0x40: {  	[sflag:s9] =	ssyncset.done $0x0  }
0x41: {  	[sflag:s9] =	ssyncadd.s32 $0xFFFFD800  }
0x42: {  	_ =	sfence.sel $0x180000  }
0x43: {  	[bflag:$0x0] =	sbarrier.arrive $0xFFFF  }
0x44: {  	p0 =	sne.s32 s1, $0x0;
	_ =	strace $0x90000047  }
0x45: {  	s0 =	sadd.s32 @!p0 $0x100000, s0;
	[bflag:$0x2] =	sbarrier.arrive $0xFFFF  }
0x46: {  	[sflag:s0] =	ssyncadd.tile.s32 @!p0 $0x1;
	_ =	shalt  }
.Lfunc_end2:
_tile_overlayer_lowered:
.L_overlay_start_2:
0x47: {  	(tag) =	ssettag $0x2  }
0x48: {  	s0 =	rddreg [dreg:$0x0];
	s2 =	stileid.u32  }
0x49: {  	s1 =	rddreg [dreg:$0x1];
	p0 =	sne.s32 s2, $0x0  }
0x4a: {  	s3 =	rddreg [dreg:$0x2];
	[bflag:$0x3] =	sbarrier.arrive $0xFFFF;
	s2 =	simm.s32 @!p0 $0x1C02  }
0x4b: {  	[timem:s3], [sflag:s2] =	dma.local @!p0 [hbm:s0], s1  }
0x4c: {  	s0 =	simm.s32 @!p0 $0x2  }
0x4d: {  	_ =	swait.ge @!p0 [sflag:s0], s1  }
0x4e: {  	s1 =	ssub.s32 @!p0 $0x0, s1;
	[sflag:s0] =	ssyncset.done @!p0 $0x0  }
0x4f: {  	[sflag:s0] =	ssyncadd.s32 @!p0 s1  }
0x50: {  	[bflag:$0x3] =	sbarrier.arrive $0xFFFF  }
0x51: {  	_ =	shalt  }

// kernel: kernel.9.cloned.1.call-start
scs
__scs_entry_jumppad:
0x0: {  	(pc) =	sbr.rel $0x88, $3  }
0x1: {  	(tag) =	ssettag $0x0;
	lr =	simm.s32 $0x1  }
0x2: {  	[smem:$0x3F9B] =	sst lr;
	_ =	strace $0xD0000000  }
0x3: {  	_ = 	snop  }
0x4: {  	_ = 	snop  }
0x5: {  	_ = 	snop  }
0x6: {  	_ = 	snop  }
0x7: {  	_ = 	snop  }
__scs_overlays_trampoline_lowered:
0x8: {  	[smem:$0x3FAA] =	sst s0  }
0x9: {  	[smem:$0x3FAB] =	sst s1  }
0xa: {  	[smem:$0x3FAC] =	sst s2  }
0xb: {  	[smem:$0x3FAD] =	sst s3  }
0xc: {  	[smem:$0x3FAE] =	sst s4  }
0xd: {  	[smem:$0x3FAF] =	sst s5  }
0xe: {  	[smem:$0x3FB0] =	sst s6  }
0xf: {  	[smem:$0x3FB1] =	sst s7  }
0x10: {  	[smem:$0x3FB2] =	sst s8  }
0x11: {  	[smem:$0x3FB3] =	sst s9;
	s0 =	simm.s32 @!p0 $0x0  }
0x12: {  	s1 =	sld [smem:$0x3F99];
	s0 =	simm.s32 @p0 $0x1  }
0x13: {  	[smem:$0x3FB4] =	sst s0;
	s0 =	simm.s32 @!p1 $0x0  }
0x14: {  	s2 =	sld [smem:$0x3F98];
	s0 =	simm.s32 @p1 $0x1  }
0x15: {  	[smem:$0x3FB5] =	sst s0;
	s0 =	simm.s32 @!p2 $0x0  }
0x16: {  	s3 =	sld [smem:$0x3FDB];
	s0 =	simm.s32 @p2 $0x1  }
0x17: {  	s4 =	simm.s32 $0x1BF5;
	[smem:$0x3FB7] =	sst s0  }
0x18: {  	s0 =	sld [smem:$0x3F9A];
	_ =	swait.ge [sflag:s4], $0x0  }
0x19: {  	s7 =	sld [smem:$0x3F9B]  }
0x1a: {  	s8 =	sadd.s32 $0xFFFFE003, lr  }
0x1b: {  	s9 =	sadd.s32 $0xFFFFFEF7, lr;
	s5 =	simm.s32 $0xFFFFFFFF;
	p2 =	slt.u32 s8, $0xFFFFF086  }
0x1c: {  	p1 =	slt.u32 s9, $0xF7A;
	s5 =	simm.s32 @!p2 $0x0  }
0x1d: {  	s5 =	simm.s32 @p1 $0x1;
	p0 =	seq.s32 s7, s2  }
0x1e: {  	s7 =	smul.u32 @!p0 $0xF7A, s2;
	p2 =	seq.s32 @!p0 s5, $0x0  }
0x1f: {  	s9 =	smul.u32 $0xF7A, s1;
	s8 =	simm.s32 @!p0 $0x1BF5;
	p2 =	por !p2, p0  }
0x20: {  	[sflag:s8] =	ssyncset.s32 @!p0 $0xFFFFF086;
	s6 =	sadd.s32 @!p0 s3, s7;
	s7 =	simm.s32 @!p0 $0x108  }
0x21: {  	s3 =	sadd.s32 s3, s9;
	s6 =	sadd.s32 @!p0 $0x88, s6;
	s7 =	simm.s32 @p2 $0x1082  }
0x22: {  	[simem:s7], [sflag:s8] =	dma.local @!p0 [hbm:s6], $0xF7A  }
0x23: {  	s9 =	sor.u32 $0xD0000000, s2;
	s6 =	simm.s32 $0x108;
	_ =	swait.ge @!p0 [sflag:s8], $0x0  }
0x24: {  	s3 =	sadd.s32 $0x88, s3;
	s6 =	simm.s32 @!p1 $0x1082;
	[sflag:s4] =	ssyncset.s32 $0xFFFFF086  }
0x25: {  	[simem:s6], [sflag:s4] =	dma.local [hbm:s3], $0xF7A  }
0x26: {  	[smem:$0x3F9B] =	sst s1;
	(tag) =	ssettag s2;
	_ =	strace s9  }
0x27: {  	s1 =	sld [smem:$0x3FAB]  }
0x28: {  	s2 =	sld [smem:$0x3FAC]  }
0x29: {  	s4 =	sld [smem:$0x3FAE]  }
0x2a: {  	p0 =	seq.s32 s5, $0x0;
	s5 =	sld [smem:$0x3FAF]  }
0x2b: {  	s6 =	sld [smem:$0x3FB0]  }
0x2c: {  	s7 =	sld [smem:$0x3FB1]  }
0x2d: {  	s3 =	simm.s32 $0x108;
	s8 =	sld [smem:$0x3FB2]  }
0x2e: {  	s3 =	simm.s32 @!p0 $0x1082;
	s9 =	sld [smem:$0x3FB3]  }
0x2f: {  	lr =	sadd.s32 s0, s3;
	s0 =	sld [smem:$0x3FAA]  }
0x30: {  	s3 =	sld [smem:$0x3FAD]  }
0x31: {  	[smem:$0x3FB6] =	sst s10  }
0x32: {  	s10 =	sld [smem:$0x3FB4];
	_ =	sdelay $0x3  }
0x33: {  	p0 =	seq.s32 s10, $0x1;
	s10 =	sld [smem:$0x3FB6];
	_ =	sdelay $0x3  }
0x34: {  	[smem:$0x3FB6] =	sst s10  }
0x35: {  	s10 =	sld [smem:$0x3FB5];
	_ =	sdelay $0x3  }
0x36: {  	p1 =	seq.s32 s10, $0x1;
	s10 =	sld [smem:$0x3FB6];
	_ =	sdelay $0x3  }
0x37: {  	[smem:$0x3FB6] =	sst s10  }
0x38: {  	s10 =	sld [smem:$0x3FB7]  }
0x39: {  	_ = 	snop;
	(pc) =	sbr.ind lr, $3  }
0x3a: {  	_ = 	snop  }
0x3b: {  	_ = 	snop  }
0x3c: {  	p2 =	seq.s32 s10, $0x1;
	s10 =	sld [smem:$0x3FB6]  }
0x3d: {  	_ =	shalt  }
0x3e: {  	_ =	shalt  }
0x3f: {  	_ =	shalt  }
0x40: {  	_ =	shalt  }
0x41: {  	_ =	shalt  }
0x42: {  	_ =	shalt  }
0x43: {  	_ =	shalt  }
0x44: {  	_ =	shalt  }
0x45: {  	_ =	shalt  }
0x46: {  	_ =	shalt  }
0x47: {  	_ =	shalt  }
0x48: {  	_ =	shalt  }
0x49: {  	_ =	shalt  }
0x4a: {  	_ =	shalt  }
0x4b: {  	_ =	shalt  }
0x4c: {  	_ =	shalt  }
0x4d: {  	_ =	shalt  }
0x4e: {  	_ =	shalt  }
0x4f: {  	_ =	shalt  }
0x50: {  	_ =	shalt  }
0x51: {  	_ =	shalt  }
0x52: {  	_ =	shalt  }
0x53: {  	_ =	shalt  }
0x54: {  	_ =	shalt  }
0x55: {  	_ =	shalt  }
0x56: {  	_ =	shalt  }
0x57: {  	_ =	shalt  }
0x58: {  	_ =	shalt  }
0x59: {  	_ =	shalt  }
0x5a: {  	_ =	shalt  }
0x5b: {  	_ =	shalt  }
0x5c: {  	_ =	shalt  }
0x5d: {  	_ =	shalt  }
0x5e: {  	_ =	shalt  }
0x5f: {  	_ =	shalt  }
0x60: {  	_ =	shalt  }
0x61: {  	_ =	shalt  }
0x62: {  	_ =	shalt  }
0x63: {  	_ =	shalt  }
0x64: {  	_ =	shalt  }
0x65: {  	_ =	shalt  }
0x66: {  	_ =	shalt  }
0x67: {  	_ =	shalt  }
0x68: {  	_ =	shalt  }
0x69: {  	_ =	shalt  }
0x6a: {  	_ =	shalt  }
0x6b: {  	_ =	shalt  }
0x6c: {  	_ =	shalt  }
0x6d: {  	_ =	shalt  }
0x6e: {  	_ =	shalt  }
0x6f: {  	_ =	shalt  }
0x70: {  	_ =	shalt  }
0x71: {  	_ =	shalt  }
0x72: {  	_ =	shalt  }
0x73: {  	_ =	shalt  }
0x74: {  	_ =	shalt  }
0x75: {  	_ =	shalt  }
0x76: {  	_ =	shalt  }
0x77: {  	_ =	shalt  }
0x78: {  	_ =	shalt  }
0x79: {  	_ =	shalt  }
0x7a: {  	_ =	shalt  }
0x7b: {  	_ =	shalt  }
0x7c: {  	_ =	shalt  }
0x7d: {  	_ =	shalt  }
0x7e: {  	_ =	shalt  }
0x7f: {  	_ =	shalt  }
0x80: {  	_ =	shalt  }
0x81: {  	_ =	shalt  }
0x82: {  	_ =	shalt  }
0x83: {  	_ =	shalt  }
0x84: {  	_ =	shalt  }
0x85: {  	_ =	shalt  }
0x86: {  	_ =	shalt  }
0x87: {  	_ =	shalt  }
.Lfunc_end0:
.L_simem_size_0:
called_computation.1_lowered:
.L_overlay_start_0:
0x88: {  	s2 =	sld [smem:$0x3FD9]  }
0x89: {  	s3 =	sld [smem:$0x3FFE];
	_ =	sdelay $0x1  }
0x8a: {  	s1 =	srdreg.scid  }
0x8b: {  	s0 =	sand.u32 $0x1, s1  }
0x8c: {  	s17 =	sshll.u32 s0, $0xA;
	s2 =	sadd.s32 s3, s2  }
0x8d: {  	s2 =	sadd.s32 s2, s17  }
0x8e: {  	[smem:$0x3FC2] =	sst s2  }
0x8f: {  	_ = 	snop  }
0x90: {  	s2 =	sld [smem:$0x3FD0];
	(tm) =	ssettm $0x1  }
0x91: {  	s18 =	sld [smem:$0x3FFB];
	_ =	sdelay $0x3  }
0x92: {  	_ =	strace s18  }
0x93: {  	s3 =	sld [smem:$0x3FFC];
	_ =	sdelay $0x3  }
0x94: {  	_ =	strace s3  }
0x95: {  	s3 =	sld [smem:$0x3FFD];
	_ =	sdelay $0x3  }
0x96: {  	_ =	strace s3  }
0x97: {  	_ =	strace $0x8FFFFFFF  }
0x98: {  	s19 =	sld [smem:$0x3FDB];
	_ =	sdelay $0x1  }
0x99: {  	s4 =	simm.s32 $_scs_section_size  }
0x9a: {  	s5 =	simm.s32 $_size__tile_overlayer_lowered;
	s6 =	simm.s32 $_tile_overlayer_lowered  }
0x9b: {  	s22 =	simm.s32 $0x1BFF;
	s21 =	sshll.u32 s6, $0x1;
	s3 =	sadd.s32 s4, s19  }
0x9c: {  	s7 =	simm.s32 $0x0;
	s20 =	sshll.u32 s5, $0x1;
	s5 =	sadd.s32 s21, s3  }
0x9d: {  	[timem:s7], [sflag:s22] =	dma.local [hbm:s5], s20  }
0x9e: {  	_ =	swait.ge [sflag:s22], s20  }
0x9f: {  	s4 =	ssub.s32 $0x0, s20;
	[sflag:s22] =	ssyncset.done $0x0  }
0xa0: {  	[sflag:s22] =	ssyncadd.s32 s4;
	_ =	sdelay $0x1  }
0xa1: {  	s23 =	simm.s32 $0x1B8B  }
0xa2: {  	_ =	swait.ge [sflag:s23], $0x1  }
0xa3: {  	[sflag:s23] =	ssyncset.done $0x0  }
0xa4: {  	s25 =	simm.s32 $0x1B8E;
	s24 =	sld [smem:$0x3FFE];
	[sflag:s23] =	ssyncadd.s32 $0xFFFFFFFF  }
0xa5: {  	s26 =	simm.s32 $execute0_lowered;
	[smem:$0x3FD2] =	sst s25  }
0xa6: {  	s5 =	sshll.u32 s26, $0x1;
	_ =	strace $0x80000049;
	[dreg:$0x1] =	wrdreg $0xFFFFFFFF  }
0xa7: {  	s28 =	simm.s32 $_size_execute0_lowered;
	s3 =	sadd.s32 s3, s5;
	[dreg:$0x0] =	wrdreg $0x0  }
0xa8: {  	s5 =	sshll.u32 s28, $0x1;
	[dreg:$0x2] =	wrdreg s3  }
0xa9: {  	[dreg:$0x3] =	wrdreg s5  }
0xaa: {  	[dreg:$0x4] =	wrdreg $0xC0  }
0xab: {  	_ =	task [dreg:s7], $0x5FFFF  }
0xac: {  	[dreg:$0x1] =	wrdreg $0xFFFFFFFF  }
0xad: {  	[dreg:$0x0] =	wrdreg $0x60  }
0xae: {  	[dreg:$0x2] =	wrdreg s2  }
0xaf: {  	[dreg:$0x3] =	wrdreg s24  }
0xb0: {  	[dreg:$0x4] =	wrdreg $0xC0000  }
0xb1: {  	[dreg:$0x5] =	wrdreg $0x9  }
0xb2: {  	_ =	task.clear_ibuf [dreg:s7], $0x6FFFF;
	_ =	strace $0x90000049  }
0xb3: {  	s29 =	simm.s32 $0x9;
	_ =	strace $0x8000004B  }
0xb4: {  	_ =	swait.ge [sflag:s29], $0x1  }
0xb5: {  	[sflag:s29] =	ssyncadd.s32 $0xFFFFFFFF  }
0xb6: {  	_ =	strace $0x9000004B  }
0xb7: {  	_ =	sfence  }
0xb8: {  	s30 =	sld [smem:$0x0];
	_ =	sdelay $0x2  }
0xb9: {  	s31 =	sshll.u32 s1, $0xD;
	s1 =	sshrl.u32 s1, $0x2  }
0xba: {  	s3 =	sand.u32 $0x4000, s31;
	s1 =	sadd.s32 s1, s30  }
0xbb: {  	s0 =	sor.u32 s3, s0;
	s1 =	sshll.u32 s1, $0x11  }
0xbc: {  	s0 =	sor.u32 s1, s0  }
0xbd: {  	s0 =	sadd.s32 $0x8F2B, s0  }
0xbe: {  	[sflag:s0] =	ssyncadd.remote.s32 $0x1  }
0xbf: {  	_ =	sfence.sel $0xFFFF  }
0xc0: {  	[dreg:$0x0] =	wrdreg $0xFFFFFFFF;
	(pc) =	sbr.abs _section_cstart, $3  }
0xc1: {  	[dreg:$0x1] =	wrdreg $0xFFFFFFFF  }
0xc2: {  	_ =	task.clear_ibuf [dreg:s7], $0x2FFFF;
	_ =	strace $0x9FFFFFFF  }
0xc3: {  	(tm) =	ssettm $0x7FFFFFFF  }
tec
execute0_lowered:
.L_overlay_start_1:
0x0: {  	(tag) =	ssettag $0x1  }
0x1: {  	s0 =	srdreg.scid;
	s8 =	stileid.u32  }
0x2: {  	s0 =	sand.u32 $0x1, s0;
	s4 =	smul.u32 $0x5000, s8  }
0x3: {  	s2 =	rddreg [dreg:$0x0];
	s1 =	smul.u32 $0x50000, s0  }
0x4: {  	s5 =	rddreg [dreg:$0x1]  }
0x5: {  	s3 =	rddreg [dreg:$0x2];
	s1 =	sadd.s32 s4, s1;
	s4 =	simm.s32 $0x0  }
0x6: {  	s12 =	simm.s32 $0x80;
	[smem:$0x7FF] =	sst s4  }
0x7: {  	s13 =	simm.s32 $0x100;
	_ =	strace $0x8000004A;
	[dreg:$0x6] =	wrdreg s12  }
0x8: {  	s14 =	simm.s32 $0x180;
	[dreg:$0x7] =	wrdreg s13  }
0x9: {  	s15 =	simm.s32 $0x1080;
	[dreg:$0x8] =	wrdreg s14  }
0xa: {  	s17 =	simm.s32 $0x200;
	[dreg:$0x9] =	wrdreg s15  }
0xb: {  	s9 =	sadd.s32 $0x1E00, s5;
	[dreg:$0xa] =	wrdreg s17  }
0xc: {  	s18 =	simm.s32 $0x1100;
	[smem:$0x7E8] =	sst s9  }
0xd: {  	s19 =	simm.s32 $0x280;
	[dreg:$0xb] =	wrdreg s18  }
0xe: {  	s20 =	simm.s32 $0x1180;
	[dreg:$0xc] =	wrdreg s19  }
0xf: {  	s21 =	simm.s32 $0x300;
	[dreg:$0xd] =	wrdreg s20  }
0x10: {  	s22 =	simm.s32 $0x1200;
	s24 =	simm.s32 $0x380;
	[dreg:$0xe] =	wrdreg s21  }
0x11: {  	s7 =	smul.u32 $0x28000, s0;
	s0 =	ssub.s32 $0x2, s0;
	[dreg:$0xf] =	wrdreg s22  }
0x12: {  	s26 =	simm.s32 $0x1280;
	s23 =	sshrl.u32 s0, $0x1;
	[dreg:$0x10] =	wrdreg s24  }
0x13: {  	s10 =	simm.s32 $0x480;
	s0 =	ssub.s32 s0, s23;
	[dreg:$0x11] =	wrdreg s26  }
0x14: {  	s16 =	smul.u32 $0x2800, s8;
	s0 =	smax.u32 s0, $0x1;
	[dreg:$0x14] =	wrdreg s10  }
0x15: {  	s25 =	smul.u32 $0x50000, s8;
	s23 =	simm.s32 $0x680;
	[smem:$0x7EA] =	sst s0  }
0x16: {  	s11 =	sshll.u32 s8, $0x6;
	s8 =	simm.s32 $0x780;
	[dreg:$0x1c] =	wrdreg s23  }
0x17: {  	s9 =	simm.s32 $0x1300;
	[smem:$0x7EE] =	sst s8  }
0x18: {  	s12 =	simm.s32 $0x1380;
	[dreg:$0x13] =	wrdreg s9  }
0x19: {  	s13 =	simm.s32 $0x500;
	[dreg:$0x15] =	wrdreg s12  }
0x1a: {  	s28 =	simm.s32 $0x7;
	s18 =	simm.s32 $0x580;
	[dreg:$0x16] =	wrdreg s13  }
0x1b: {  	s29 =	simm.s32 $0x8;
	s20 =	simm.s32 $0x1480;
	[dreg:$0x18] =	wrdreg s18  }
0x1c: {  	s30 =	simm.s32 $0x1980;
	s21 =	simm.s32 $0x600;
	[dreg:$0x19] =	wrdreg s20  }
0x1d: {  	s31 =	simm.s32 $0xB00;
	s22 =	simm.s32 $0x1500;
	[dreg:$0x1a] =	wrdreg s21  }
0x1e: {  	s1 =	sshrl.u32 s1, $0x3;
	s24 =	simm.s32 $0x1580;
	[dreg:$0x1b] =	wrdreg s22  }
0x1f: {  	s1 =	sadd.s32 s1, s5;
	s23 =	simm.s32 $0x1880;
	[dreg:$0x1d] =	wrdreg s24  }
0x20: {  	s14 =	sor.u32 $0x1C09, s11;
	s10 =	simm.s32 $0x9;
	[smem:$0x7F8] =	sst s23  }
0x21: {  	s0 =	simm.s32 $0xB80;
	s6 =	sadd.s32 $0x52600, s1;
	[smem:$0x7FC] =	sst s14  }
0x22: {  	s8 =	simm.s32 $0xC00;
	s1 =	sadd.s32 $0x66600, s1;
	[dreg:$0x4] =	wrdreg s6  }
0x23: {  	s13 =	simm.s32 $0x1680;
	s18 =	simm.s32 $0x880;
	[dreg:$0x5] =	wrdreg s1  }
0x24: {  	s20 =	simm.s32 $0x900;
	s21 =	simm.s32 $0x1800;
	[smem:$0x7F0] =	sst s13  }
0x25: {  	s22 =	simm.s32 $0x980;
	s24 =	simm.s32 $0xA00;
	[smem:$0x7F3] =	sst s18  }
0x26: {  	s23 =	simm.s32 $0x5;
	s9 =	simm.s32 $0x0;
	[smem:$0x7F5] =	sst s20  }
0x27: {  	s6 =	sadd.s32 s16, s7;
	s7 =	sshrl.u32 s25, $0x2;
	[smem:$0x7F6] =	sst s21  }
0x28: {  	s16 =	simm.s32 $0x1400;
	s25 =	simm.s32 $0x700;
	[smem:$0x7F7] =	sst s22  }
0x29: {  	s18 =	simm.s32 $0x4800;
	s20 =	simm.s32 $0x1;
	[smem:$0x7F9] =	sst s24  }
0x2a: {  	s21 =	simm.s32 $0x9800;
	s22 =	simm.s32 $0x2;
	[dreg:$0x17] =	wrdreg s16  }
0x2b: {  	s5 =	sadd.s32 s6, s5;
	s6 =	simm.s32 $0x400;
	[dreg:$0x1e] =	wrdreg s25  }
0x2c: {  	s16 =	simm.s32 $0x800;
	s25 =	simm.s32 $0x1900;
	[dreg:$0x12] =	wrdreg s6  }
0x2d: {  	s6 =	sadd.s32 s7, s3;
	s5 =	sadd.s32 $0x7A600, s5;
	[smem:$0x7F1] =	sst s16  }
0x2e: {  	[smem:$0x7FA] =	sst s25;
	s15 =	sadd.s32 $0x4000, s6;
	s17 =	sadd.s32 $0x8000, s6  }
0x2f: {  	s19 =	sadd.s32 $0xC000, s6;
	[smem:$0x7E9] =	sst s5;
	s5 =	simm.s32 $0x1600  }
0x30: {  	s11 =	sadd.s32 $0x10000, s6;
	s6 =	sshrl.u32 s6, $0x3;
	[dreg:$0x1f] =	wrdreg s5  }
0x31: {  	s24 =	simm.s32 $0x3;
	s26 =	sshrl.u32 s15, $0x3;
	[smem:$0x7FD] =	sst s6  }
0x32: {  	s1 =	simm.s32 $0x1A00;
	s7 =	sshrl.u32 s17, $0x3;
	[smem:$0x7EB] =	sst s26  }
0x33: {  	s13 =	simm.s32 $0x1C00;
	s12 =	sshrl.u32 s19, $0x3;
	[smem:$0x7EC] =	sst s7  }
0x34: {  	s16 =	simm.s32 $0x50;
	s15 =	sshrl.u32 s11, $0x3;
	[smem:$0x7ED] =	sst s12  }
0x35: {  	s25 =	simm.s32 $0x6;
	s17 =	simm.s32 $0x1700;
	[smem:$0x7EF] =	sst s15  }
0x36: {  	s19 =	simm.s32 $0x1780;
	s11 =	simm.s32 $0x1B00;
	[smem:$0x7F2] =	sst s17  }
0x37: {  	s15 =	simm.s32 $0x1000;
	s17 =	simm.s32 $0x2000;
	[smem:$0x7F4] =	sst s19  }
0x38: {  	s19 =	simm.s32 $0x7000;
	s26 =	simm.s32 $0xA80;
	s7 =	simm.s32 $0x1A80  }
0x39: {  	s12 =	simm.s32 $0x1B80;
	[smem:$0x7FB] =	sst s26;
	s26 =	simm.s32 $0x4  }
.LBB2_1:
0x3a: {  	s5 =	sld [smem:$0x7E8];
	_ =	sdelay $0x1  }
0x3b: {  	[smem:$0x7E7] =	sst s9  }
0x3c: {  	[spmem:s6], [sflag:s14] =	dma.local [hbm:s5], $0x800  }
0x3d: {  	_ =	swait.ge [sflag:s10], $0x800  }
0x3e: {  	s9 =	sld [smem:$0x7EB]  }
0x3f: {  	[sflag:s10] =	ssyncset.done $0x0  }
0x40: {  	[sflag:s10] =	ssyncadd.s32 $0xFFFFF800  }
0x41: {  	[spmem:s9], [sflag:s14] =	dma.local [hbm:s5], $0x800  }
0x42: {  	_ =	swait.ge [sflag:s10], $0x800  }
0x43: {  	s9 =	sld [smem:$0x7EC]  }
0x44: {  	[sflag:s10] =	ssyncset.done $0x0  }
0x45: {  	[sflag:s10] =	ssyncadd.s32 $0xFFFFF800  }
0x46: {  	[spmem:s9], [sflag:s14] =	dma.local [hbm:s5], $0x800  }
0x47: {  	_ =	swait.ge [sflag:s10], $0x800  }
0x48: {  	s9 =	sld [smem:$0x7ED]  }
0x49: {  	[sflag:s10] =	ssyncset.done $0x0  }
0x4a: {  	[sflag:s10] =	ssyncadd.s32 $0xFFFFF800  }
0x4b: {  	[spmem:s9], [sflag:s14] =	dma.local [hbm:s5], $0x800  }
0x4c: {  	_ =	swait.ge [sflag:s10], $0x800  }
0x4d: {  	s9 =	sld [smem:$0x7EF]  }
0x4e: {  	[sflag:s10] =	ssyncset.done $0x0  }
0x4f: {  	[sflag:s10] =	ssyncadd.s32 $0xFFFFF800  }
0x50: {  	[spmem:s9], [sflag:s14] =	dma.local [hbm:s5], $0x800  }
0x51: {  	_ =	swait.ge [sflag:s10], $0x800  }
0x52: {  	[sflag:s10] =	ssyncset.done $0x0  }
0x53: {  	[sflag:s10] =	ssyncadd.s32 $0xFFFFF800  }
0x54: {  	[bflag:$0x0] =	sbarrier.arrive $0xFFFF  }
0x55: {  	s9 =	rddreg [dreg:$0x5]  }
0x56: {  	s5 =	sadd.s32 $0x0, s9  }
0x57: {  	[tilespmem:s4], [sflag:$0x9] =	stream.linear.gather [hbm4b:s5+s4], $0xC80, $0x38;
	v63 =	vld [tilespmem:$0x0]  }
0x58: {  	_ =	swait.ge [sflag:s10], $0xC80  }
0x59: {  	s14 =	rddreg [dreg:$0x4];
	[sflag:s10] =	ssyncset.done $0x0  }
0x5a: {  	[sflag:s10] =	ssyncadd.s32 $0xFFFFF380;
	s5 =	sadd.s32 $0x0, s14  }
0x5b: {  	[tilespmem:s15], [sflag:$0x9] =	stream.linear.gather [hbm4b:s5+s4], $0xC80, $0x38;
	v63 =	vld [tilespmem:$0x0]  }
0x5c: {  	_ =	swait.ge [sflag:s10], $0xC80  }
0x5d: {  	[sflag:s10] =	ssyncset.done $0x0  }
0x5e: {  	[sflag:s10] =	ssyncadd.s32 $0xFFFFF380  }
0x5f: {  	[tilespmem:s17], [sflag:$0x1] =	stream.indirect.gather [hbm4b:s2+s16], $0x80, s4, s16, $0xb8;
	v63 =	vld [tilespmem:$0x0]  }
0x60: {  	s6 =	rddreg [dreg:$0x6]  }
0x61: {  	[tilespmem:s18], [sflag:$0x2] =	stream.indirect.gather [hbm4b:s2+s16], $0x80, s6, s16, $0xb8;
	v63 =	vld [tilespmem:$0x0]  }
0x62: {  	s9 =	rddreg [dreg:$0x7]  }
0x63: {  	[tilespmem:s19], [sflag:$0x3] =	stream.indirect.gather [hbm4b:s2+s16], $0x80, s9, s16, $0xb8;
	v63 =	vld [tilespmem:$0x0]  }
0x64: {  	_ =	swait.ge [sflag:s20], $0x2800  }
0x65: {  	[sflag:s20] =	ssyncset.done $0x0  }
0x66: {  	[sflag:s20] =	ssyncadd.s32 $0xFFFFD800  }
0x67: {  	[spmem:s3] =	stream.indirect.scatter.add.f32 [tilespmem:s17], [sflag:$0x5], $0x80, s15, s16, $0xb8;
	v63 =	vld [tilespmem:$0x0]  }
0x68: {  	s14 =	rddreg [dreg:$0x8]  }
0x69: {  	[tilespmem:s21], [sflag:$0x4] =	stream.indirect.gather [hbm4b:s2+s16], $0x80, s14, s16, $0xb8;
	v63 =	vld [tilespmem:$0x0]  }
0x6a: {  	_ =	swait.ge [sflag:s22], $0x2800  }
0x6b: {  	[sflag:s22] =	ssyncset.done $0x0  }
0x6c: {  	s6 =	rddreg [dreg:$0x9];
	[sflag:s22] =	ssyncadd.s32 $0xFFFFD800  }
0x6d: {  	[spmem:s3] =	stream.indirect.scatter.add.f32 [tilespmem:s18], [sflag:$0x6], $0x80, s6, s16, $0xb8;
	v63 =	vld [tilespmem:$0x0]  }
0x6e: {  	_ =	swait.ge [sflag:s23], $0x2800  }
0x6f: {  	[sflag:s23] =	ssyncset.done $0x0  }
0x70: {  	s9 =	rddreg [dreg:$0xa];
	[sflag:s23] =	ssyncadd.s32 $0xFFFFD800  }
0x71: {  	[tilespmem:s17], [sflag:$0x1] =	stream.indirect.gather [hbm4b:s2+s16], $0x80, s9, s16, $0xb8;
	v63 =	vld [tilespmem:$0x0]  }
0x72: {  	_ =	swait.ge [sflag:s24], $0x2800  }
0x73: {  	[sflag:s24] =	ssyncset.done $0x0  }
0x74: {  	s14 =	rddreg [dreg:$0xb];
	[sflag:s24] =	ssyncadd.s32 $0xFFFFD800  }
0x75: {  	[spmem:s3] =	stream.indirect.scatter.add.f32 [tilespmem:s19], [sflag:$0x7], $0x80, s14, s16, $0xb8;
	v63 =	vld [tilespmem:$0x0]  }
0x76: {  	_ =	swait.ge [sflag:s25], $0x2800  }
0x77: {  	[sflag:s25] =	ssyncset.done $0x0  }
0x78: {  	s6 =	rddreg [dreg:$0xc];
	[sflag:s25] =	ssyncadd.s32 $0xFFFFD800  }
0x79: {  	[tilespmem:s18], [sflag:$0x2] =	stream.indirect.gather [hbm4b:s2+s16], $0x80, s6, s16, $0xb8;
	v63 =	vld [tilespmem:$0x0]  }
0x7a: {  	_ =	swait.ge [sflag:s26], $0x2800  }
0x7b: {  	[sflag:s26] =	ssyncset.done $0x0  }
0x7c: {  	s9 =	rddreg [dreg:$0xd];
	[sflag:s26] =	ssyncadd.s32 $0xFFFFD800  }
0x7d: {  	[spmem:s3] =	stream.indirect.scatter.add.f32 [tilespmem:s21], [sflag:$0x8], $0x80, s9, s16, $0xb8;
	v63 =	vld [tilespmem:$0x0]  }
0x7e: {  	_ =	swait.ge [sflag:s28], $0x2800  }
0x7f: {  	[sflag:s28] =	ssyncset.done $0x0  }
0x80: {  	s14 =	rddreg [dreg:$0xe];
	[sflag:s28] =	ssyncadd.s32 $0xFFFFD800  }
0x81: {  	[tilespmem:s19], [sflag:$0x3] =	stream.indirect.gather [hbm4b:s2+s16], $0x80, s14, s16, $0xb8;
	v63 =	vld [tilespmem:$0x0]  }
0x82: {  	_ =	swait.ge [sflag:s20], $0x2800  }
0x83: {  	[sflag:s20] =	ssyncset.done $0x0  }
0x84: {  	s6 =	rddreg [dreg:$0xf];
	[sflag:s20] =	ssyncadd.s32 $0xFFFFD800  }
0x85: {  	[spmem:s3] =	stream.indirect.scatter.add.f32 [tilespmem:s17], [sflag:$0x5], $0x80, s6, s16, $0xb8;
	v63 =	vld [tilespmem:$0x0]  }
0x86: {  	_ =	swait.ge [sflag:s29], $0x2800  }
0x87: {  	[sflag:s29] =	ssyncset.done $0x0  }
0x88: {  	s9 =	rddreg [dreg:$0x10];
	[sflag:s29] =	ssyncadd.s32 $0xFFFFD800  }
0x89: {  	[tilespmem:s21], [sflag:$0x4] =	stream.indirect.gather [hbm4b:s2+s16], $0x80, s9, s16, $0xb8;
	v63 =	vld [tilespmem:$0x0]  }
0x8a: {  	_ =	swait.ge [sflag:s22], $0x2800  }
0x8b: {  	[sflag:s22] =	ssyncset.done $0x0  }
0x8c: {  	s14 =	rddreg [dreg:$0x11];
	[sflag:s22] =	ssyncadd.s32 $0xFFFFD800  }
0x8d: {  	[spmem:s3] =	stream.indirect.scatter.add.f32 [tilespmem:s18], [sflag:$0x6], $0x80, s14, s16, $0xb8;
	v63 =	vld [tilespmem:$0x0]  }
0x8e: {  	_ =	swait.ge [sflag:s23], $0x2800  }
0x8f: {  	[sflag:s23] =	ssyncset.done $0x0  }
0x90: {  	s6 =	rddreg [dreg:$0x12];
	[sflag:s23] =	ssyncadd.s32 $0xFFFFD800  }
0x91: {  	[tilespmem:s17], [sflag:$0x1] =	stream.indirect.gather [hbm4b:s2+s16], $0x80, s6, s16, $0xb8;
	v63 =	vld [tilespmem:$0x0]  }
0x92: {  	_ =	swait.ge [sflag:s24], $0x2800  }
0x93: {  	[sflag:s24] =	ssyncset.done $0x0  }
0x94: {  	s9 =	rddreg [dreg:$0x13];
	[sflag:s24] =	ssyncadd.s32 $0xFFFFD800  }
0x95: {  	[spmem:s3] =	stream.indirect.scatter.add.f32 [tilespmem:s19], [sflag:$0x7], $0x80, s9, s16, $0xb8;
	v63 =	vld [tilespmem:$0x0]  }
0x96: {  	_ =	swait.ge [sflag:s25], $0x2800  }
0x97: {  	[sflag:s25] =	ssyncset.done $0x0  }
0x98: {  	s14 =	rddreg [dreg:$0x14];
	[sflag:s25] =	ssyncadd.s32 $0xFFFFD800  }
0x99: {  	[tilespmem:s18], [sflag:$0x2] =	stream.indirect.gather [hbm4b:s2+s16], $0x80, s14, s16, $0xb8;
	v63 =	vld [tilespmem:$0x0]  }
0x9a: {  	_ =	swait.ge [sflag:s26], $0x2800  }
0x9b: {  	[sflag:s26] =	ssyncset.done $0x0  }
0x9c: {  	s6 =	rddreg [dreg:$0x15];
	[sflag:s26] =	ssyncadd.s32 $0xFFFFD800  }
0x9d: {  	[spmem:s3] =	stream.indirect.scatter.add.f32 [tilespmem:s21], [sflag:$0x8], $0x80, s6, s16, $0xb8;
	v63 =	vld [tilespmem:$0x0]  }
0x9e: {  	_ =	swait.ge [sflag:s28], $0x2800  }
0x9f: {  	[sflag:s28] =	ssyncset.done $0x0  }
0xa0: {  	s9 =	rddreg [dreg:$0x16];
	[sflag:s28] =	ssyncadd.s32 $0xFFFFD800  }
0xa1: {  	[tilespmem:s19], [sflag:$0x3] =	stream.indirect.gather [hbm4b:s2+s16], $0x80, s9, s16, $0xb8;
	v63 =	vld [tilespmem:$0x0]  }
0xa2: {  	_ =	swait.ge [sflag:s20], $0x2800  }
0xa3: {  	[sflag:s20] =	ssyncset.done $0x0  }
0xa4: {  	s14 =	rddreg [dreg:$0x17];
	[sflag:s20] =	ssyncadd.s32 $0xFFFFD800  }
0xa5: {  	[spmem:s3] =	stream.indirect.scatter.add.f32 [tilespmem:s17], [sflag:$0x5], $0x80, s14, s16, $0xb8;
	v63 =	vld [tilespmem:$0x0]  }
0xa6: {  	_ =	swait.ge [sflag:s29], $0x2800  }
0xa7: {  	[sflag:s29] =	ssyncset.done $0x0  }
0xa8: {  	s6 =	rddreg [dreg:$0x18];
	[sflag:s29] =	ssyncadd.s32 $0xFFFFD800  }
0xa9: {  	[tilespmem:s21], [sflag:$0x4] =	stream.indirect.gather [hbm4b:s2+s16], $0x80, s6, s16, $0xb8;
	v63 =	vld [tilespmem:$0x0]  }
0xaa: {  	_ =	swait.ge [sflag:s22], $0x2800  }
0xab: {  	[sflag:s22] =	ssyncset.done $0x0  }
0xac: {  	s9 =	rddreg [dreg:$0x19];
	[sflag:s22] =	ssyncadd.s32 $0xFFFFD800  }
0xad: {  	[spmem:s3] =	stream.indirect.scatter.add.f32 [tilespmem:s18], [sflag:$0x6], $0x80, s9, s16, $0xb8;
	v63 =	vld [tilespmem:$0x0]  }
0xae: {  	_ =	swait.ge [sflag:s23], $0x2800  }
0xaf: {  	[sflag:s23] =	ssyncset.done $0x0  }
0xb0: {  	s14 =	rddreg [dreg:$0x1a];
	[sflag:s23] =	ssyncadd.s32 $0xFFFFD800  }
0xb1: {  	[tilespmem:s17], [sflag:$0x1] =	stream.indirect.gather [hbm4b:s2+s16], $0x80, s14, s16, $0xb8;
	v63 =	vld [tilespmem:$0x0]  }
0xb2: {  	_ =	swait.ge [sflag:s24], $0x2800  }
0xb3: {  	[sflag:s24] =	ssyncset.done $0x0  }
0xb4: {  	s6 =	rddreg [dreg:$0x1b];
	[sflag:s24] =	ssyncadd.s32 $0xFFFFD800  }
0xb5: {  	[spmem:s3] =	stream.indirect.scatter.add.f32 [tilespmem:s19], [sflag:$0x7], $0x80, s6, s16, $0xb8;
	v63 =	vld [tilespmem:$0x0]  }
0xb6: {  	_ =	swait.ge [sflag:s25], $0x2800  }
0xb7: {  	[sflag:s25] =	ssyncset.done $0x0  }
0xb8: {  	s9 =	rddreg [dreg:$0x1c];
	[sflag:s25] =	ssyncadd.s32 $0xFFFFD800  }
0xb9: {  	[tilespmem:s18], [sflag:$0x2] =	stream.indirect.gather [hbm4b:s2+s16], $0x80, s9, s16, $0xb8;
	v63 =	vld [tilespmem:$0x0]  }
0xba: {  	_ =	swait.ge [sflag:s26], $0x2800  }
0xbb: {  	[sflag:s26] =	ssyncset.done $0x0  }
0xbc: {  	s14 =	rddreg [dreg:$0x1d];
	[sflag:s26] =	ssyncadd.s32 $0xFFFFD800  }
0xbd: {  	[spmem:s3] =	stream.indirect.scatter.add.f32 [tilespmem:s21], [sflag:$0x8], $0x80, s14, s16, $0xb8;
	v63 =	vld [tilespmem:$0x0]  }
0xbe: {  	_ =	swait.ge [sflag:s28], $0x2800  }
0xbf: {  	[sflag:s28] =	ssyncset.done $0x0  }
0xc0: {  	s6 =	rddreg [dreg:$0x1e];
	[sflag:s28] =	ssyncadd.s32 $0xFFFFD800  }
0xc1: {  	[tilespmem:s19], [sflag:$0x3] =	stream.indirect.gather [hbm4b:s2+s16], $0x80, s6, s16, $0xb8;
	v63 =	vld [tilespmem:$0x0]  }
0xc2: {  	_ =	swait.ge [sflag:s20], $0x2800  }
0xc3: {  	[sflag:s20] =	ssyncset.done $0x0  }
0xc4: {  	s9 =	rddreg [dreg:$0x1f];
	[sflag:s20] =	ssyncadd.s32 $0xFFFFD800  }
0xc5: {  	[spmem:s3] =	stream.indirect.scatter.add.f32 [tilespmem:s17], [sflag:$0x5], $0x80, s9, s16, $0xb8;
	v63 =	vld [tilespmem:$0x0]  }
0xc6: {  	_ =	swait.ge [sflag:s29], $0x2800  }
0xc7: {  	s14 =	sld [smem:$0x7EE]  }
0xc8: {  	[sflag:s29] =	ssyncset.done $0x0  }
0xc9: {  	[sflag:s29] =	ssyncadd.s32 $0xFFFFD800  }
0xca: {  	[tilespmem:s21], [sflag:$0x4] =	stream.indirect.gather [hbm4b:s2+s16], $0x80, s14, s16, $0xb8;
	v63 =	vld [tilespmem:$0x0]  }
0xcb: {  	_ =	swait.ge [sflag:s22], $0x2800  }
0xcc: {  	s6 =	sld [smem:$0x7F0]  }
0xcd: {  	[sflag:s22] =	ssyncset.done $0x0  }
0xce: {  	[sflag:s22] =	ssyncadd.s32 $0xFFFFD800  }
0xcf: {  	[spmem:s3] =	stream.indirect.scatter.add.f32 [tilespmem:s18], [sflag:$0x6], $0x80, s6, s16, $0xb8;
	v63 =	vld [tilespmem:$0x0]  }
0xd0: {  	_ =	swait.ge [sflag:s23], $0x2800  }
0xd1: {  	s9 =	sld [smem:$0x7F1]  }
0xd2: {  	[sflag:s23] =	ssyncset.done $0x0  }
0xd3: {  	[sflag:s23] =	ssyncadd.s32 $0xFFFFD800  }
0xd4: {  	[tilespmem:s17], [sflag:$0x1] =	stream.indirect.gather [hbm4b:s2+s16], $0x80, s9, s16, $0xb8;
	v63 =	vld [tilespmem:$0x0]  }
0xd5: {  	_ =	swait.ge [sflag:s24], $0x2800  }
0xd6: {  	s14 =	sld [smem:$0x7F2]  }
0xd7: {  	[sflag:s24] =	ssyncset.done $0x0  }
0xd8: {  	[sflag:s24] =	ssyncadd.s32 $0xFFFFD800  }
0xd9: {  	[spmem:s3] =	stream.indirect.scatter.add.f32 [tilespmem:s19], [sflag:$0x7], $0x80, s14, s16, $0xb8;
	v63 =	vld [tilespmem:$0x0]  }
0xda: {  	_ =	swait.ge [sflag:s25], $0x2800  }
0xdb: {  	s6 =	sld [smem:$0x7F3]  }
0xdc: {  	[sflag:s25] =	ssyncset.done $0x0  }
0xdd: {  	[sflag:s25] =	ssyncadd.s32 $0xFFFFD800  }
0xde: {  	[tilespmem:s18], [sflag:$0x2] =	stream.indirect.gather [hbm4b:s2+s16], $0x80, s6, s16, $0xb8;
	v63 =	vld [tilespmem:$0x0]  }
0xdf: {  	_ =	swait.ge [sflag:s26], $0x2800  }
0xe0: {  	s9 =	sld [smem:$0x7F4]  }
0xe1: {  	[sflag:s26] =	ssyncset.done $0x0  }
0xe2: {  	[sflag:s26] =	ssyncadd.s32 $0xFFFFD800  }
0xe3: {  	[spmem:s3] =	stream.indirect.scatter.add.f32 [tilespmem:s21], [sflag:$0x8], $0x80, s9, s16, $0xb8;
	v63 =	vld [tilespmem:$0x0]  }
0xe4: {  	_ =	swait.ge [sflag:s28], $0x2800  }
0xe5: {  	s14 =	sld [smem:$0x7F5]  }
0xe6: {  	[sflag:s28] =	ssyncset.done $0x0  }
0xe7: {  	[sflag:s28] =	ssyncadd.s32 $0xFFFFD800  }
0xe8: {  	[tilespmem:s19], [sflag:$0x3] =	stream.indirect.gather [hbm4b:s2+s16], $0x80, s14, s16, $0xb8;
	v63 =	vld [tilespmem:$0x0]  }
0xe9: {  	_ =	swait.ge [sflag:s20], $0x2800  }
0xea: {  	s6 =	sld [smem:$0x7F6]  }
0xeb: {  	[sflag:s20] =	ssyncset.done $0x0  }
0xec: {  	[sflag:s20] =	ssyncadd.s32 $0xFFFFD800  }
0xed: {  	[spmem:s3] =	stream.indirect.scatter.add.f32 [tilespmem:s17], [sflag:$0x5], $0x80, s6, s16, $0xb8;
	v63 =	vld [tilespmem:$0x0]  }
0xee: {  	_ =	swait.ge [sflag:s29], $0x2800  }
0xef: {  	s9 =	sld [smem:$0x7F7]  }
0xf0: {  	[sflag:s29] =	ssyncset.done $0x0  }
0xf1: {  	[sflag:s29] =	ssyncadd.s32 $0xFFFFD800  }
0xf2: {  	[tilespmem:s21], [sflag:$0x4] =	stream.indirect.gather [hbm4b:s2+s16], $0x80, s9, s16, $0xb8;
	v63 =	vld [tilespmem:$0x0]  }
0xf3: {  	_ =	swait.ge [sflag:s22], $0x2800  }
0xf4: {  	s14 =	sld [smem:$0x7F8]  }
0xf5: {  	[sflag:s22] =	ssyncset.done $0x0  }
0xf6: {  	[sflag:s22] =	ssyncadd.s32 $0xFFFFD800  }
0xf7: {  	[spmem:s3] =	stream.indirect.scatter.add.f32 [tilespmem:s18], [sflag:$0x6], $0x80, s14, s16, $0xb8;
	v63 =	vld [tilespmem:$0x0]  }
0xf8: {  	_ =	swait.ge [sflag:s23], $0x2800  }
0xf9: {  	s6 =	sld [smem:$0x7F9]  }
0xfa: {  	[sflag:s23] =	ssyncset.done $0x0  }
0xfb: {  	[sflag:s23] =	ssyncadd.s32 $0xFFFFD800  }
0xfc: {  	[tilespmem:s17], [sflag:$0x1] =	stream.indirect.gather [hbm4b:s2+s16], $0x80, s6, s16, $0xb8;
	v63 =	vld [tilespmem:$0x0]  }
0xfd: {  	_ =	swait.ge [sflag:s24], $0x2800  }
0xfe: {  	s9 =	sld [smem:$0x7FA]  }
0xff: {  	[sflag:s24] =	ssyncset.done $0x0  }
0x100: {  	[sflag:s24] =	ssyncadd.s32 $0xFFFFD800  }
0x101: {  	[spmem:s3] =	stream.indirect.scatter.add.f32 [tilespmem:s19], [sflag:$0x7], $0x80, s9, s16, $0xb8;
	v63 =	vld [tilespmem:$0x0]  }
0x102: {  	_ =	swait.ge [sflag:s25], $0x2800  }
0x103: {  	s14 =	sld [smem:$0x7FB]  }
0x104: {  	[sflag:s25] =	ssyncset.done $0x0  }
0x105: {  	[sflag:s25] =	ssyncadd.s32 $0xFFFFD800  }
0x106: {  	[tilespmem:s18], [sflag:$0x2] =	stream.indirect.gather [hbm4b:s2+s16], $0x80, s14, s16, $0xb8;
	v63 =	vld [tilespmem:$0x0]  }
0x107: {  	_ =	swait.ge [sflag:s26], $0x2800  }
0x108: {  	[sflag:s26] =	ssyncset.done $0x0  }
0x109: {  	[sflag:s26] =	ssyncadd.s32 $0xFFFFD800  }
0x10a: {  	[spmem:s3] =	stream.indirect.scatter.add.f32 [tilespmem:s21], [sflag:$0x8], $0x80, s30, s16, $0xb8;
	v63 =	vld [tilespmem:$0x0]  }
0x10b: {  	_ =	swait.ge [sflag:s28], $0x2800  }
0x10c: {  	[sflag:s28] =	ssyncset.done $0x0  }
0x10d: {  	[sflag:s28] =	ssyncadd.s32 $0xFFFFD800  }
0x10e: {  	[tilespmem:s19], [sflag:$0x3] =	stream.indirect.gather [hbm4b:s2+s16], $0x80, s31, s16, $0xb8;
	v63 =	vld [tilespmem:$0x0]  }
0x10f: {  	_ =	swait.ge [sflag:s20], $0x2800  }
0x110: {  	[sflag:s20] =	ssyncset.done $0x0  }
0x111: {  	[sflag:s20] =	ssyncadd.s32 $0xFFFFD800  }
0x112: {  	[spmem:s3] =	stream.indirect.scatter.add.f32 [tilespmem:s17], [sflag:$0x5], $0x80, s1, s16, $0xb8;
	v63 =	vld [tilespmem:$0x0]  }
0x113: {  	_ =	swait.ge [sflag:s29], $0x2800  }
0x114: {  	[sflag:s29] =	ssyncset.done $0x0  }
0x115: {  	[sflag:s29] =	ssyncadd.s32 $0xFFFFD800  }
0x116: {  	[tilespmem:s21], [sflag:$0x4] =	stream.indirect.gather [hbm4b:s2+s16], $0x80, s0, s16, $0xb8;
	v63 =	vld [tilespmem:$0x0]  }
0x117: {  	_ =	swait.ge [sflag:s22], $0x2800  }
0x118: {  	[sflag:s22] =	ssyncset.done $0x0  }
0x119: {  	[sflag:s22] =	ssyncadd.s32 $0xFFFFD800  }
0x11a: {  	[spmem:s3] =	stream.indirect.scatter.add.f32 [tilespmem:s18], [sflag:$0x6], $0x80, s7, s16, $0xb8;
	v63 =	vld [tilespmem:$0x0]  }
0x11b: {  	_ =	swait.ge [sflag:s23], $0x2800  }
0x11c: {  	[sflag:s23] =	ssyncset.done $0x0  }
0x11d: {  	[sflag:s23] =	ssyncadd.s32 $0xFFFFD800  }
0x11e: {  	[tilespmem:s17], [sflag:$0x1] =	stream.indirect.gather [hbm4b:s2+s16], $0x80, s8, s16, $0xb8;
	v63 =	vld [tilespmem:$0x0]  }
0x11f: {  	_ =	swait.ge [sflag:s24], $0x2800  }
0x120: {  	[sflag:s24] =	ssyncset.done $0x0  }
0x121: {  	[sflag:s24] =	ssyncadd.s32 $0xFFFFD800  }
0x122: {  	[spmem:s3] =	stream.indirect.scatter.add.f32 [tilespmem:s19], [sflag:$0x7], $0x80, s11, s16, $0xb8;
	v63 =	vld [tilespmem:$0x0]  }
0x123: {  	_ =	swait.ge [sflag:s26], $0x2800  }
0x124: {  	[sflag:s26] =	ssyncset.done $0x0  }
0x125: {  	[sflag:s26] =	ssyncadd.s32 $0xFFFFD800  }
0x126: {  	[spmem:s3] =	stream.indirect.scatter.add.f32 [tilespmem:s21], [sflag:$0x8], $0x80, s12, s16, $0xb8;
	v63 =	vld [tilespmem:$0x0]  }
0x127: {  	_ =	swait.ge [sflag:s20], $0x2800  }
0x128: {  	[sflag:s20] =	ssyncset.done $0x0  }
0x129: {  	[sflag:s20] =	ssyncadd.s32 $0xFFFFD800  }
0x12a: {  	[spmem:s3] =	stream.indirect.scatter.add.f32 [tilespmem:s17], [sflag:$0x5], $0x80, s13, s16, $0xb8;
	v63 =	vld [tilespmem:$0x0]  }
0x12b: {  	_ =	swait.ge [sflag:s25], $0x2800  }
0x12c: {  	[sflag:s25] =	ssyncset.done $0x0  }
0x12d: {  	[sflag:s25] =	ssyncadd.s32 $0xFFFFD800  }
0x12e: {  	_ =	swait.ge [sflag:s28], $0x2800  }
0x12f: {  	[sflag:s28] =	ssyncset.done $0x0  }
0x130: {  	[sflag:s28] =	ssyncadd.s32 $0xFFFFD800  }
0x131: {  	_ =	swait.ge [sflag:s29], $0x2800  }
0x132: {  	[sflag:s29] =	ssyncset.done $0x0  }
0x133: {  	[sflag:s29] =	ssyncadd.s32 $0xFFFFD800  }
0x134: {  	s5 =	simm.s32 $0x400;
	_ =	swait.ge [sflag:s23], $0x2800  }
0x135: {  	s9 =	simm.s32 $0x200;
	s6 =	rddreg [dreg:$0x5];
	[sflag:s23] =	ssyncset.done $0x0  }
.LBB2_2:
0x136: {  	[sflag:s23] =	ssyncadd.s32 $0xFFFFD800;
	s6 =	sadd.s32 s9, s6  }
0x137: {  	[tilespmem:s4], [sflag:$0x9] =	stream.linear.gather [hbm4b:s6+s4], $0xC80, $0x38;
	v63 =	vld [tilespmem:$0x0]  }
0x138: {  	_ =	swait.ge [sflag:s10], $0xC80  }
0x139: {  	s6 =	rddreg [dreg:$0x4];
	[sflag:s10] =	ssyncset.done $0x0  }
0x13a: {  	[sflag:s10] =	ssyncadd.s32 $0xFFFFF380;
	s6 =	sadd.s32 s9, s6  }
0x13b: {  	[tilespmem:s15], [sflag:$0x9] =	stream.linear.gather [hbm4b:s6+s4], $0xC80, $0x38;
	v63 =	vld [tilespmem:$0x0]  }
0x13c: {  	_ =	swait.ge [sflag:s10], $0xC80  }
0x13d: {  	[sflag:s10] =	ssyncset.done $0x0  }
0x13e: {  	[sflag:s10] =	ssyncadd.s32 $0xFFFFF380  }
0x13f: {  	[tilespmem:s17], [sflag:$0x1] =	stream.indirect.gather [hbm4b:s2+s16], $0x80, s4, s16, $0xb8;
	v63 =	vld [tilespmem:$0x0]  }
0x140: {  	s14 =	smov.u32 s5;
	s6 =	rddreg [dreg:$0x6]  }
0x141: {  	[tilespmem:s18], [sflag:$0x2] =	stream.indirect.gather [hbm4b:s2+s16], $0x80, s6, s16, $0xb8;
	v63 =	vld [tilespmem:$0x0]  }
0x142: {  	s9 =	smov.u32 s14;
	s14 =	rddreg [dreg:$0x7]  }
0x143: {  	[tilespmem:s19], [sflag:$0x3] =	stream.indirect.gather [hbm4b:s2+s16], $0x80, s14, s16, $0xb8;
	v63 =	vld [tilespmem:$0x0]  }
0x144: {  	_ =	swait.ge [sflag:s20], $0x2800  }
0x145: {  	[sflag:s20] =	ssyncset.done $0x0  }
0x146: {  	[sflag:s20] =	ssyncadd.s32 $0xFFFFD800  }
0x147: {  	[spmem:s3] =	stream.indirect.scatter.add.f32 [tilespmem:s17], [sflag:$0x5], $0x80, s15, s16, $0xb8;
	v63 =	vld [tilespmem:$0x0]  }
0x148: {  	s14 =	rddreg [dreg:$0x8]  }
0x149: {  	[tilespmem:s21], [sflag:$0x4] =	stream.indirect.gather [hbm4b:s2+s16], $0x80, s14, s16, $0xb8;
	v63 =	vld [tilespmem:$0x0]  }
0x14a: {  	_ =	swait.ge [sflag:s22], $0x2800  }
0x14b: {  	[sflag:s22] =	ssyncset.done $0x0  }
0x14c: {  	s14 =	rddreg [dreg:$0x9];
	[sflag:s22] =	ssyncadd.s32 $0xFFFFD800  }
0x14d: {  	[spmem:s3] =	stream.indirect.scatter.add.f32 [tilespmem:s18], [sflag:$0x6], $0x80, s14, s16, $0xb8;
	v63 =	vld [tilespmem:$0x0]  }
0x14e: {  	_ =	swait.ge [sflag:s23], $0x2800  }
0x14f: {  	[sflag:s23] =	ssyncset.done $0x0  }
0x150: {  	s14 =	rddreg [dreg:$0xa];
	[sflag:s23] =	ssyncadd.s32 $0xFFFFD800  }
0x151: {  	[tilespmem:s17], [sflag:$0x1] =	stream.indirect.gather [hbm4b:s2+s16], $0x80, s14, s16, $0xb8;
	v63 =	vld [tilespmem:$0x0]  }
0x152: {  	_ =	swait.ge [sflag:s24], $0x2800  }
0x153: {  	[sflag:s24] =	ssyncset.done $0x0  }
0x154: {  	s14 =	rddreg [dreg:$0xb];
	[sflag:s24] =	ssyncadd.s32 $0xFFFFD800  }
0x155: {  	[spmem:s3] =	stream.indirect.scatter.add.f32 [tilespmem:s19], [sflag:$0x7], $0x80, s14, s16, $0xb8;
	v63 =	vld [tilespmem:$0x0]  }
0x156: {  	_ =	swait.ge [sflag:s25], $0x2800  }
0x157: {  	[sflag:s25] =	ssyncset.done $0x0  }
0x158: {  	s14 =	rddreg [dreg:$0xc];
	[sflag:s25] =	ssyncadd.s32 $0xFFFFD800  }
0x159: {  	[tilespmem:s18], [sflag:$0x2] =	stream.indirect.gather [hbm4b:s2+s16], $0x80, s14, s16, $0xb8;
	v63 =	vld [tilespmem:$0x0]  }
0x15a: {  	_ =	swait.ge [sflag:s26], $0x2800  }
0x15b: {  	[sflag:s26] =	ssyncset.done $0x0  }
0x15c: {  	s14 =	rddreg [dreg:$0xd];
	[sflag:s26] =	ssyncadd.s32 $0xFFFFD800  }
0x15d: {  	[spmem:s3] =	stream.indirect.scatter.add.f32 [tilespmem:s21], [sflag:$0x8], $0x80, s14, s16, $0xb8;
	v63 =	vld [tilespmem:$0x0]  }
0x15e: {  	_ =	swait.ge [sflag:s28], $0x2800  }
0x15f: {  	[sflag:s28] =	ssyncset.done $0x0  }
0x160: {  	s14 =	rddreg [dreg:$0xe];
	[sflag:s28] =	ssyncadd.s32 $0xFFFFD800  }
0x161: {  	[tilespmem:s19], [sflag:$0x3] =	stream.indirect.gather [hbm4b:s2+s16], $0x80, s14, s16, $0xb8;
	v63 =	vld [tilespmem:$0x0]  }
0x162: {  	_ =	swait.ge [sflag:s20], $0x2800  }
0x163: {  	[sflag:s20] =	ssyncset.done $0x0  }
0x164: {  	s14 =	rddreg [dreg:$0xf];
	[sflag:s20] =	ssyncadd.s32 $0xFFFFD800  }
0x165: {  	[spmem:s3] =	stream.indirect.scatter.add.f32 [tilespmem:s17], [sflag:$0x5], $0x80, s14, s16, $0xb8;
	v63 =	vld [tilespmem:$0x0]  }
0x166: {  	_ =	swait.ge [sflag:s29], $0x2800  }
0x167: {  	[sflag:s29] =	ssyncset.done $0x0  }
0x168: {  	s14 =	rddreg [dreg:$0x10];
	[sflag:s29] =	ssyncadd.s32 $0xFFFFD800  }
0x169: {  	[tilespmem:s21], [sflag:$0x4] =	stream.indirect.gather [hbm4b:s2+s16], $0x80, s14, s16, $0xb8;
	v63 =	vld [tilespmem:$0x0]  }
0x16a: {  	_ =	swait.ge [sflag:s22], $0x2800  }
0x16b: {  	[sflag:s22] =	ssyncset.done $0x0  }
0x16c: {  	s14 =	rddreg [dreg:$0x11];
	[sflag:s22] =	ssyncadd.s32 $0xFFFFD800  }
0x16d: {  	[spmem:s3] =	stream.indirect.scatter.add.f32 [tilespmem:s18], [sflag:$0x6], $0x80, s14, s16, $0xb8;
	v63 =	vld [tilespmem:$0x0]  }
0x16e: {  	_ =	swait.ge [sflag:s23], $0x2800  }
0x16f: {  	[sflag:s23] =	ssyncset.done $0x0  }
0x170: {  	s14 =	rddreg [dreg:$0x12];
	[sflag:s23] =	ssyncadd.s32 $0xFFFFD800  }
0x171: {  	[tilespmem:s17], [sflag:$0x1] =	stream.indirect.gather [hbm4b:s2+s16], $0x80, s14, s16, $0xb8;
	v63 =	vld [tilespmem:$0x0]  }
0x172: {  	_ =	swait.ge [sflag:s24], $0x2800  }
0x173: {  	[sflag:s24] =	ssyncset.done $0x0  }
0x174: {  	s14 =	rddreg [dreg:$0x13];
	[sflag:s24] =	ssyncadd.s32 $0xFFFFD800  }
0x175: {  	[spmem:s3] =	stream.indirect.scatter.add.f32 [tilespmem:s19], [sflag:$0x7], $0x80, s14, s16, $0xb8;
	v63 =	vld [tilespmem:$0x0]  }
0x176: {  	_ =	swait.ge [sflag:s25], $0x2800  }
0x177: {  	[sflag:s25] =	ssyncset.done $0x0  }
0x178: {  	s14 =	rddreg [dreg:$0x14];
	[sflag:s25] =	ssyncadd.s32 $0xFFFFD800  }
0x179: {  	[tilespmem:s18], [sflag:$0x2] =	stream.indirect.gather [hbm4b:s2+s16], $0x80, s14, s16, $0xb8;
	v63 =	vld [tilespmem:$0x0]  }
0x17a: {  	_ =	swait.ge [sflag:s26], $0x2800  }
0x17b: {  	[sflag:s26] =	ssyncset.done $0x0  }
0x17c: {  	s14 =	rddreg [dreg:$0x15];
	[sflag:s26] =	ssyncadd.s32 $0xFFFFD800  }
0x17d: {  	[spmem:s3] =	stream.indirect.scatter.add.f32 [tilespmem:s21], [sflag:$0x8], $0x80, s14, s16, $0xb8;
	v63 =	vld [tilespmem:$0x0]  }
0x17e: {  	_ =	swait.ge [sflag:s28], $0x2800  }
0x17f: {  	[sflag:s28] =	ssyncset.done $0x0  }
0x180: {  	s14 =	rddreg [dreg:$0x16];
	[sflag:s28] =	ssyncadd.s32 $0xFFFFD800  }
0x181: {  	[tilespmem:s19], [sflag:$0x3] =	stream.indirect.gather [hbm4b:s2+s16], $0x80, s14, s16, $0xb8;
	v63 =	vld [tilespmem:$0x0]  }
0x182: {  	_ =	swait.ge [sflag:s20], $0x2800  }
0x183: {  	[sflag:s20] =	ssyncset.done $0x0  }
0x184: {  	s14 =	rddreg [dreg:$0x17];
	[sflag:s20] =	ssyncadd.s32 $0xFFFFD800  }
0x185: {  	[spmem:s3] =	stream.indirect.scatter.add.f32 [tilespmem:s17], [sflag:$0x5], $0x80, s14, s16, $0xb8;
	v63 =	vld [tilespmem:$0x0]  }
0x186: {  	_ =	swait.ge [sflag:s29], $0x2800  }
0x187: {  	[sflag:s29] =	ssyncset.done $0x0  }
0x188: {  	s14 =	rddreg [dreg:$0x18];
	[sflag:s29] =	ssyncadd.s32 $0xFFFFD800  }
0x189: {  	[tilespmem:s21], [sflag:$0x4] =	stream.indirect.gather [hbm4b:s2+s16], $0x80, s14, s16, $0xb8;
	v63 =	vld [tilespmem:$0x0]  }
0x18a: {  	_ =	swait.ge [sflag:s22], $0x2800  }
0x18b: {  	[sflag:s22] =	ssyncset.done $0x0  }
0x18c: {  	s14 =	rddreg [dreg:$0x19];
	[sflag:s22] =	ssyncadd.s32 $0xFFFFD800  }
0x18d: {  	[spmem:s3] =	stream.indirect.scatter.add.f32 [tilespmem:s18], [sflag:$0x6], $0x80, s14, s16, $0xb8;
	v63 =	vld [tilespmem:$0x0]  }
0x18e: {  	_ =	swait.ge [sflag:s23], $0x2800  }
0x18f: {  	[sflag:s23] =	ssyncset.done $0x0  }
0x190: {  	s14 =	rddreg [dreg:$0x1a];
	[sflag:s23] =	ssyncadd.s32 $0xFFFFD800  }
0x191: {  	[tilespmem:s17], [sflag:$0x1] =	stream.indirect.gather [hbm4b:s2+s16], $0x80, s14, s16, $0xb8;
	v63 =	vld [tilespmem:$0x0]  }
0x192: {  	_ =	swait.ge [sflag:s24], $0x2800  }
0x193: {  	[sflag:s24] =	ssyncset.done $0x0  }
0x194: {  	s14 =	rddreg [dreg:$0x1b];
	[sflag:s24] =	ssyncadd.s32 $0xFFFFD800  }
0x195: {  	[spmem:s3] =	stream.indirect.scatter.add.f32 [tilespmem:s19], [sflag:$0x7], $0x80, s14, s16, $0xb8;
	v63 =	vld [tilespmem:$0x0]  }
0x196: {  	_ =	swait.ge [sflag:s25], $0x2800  }
0x197: {  	[sflag:s25] =	ssyncset.done $0x0  }
0x198: {  	s14 =	rddreg [dreg:$0x1c];
	[sflag:s25] =	ssyncadd.s32 $0xFFFFD800  }
0x199: {  	[tilespmem:s18], [sflag:$0x2] =	stream.indirect.gather [hbm4b:s2+s16], $0x80, s14, s16, $0xb8;
	v63 =	vld [tilespmem:$0x0]  }
0x19a: {  	_ =	swait.ge [sflag:s26], $0x2800  }
0x19b: {  	[sflag:s26] =	ssyncset.done $0x0  }
0x19c: {  	s14 =	rddreg [dreg:$0x1d];
	[sflag:s26] =	ssyncadd.s32 $0xFFFFD800  }
0x19d: {  	[spmem:s3] =	stream.indirect.scatter.add.f32 [tilespmem:s21], [sflag:$0x8], $0x80, s14, s16, $0xb8;
	v63 =	vld [tilespmem:$0x0]  }
0x19e: {  	_ =	swait.ge [sflag:s28], $0x2800  }
0x19f: {  	[sflag:s28] =	ssyncset.done $0x0  }
0x1a0: {  	s14 =	rddreg [dreg:$0x1e];
	[sflag:s28] =	ssyncadd.s32 $0xFFFFD800  }
0x1a1: {  	[tilespmem:s19], [sflag:$0x3] =	stream.indirect.gather [hbm4b:s2+s16], $0x80, s14, s16, $0xb8;
	v63 =	vld [tilespmem:$0x0]  }
0x1a2: {  	_ =	swait.ge [sflag:s20], $0x2800  }
0x1a3: {  	[sflag:s20] =	ssyncset.done $0x0  }
0x1a4: {  	s14 =	rddreg [dreg:$0x1f];
	[sflag:s20] =	ssyncadd.s32 $0xFFFFD800  }
0x1a5: {  	[spmem:s3] =	stream.indirect.scatter.add.f32 [tilespmem:s17], [sflag:$0x5], $0x80, s14, s16, $0xb8;
	v63 =	vld [tilespmem:$0x0]  }
0x1a6: {  	_ =	swait.ge [sflag:s29], $0x2800  }
0x1a7: {  	s14 =	sld [smem:$0x7EE]  }
0x1a8: {  	[sflag:s29] =	ssyncset.done $0x0  }
0x1a9: {  	[sflag:s29] =	ssyncadd.s32 $0xFFFFD800  }
0x1aa: {  	[tilespmem:s21], [sflag:$0x4] =	stream.indirect.gather [hbm4b:s2+s16], $0x80, s14, s16, $0xb8;
	v63 =	vld [tilespmem:$0x0]  }
0x1ab: {  	_ =	swait.ge [sflag:s22], $0x2800  }
0x1ac: {  	s14 =	sld [smem:$0x7F0]  }
0x1ad: {  	[sflag:s22] =	ssyncset.done $0x0  }
0x1ae: {  	[sflag:s22] =	ssyncadd.s32 $0xFFFFD800  }
0x1af: {  	[spmem:s3] =	stream.indirect.scatter.add.f32 [tilespmem:s18], [sflag:$0x6], $0x80, s14, s16, $0xb8;
	v63 =	vld [tilespmem:$0x0]  }
0x1b0: {  	_ =	swait.ge [sflag:s23], $0x2800  }
0x1b1: {  	s14 =	sld [smem:$0x7F1]  }
0x1b2: {  	[sflag:s23] =	ssyncset.done $0x0  }
0x1b3: {  	[sflag:s23] =	ssyncadd.s32 $0xFFFFD800  }
0x1b4: {  	[tilespmem:s17], [sflag:$0x1] =	stream.indirect.gather [hbm4b:s2+s16], $0x80, s14, s16, $0xb8;
	v63 =	vld [tilespmem:$0x0]  }
0x1b5: {  	_ =	swait.ge [sflag:s24], $0x2800  }
0x1b6: {  	s14 =	sld [smem:$0x7F2]  }
0x1b7: {  	[sflag:s24] =	ssyncset.done $0x0  }
0x1b8: {  	[sflag:s24] =	ssyncadd.s32 $0xFFFFD800  }
0x1b9: {  	[spmem:s3] =	stream.indirect.scatter.add.f32 [tilespmem:s19], [sflag:$0x7], $0x80, s14, s16, $0xb8;
	v63 =	vld [tilespmem:$0x0]  }
0x1ba: {  	_ =	swait.ge [sflag:s25], $0x2800  }
0x1bb: {  	s14 =	sld [smem:$0x7F3]  }
0x1bc: {  	[sflag:s25] =	ssyncset.done $0x0  }
0x1bd: {  	[sflag:s25] =	ssyncadd.s32 $0xFFFFD800  }
0x1be: {  	[tilespmem:s18], [sflag:$0x2] =	stream.indirect.gather [hbm4b:s2+s16], $0x80, s14, s16, $0xb8;
	v63 =	vld [tilespmem:$0x0]  }
0x1bf: {  	_ =	swait.ge [sflag:s26], $0x2800  }
0x1c0: {  	s14 =	sld [smem:$0x7F4]  }
0x1c1: {  	[sflag:s26] =	ssyncset.done $0x0  }
0x1c2: {  	[sflag:s26] =	ssyncadd.s32 $0xFFFFD800  }
0x1c3: {  	[spmem:s3] =	stream.indirect.scatter.add.f32 [tilespmem:s21], [sflag:$0x8], $0x80, s14, s16, $0xb8;
	v63 =	vld [tilespmem:$0x0]  }
0x1c4: {  	_ =	swait.ge [sflag:s28], $0x2800  }
0x1c5: {  	s14 =	sld [smem:$0x7F5]  }
0x1c6: {  	[sflag:s28] =	ssyncset.done $0x0  }
0x1c7: {  	[sflag:s28] =	ssyncadd.s32 $0xFFFFD800  }
0x1c8: {  	[tilespmem:s19], [sflag:$0x3] =	stream.indirect.gather [hbm4b:s2+s16], $0x80, s14, s16, $0xb8;
	v63 =	vld [tilespmem:$0x0]  }
0x1c9: {  	_ =	swait.ge [sflag:s20], $0x2800  }
0x1ca: {  	s14 =	sld [smem:$0x7F6]  }
0x1cb: {  	[sflag:s20] =	ssyncset.done $0x0  }
0x1cc: {  	[sflag:s20] =	ssyncadd.s32 $0xFFFFD800  }
0x1cd: {  	[spmem:s3] =	stream.indirect.scatter.add.f32 [tilespmem:s17], [sflag:$0x5], $0x80, s14, s16, $0xb8;
	v63 =	vld [tilespmem:$0x0]  }
0x1ce: {  	_ =	swait.ge [sflag:s29], $0x2800  }
0x1cf: {  	s14 =	sld [smem:$0x7F7]  }
0x1d0: {  	[sflag:s29] =	ssyncset.done $0x0  }
0x1d1: {  	[sflag:s29] =	ssyncadd.s32 $0xFFFFD800  }
0x1d2: {  	[tilespmem:s21], [sflag:$0x4] =	stream.indirect.gather [hbm4b:s2+s16], $0x80, s14, s16, $0xb8;
	v63 =	vld [tilespmem:$0x0]  }
0x1d3: {  	_ =	swait.ge [sflag:s22], $0x2800  }
0x1d4: {  	s14 =	sld [smem:$0x7F8]  }
0x1d5: {  	[sflag:s22] =	ssyncset.done $0x0  }
0x1d6: {  	[sflag:s22] =	ssyncadd.s32 $0xFFFFD800  }
0x1d7: {  	[spmem:s3] =	stream.indirect.scatter.add.f32 [tilespmem:s18], [sflag:$0x6], $0x80, s14, s16, $0xb8;
	v63 =	vld [tilespmem:$0x0]  }
0x1d8: {  	_ =	swait.ge [sflag:s23], $0x2800  }
0x1d9: {  	s14 =	sld [smem:$0x7F9]  }
0x1da: {  	[sflag:s23] =	ssyncset.done $0x0  }
0x1db: {  	[sflag:s23] =	ssyncadd.s32 $0xFFFFD800  }
0x1dc: {  	[tilespmem:s17], [sflag:$0x1] =	stream.indirect.gather [hbm4b:s2+s16], $0x80, s14, s16, $0xb8;
	v63 =	vld [tilespmem:$0x0]  }
0x1dd: {  	_ =	swait.ge [sflag:s24], $0x2800  }
0x1de: {  	s14 =	sld [smem:$0x7FA]  }
0x1df: {  	[sflag:s24] =	ssyncset.done $0x0  }
0x1e0: {  	[sflag:s24] =	ssyncadd.s32 $0xFFFFD800  }
0x1e1: {  	[spmem:s3] =	stream.indirect.scatter.add.f32 [tilespmem:s19], [sflag:$0x7], $0x80, s14, s16, $0xb8;
	v63 =	vld [tilespmem:$0x0]  }
0x1e2: {  	_ =	swait.ge [sflag:s25], $0x2800  }
0x1e3: {  	s14 =	sld [smem:$0x7FB]  }
0x1e4: {  	[sflag:s25] =	ssyncset.done $0x0  }
0x1e5: {  	[sflag:s25] =	ssyncadd.s32 $0xFFFFD800  }
0x1e6: {  	[tilespmem:s18], [sflag:$0x2] =	stream.indirect.gather [hbm4b:s2+s16], $0x80, s14, s16, $0xb8;
	v63 =	vld [tilespmem:$0x0]  }
0x1e7: {  	_ =	swait.ge [sflag:s26], $0x2800  }
0x1e8: {  	[sflag:s26] =	ssyncset.done $0x0  }
0x1e9: {  	[sflag:s26] =	ssyncadd.s32 $0xFFFFD800  }
0x1ea: {  	[spmem:s3] =	stream.indirect.scatter.add.f32 [tilespmem:s21], [sflag:$0x8], $0x80, s30, s16, $0xb8;
	v63 =	vld [tilespmem:$0x0]  }
0x1eb: {  	_ =	swait.ge [sflag:s28], $0x2800  }
0x1ec: {  	[sflag:s28] =	ssyncset.done $0x0  }
0x1ed: {  	[sflag:s28] =	ssyncadd.s32 $0xFFFFD800  }
0x1ee: {  	[tilespmem:s19], [sflag:$0x3] =	stream.indirect.gather [hbm4b:s2+s16], $0x80, s31, s16, $0xb8;
	v63 =	vld [tilespmem:$0x0]  }
0x1ef: {  	_ =	swait.ge [sflag:s20], $0x2800  }
0x1f0: {  	[sflag:s20] =	ssyncset.done $0x0  }
0x1f1: {  	[sflag:s20] =	ssyncadd.s32 $0xFFFFD800  }
0x1f2: {  	[spmem:s3] =	stream.indirect.scatter.add.f32 [tilespmem:s17], [sflag:$0x5], $0x80, s1, s16, $0xb8;
	v63 =	vld [tilespmem:$0x0]  }
0x1f3: {  	_ =	swait.ge [sflag:s29], $0x2800  }
0x1f4: {  	[sflag:s29] =	ssyncset.done $0x0  }
0x1f5: {  	[sflag:s29] =	ssyncadd.s32 $0xFFFFD800  }
0x1f6: {  	[tilespmem:s21], [sflag:$0x4] =	stream.indirect.gather [hbm4b:s2+s16], $0x80, s0, s16, $0xb8;
	v63 =	vld [tilespmem:$0x0]  }
0x1f7: {  	_ =	swait.ge [sflag:s22], $0x2800  }
0x1f8: {  	[sflag:s22] =	ssyncset.done $0x0  }
0x1f9: {  	[sflag:s22] =	ssyncadd.s32 $0xFFFFD800  }
0x1fa: {  	[spmem:s3] =	stream.indirect.scatter.add.f32 [tilespmem:s18], [sflag:$0x6], $0x80, s7, s16, $0xb8;
	v63 =	vld [tilespmem:$0x0]  }
0x1fb: {  	_ =	swait.ge [sflag:s23], $0x2800  }
0x1fc: {  	[sflag:s23] =	ssyncset.done $0x0  }
0x1fd: {  	[sflag:s23] =	ssyncadd.s32 $0xFFFFD800  }
0x1fe: {  	[tilespmem:s17], [sflag:$0x1] =	stream.indirect.gather [hbm4b:s2+s16], $0x80, s8, s16, $0xb8;
	v63 =	vld [tilespmem:$0x0]  }
0x1ff: {  	_ =	swait.ge [sflag:s24], $0x2800  }
0x200: {  	[sflag:s24] =	ssyncset.done $0x0  }
0x201: {  	[sflag:s24] =	ssyncadd.s32 $0xFFFFD800  }
0x202: {  	[spmem:s3] =	stream.indirect.scatter.add.f32 [tilespmem:s19], [sflag:$0x7], $0x80, s11, s16, $0xb8;
	v63 =	vld [tilespmem:$0x0]  }
0x203: {  	_ =	swait.ge [sflag:s26], $0x2800  }
0x204: {  	[sflag:s26] =	ssyncset.done $0x0  }
0x205: {  	[sflag:s26] =	ssyncadd.s32 $0xFFFFD800  }
0x206: {  	[spmem:s3] =	stream.indirect.scatter.add.f32 [tilespmem:s21], [sflag:$0x8], $0x80, s12, s16, $0xb8;
	v63 =	vld [tilespmem:$0x0]  }
0x207: {  	_ =	swait.ge [sflag:s20], $0x2800  }
0x208: {  	[sflag:s20] =	ssyncset.done $0x0  }
0x209: {  	[sflag:s20] =	ssyncadd.s32 $0xFFFFD800  }
0x20a: {  	[spmem:s3] =	stream.indirect.scatter.add.f32 [tilespmem:s17], [sflag:$0x5], $0x80, s13, s16, $0xb8;
	v63 =	vld [tilespmem:$0x0]  }
0x20b: {  	_ =	swait.ge [sflag:s25], $0x2800  }
0x20c: {  	[sflag:s25] =	ssyncset.done $0x0  }
0x20d: {  	[sflag:s25] =	ssyncadd.s32 $0xFFFFD800  }
0x20e: {  	_ =	swait.ge [sflag:s28], $0x2800  }
0x20f: {  	[sflag:s28] =	ssyncset.done $0x0  }
0x210: {  	p0 =	sne.s32 s5, $0x800;
	[sflag:s28] =	ssyncadd.s32 $0xFFFFD800  }
.Ltmp0:
0x211: {  	_ =	swait.ge [sflag:s29], $0x2800;
	(pc) =	sbr.rel @p0 .LBB2_2-.Ltmp0, $4  }
0x212: {  	[sflag:s29] =	ssyncset.done $0x0  }
0x213: {  	[sflag:s29] =	ssyncadd.s32 $0xFFFFD800  }
0x214: {  	_ =	swait.ge [sflag:s23], $0x2800  }
0x215: {  	s5 =	sadd.s32 $0x200, s5;
	s6 =	rddreg [dreg:$0x5];
	[sflag:s23] =	ssyncset.done $0x0  }
0x216: {  	[sflag:s23] =	ssyncadd.s32 $0xFFFFD800;
	s5 =	sadd.s32 s9, s6  }
0x217: {  	[tilespmem:s4], [sflag:$0x9] =	stream.linear.gather [hbm4b:s5+s4], $0xC80, $0x38;
	v63 =	vld [tilespmem:$0x0]  }
0x218: {  	_ =	swait.ge [sflag:s10], $0xC80  }
0x219: {  	s6 =	rddreg [dreg:$0x4];
	[sflag:s10] =	ssyncset.done $0x0  }
0x21a: {  	[sflag:s10] =	ssyncadd.s32 $0xFFFFF380;
	s5 =	sadd.s32 s9, s6  }
0x21b: {  	[tilespmem:s15], [sflag:$0x9] =	stream.linear.gather [hbm4b:s5+s4], $0xC80, $0x38;
	v63 =	vld [tilespmem:$0x0]  }
0x21c: {  	_ =	swait.ge [sflag:s10], $0xC80  }
0x21d: {  	[sflag:s10] =	ssyncset.done $0x0  }
0x21e: {  	[sflag:s10] =	ssyncadd.s32 $0xFFFFF380  }
0x21f: {  	[tilespmem:s17], [sflag:$0x1] =	stream.indirect.gather [hbm4b:s2+s16], $0x80, s4, s16, $0xb8;
	v63 =	vld [tilespmem:$0x0]  }
0x220: {  	s9 =	rddreg [dreg:$0x6]  }
0x221: {  	[tilespmem:s18], [sflag:$0x2] =	stream.indirect.gather [hbm4b:s2+s16], $0x80, s9, s16, $0xb8;
	v63 =	vld [tilespmem:$0x0]  }
0x222: {  	s14 =	rddreg [dreg:$0x7]  }
0x223: {  	[tilespmem:s19], [sflag:$0x3] =	stream.indirect.gather [hbm4b:s2+s16], $0x80, s14, s16, $0xb8;
	v63 =	vld [tilespmem:$0x0]  }
0x224: {  	_ =	swait.ge [sflag:s20], $0x2800  }
0x225: {  	[sflag:s20] =	ssyncset.done $0x0  }
0x226: {  	[sflag:s20] =	ssyncadd.s32 $0xFFFFD800  }
0x227: {  	[spmem:s3] =	stream.indirect.scatter.add.f32 [tilespmem:s17], [sflag:$0x5], $0x80, s15, s16, $0xb8;
	v63 =	vld [tilespmem:$0x0]  }
0x228: {  	s6 =	rddreg [dreg:$0x8]  }
0x229: {  	[tilespmem:s21], [sflag:$0x4] =	stream.indirect.gather [hbm4b:s2+s16], $0x80, s6, s16, $0xb8;
	v63 =	vld [tilespmem:$0x0]  }
0x22a: {  	_ =	swait.ge [sflag:s22], $0x2800  }
0x22b: {  	[sflag:s22] =	ssyncset.done $0x0  }
0x22c: {  	s9 =	rddreg [dreg:$0x9];
	[sflag:s22] =	ssyncadd.s32 $0xFFFFD800  }
0x22d: {  	[spmem:s3] =	stream.indirect.scatter.add.f32 [tilespmem:s18], [sflag:$0x6], $0x80, s9, s16, $0xb8;
	v63 =	vld [tilespmem:$0x0]  }
0x22e: {  	_ =	swait.ge [sflag:s23], $0x2800  }
0x22f: {  	[sflag:s23] =	ssyncset.done $0x0  }
0x230: {  	s14 =	rddreg [dreg:$0xa];
	[sflag:s23] =	ssyncadd.s32 $0xFFFFD800  }
0x231: {  	[tilespmem:s17], [sflag:$0x1] =	stream.indirect.gather [hbm4b:s2+s16], $0x80, s14, s16, $0xb8;
	v63 =	vld [tilespmem:$0x0]  }
0x232: {  	_ =	swait.ge [sflag:s24], $0x2800  }
0x233: {  	[sflag:s24] =	ssyncset.done $0x0  }
0x234: {  	s6 =	rddreg [dreg:$0xb];
	[sflag:s24] =	ssyncadd.s32 $0xFFFFD800  }
0x235: {  	[spmem:s3] =	stream.indirect.scatter.add.f32 [tilespmem:s19], [sflag:$0x7], $0x80, s6, s16, $0xb8;
	v63 =	vld [tilespmem:$0x0]  }
0x236: {  	_ =	swait.ge [sflag:s25], $0x2800  }
0x237: {  	[sflag:s25] =	ssyncset.done $0x0  }
0x238: {  	s9 =	rddreg [dreg:$0xc];
	[sflag:s25] =	ssyncadd.s32 $0xFFFFD800  }
0x239: {  	[tilespmem:s18], [sflag:$0x2] =	stream.indirect.gather [hbm4b:s2+s16], $0x80, s9, s16, $0xb8;
	v63 =	vld [tilespmem:$0x0]  }
0x23a: {  	_ =	swait.ge [sflag:s26], $0x2800  }
0x23b: {  	[sflag:s26] =	ssyncset.done $0x0  }
0x23c: {  	s14 =	rddreg [dreg:$0xd];
	[sflag:s26] =	ssyncadd.s32 $0xFFFFD800  }
0x23d: {  	[spmem:s3] =	stream.indirect.scatter.add.f32 [tilespmem:s21], [sflag:$0x8], $0x80, s14, s16, $0xb8;
	v63 =	vld [tilespmem:$0x0]  }
0x23e: {  	_ =	swait.ge [sflag:s28], $0x2800  }
0x23f: {  	[sflag:s28] =	ssyncset.done $0x0  }
0x240: {  	s6 =	rddreg [dreg:$0xe];
	[sflag:s28] =	ssyncadd.s32 $0xFFFFD800  }
0x241: {  	[tilespmem:s19], [sflag:$0x3] =	stream.indirect.gather [hbm4b:s2+s16], $0x80, s6, s16, $0xb8;
	v63 =	vld [tilespmem:$0x0]  }
0x242: {  	_ =	swait.ge [sflag:s20], $0x2800  }
0x243: {  	[sflag:s20] =	ssyncset.done $0x0  }
0x244: {  	s9 =	rddreg [dreg:$0xf];
	[sflag:s20] =	ssyncadd.s32 $0xFFFFD800  }
0x245: {  	[spmem:s3] =	stream.indirect.scatter.add.f32 [tilespmem:s17], [sflag:$0x5], $0x80, s9, s16, $0xb8;
	v63 =	vld [tilespmem:$0x0]  }
0x246: {  	_ =	swait.ge [sflag:s29], $0x2800  }
0x247: {  	[sflag:s29] =	ssyncset.done $0x0  }
0x248: {  	s14 =	rddreg [dreg:$0x10];
	[sflag:s29] =	ssyncadd.s32 $0xFFFFD800  }
0x249: {  	[tilespmem:s21], [sflag:$0x4] =	stream.indirect.gather [hbm4b:s2+s16], $0x80, s14, s16, $0xb8;
	v63 =	vld [tilespmem:$0x0]  }
0x24a: {  	_ =	swait.ge [sflag:s22], $0x2800  }
0x24b: {  	[sflag:s22] =	ssyncset.done $0x0  }
0x24c: {  	s6 =	rddreg [dreg:$0x11];
	[sflag:s22] =	ssyncadd.s32 $0xFFFFD800  }
0x24d: {  	[spmem:s3] =	stream.indirect.scatter.add.f32 [tilespmem:s18], [sflag:$0x6], $0x80, s6, s16, $0xb8;
	v63 =	vld [tilespmem:$0x0]  }
0x24e: {  	_ =	swait.ge [sflag:s23], $0x2800  }
0x24f: {  	[sflag:s23] =	ssyncset.done $0x0  }
0x250: {  	s9 =	rddreg [dreg:$0x12];
	[sflag:s23] =	ssyncadd.s32 $0xFFFFD800  }
0x251: {  	[tilespmem:s17], [sflag:$0x1] =	stream.indirect.gather [hbm4b:s2+s16], $0x80, s9, s16, $0xb8;
	v63 =	vld [tilespmem:$0x0]  }
0x252: {  	_ =	swait.ge [sflag:s24], $0x2800  }
0x253: {  	[sflag:s24] =	ssyncset.done $0x0  }
0x254: {  	s14 =	rddreg [dreg:$0x13];
	[sflag:s24] =	ssyncadd.s32 $0xFFFFD800  }
0x255: {  	[spmem:s3] =	stream.indirect.scatter.add.f32 [tilespmem:s19], [sflag:$0x7], $0x80, s14, s16, $0xb8;
	v63 =	vld [tilespmem:$0x0]  }
0x256: {  	_ =	swait.ge [sflag:s25], $0x2800  }
0x257: {  	[sflag:s25] =	ssyncset.done $0x0  }
0x258: {  	s6 =	rddreg [dreg:$0x14];
	[sflag:s25] =	ssyncadd.s32 $0xFFFFD800  }
0x259: {  	[tilespmem:s18], [sflag:$0x2] =	stream.indirect.gather [hbm4b:s2+s16], $0x80, s6, s16, $0xb8;
	v63 =	vld [tilespmem:$0x0]  }
0x25a: {  	_ =	swait.ge [sflag:s26], $0x2800  }
0x25b: {  	[sflag:s26] =	ssyncset.done $0x0  }
0x25c: {  	s9 =	rddreg [dreg:$0x15];
	[sflag:s26] =	ssyncadd.s32 $0xFFFFD800  }
0x25d: {  	[spmem:s3] =	stream.indirect.scatter.add.f32 [tilespmem:s21], [sflag:$0x8], $0x80, s9, s16, $0xb8;
	v63 =	vld [tilespmem:$0x0]  }
0x25e: {  	_ =	swait.ge [sflag:s28], $0x2800  }
0x25f: {  	[sflag:s28] =	ssyncset.done $0x0  }
0x260: {  	s14 =	rddreg [dreg:$0x16];
	[sflag:s28] =	ssyncadd.s32 $0xFFFFD800  }
0x261: {  	[tilespmem:s19], [sflag:$0x3] =	stream.indirect.gather [hbm4b:s2+s16], $0x80, s14, s16, $0xb8;
	v63 =	vld [tilespmem:$0x0]  }
0x262: {  	_ =	swait.ge [sflag:s20], $0x2800  }
0x263: {  	[sflag:s20] =	ssyncset.done $0x0  }
0x264: {  	s6 =	rddreg [dreg:$0x17];
	[sflag:s20] =	ssyncadd.s32 $0xFFFFD800  }
0x265: {  	[spmem:s3] =	stream.indirect.scatter.add.f32 [tilespmem:s17], [sflag:$0x5], $0x80, s6, s16, $0xb8;
	v63 =	vld [tilespmem:$0x0]  }
0x266: {  	_ =	swait.ge [sflag:s29], $0x2800  }
0x267: {  	[sflag:s29] =	ssyncset.done $0x0  }
0x268: {  	s9 =	rddreg [dreg:$0x18];
	[sflag:s29] =	ssyncadd.s32 $0xFFFFD800  }
0x269: {  	[tilespmem:s21], [sflag:$0x4] =	stream.indirect.gather [hbm4b:s2+s16], $0x80, s9, s16, $0xb8;
	v63 =	vld [tilespmem:$0x0]  }
0x26a: {  	_ =	swait.ge [sflag:s22], $0x2800  }
0x26b: {  	[sflag:s22] =	ssyncset.done $0x0  }
0x26c: {  	s14 =	rddreg [dreg:$0x19];
	[sflag:s22] =	ssyncadd.s32 $0xFFFFD800  }
0x26d: {  	[spmem:s3] =	stream.indirect.scatter.add.f32 [tilespmem:s18], [sflag:$0x6], $0x80, s14, s16, $0xb8;
	v63 =	vld [tilespmem:$0x0]  }
0x26e: {  	_ =	swait.ge [sflag:s23], $0x2800  }
0x26f: {  	[sflag:s23] =	ssyncset.done $0x0  }
0x270: {  	s6 =	rddreg [dreg:$0x1a];
	[sflag:s23] =	ssyncadd.s32 $0xFFFFD800  }
0x271: {  	[tilespmem:s17], [sflag:$0x1] =	stream.indirect.gather [hbm4b:s2+s16], $0x80, s6, s16, $0xb8;
	v63 =	vld [tilespmem:$0x0]  }
0x272: {  	_ =	swait.ge [sflag:s24], $0x2800  }
0x273: {  	[sflag:s24] =	ssyncset.done $0x0  }
0x274: {  	s9 =	rddreg [dreg:$0x1b];
	[sflag:s24] =	ssyncadd.s32 $0xFFFFD800  }
0x275: {  	[spmem:s3] =	stream.indirect.scatter.add.f32 [tilespmem:s19], [sflag:$0x7], $0x80, s9, s16, $0xb8;
	v63 =	vld [tilespmem:$0x0]  }
0x276: {  	_ =	swait.ge [sflag:s25], $0x2800  }
0x277: {  	[sflag:s25] =	ssyncset.done $0x0  }
0x278: {  	s14 =	rddreg [dreg:$0x1c];
	[sflag:s25] =	ssyncadd.s32 $0xFFFFD800  }
0x279: {  	[tilespmem:s18], [sflag:$0x2] =	stream.indirect.gather [hbm4b:s2+s16], $0x80, s14, s16, $0xb8;
	v63 =	vld [tilespmem:$0x0]  }
0x27a: {  	_ =	swait.ge [sflag:s26], $0x2800  }
0x27b: {  	[sflag:s26] =	ssyncset.done $0x0  }
0x27c: {  	s6 =	rddreg [dreg:$0x1d];
	[sflag:s26] =	ssyncadd.s32 $0xFFFFD800  }
0x27d: {  	[spmem:s3] =	stream.indirect.scatter.add.f32 [tilespmem:s21], [sflag:$0x8], $0x80, s6, s16, $0xb8;
	v63 =	vld [tilespmem:$0x0]  }
0x27e: {  	_ =	swait.ge [sflag:s28], $0x2800  }
0x27f: {  	[sflag:s28] =	ssyncset.done $0x0  }
0x280: {  	s9 =	rddreg [dreg:$0x1e];
	[sflag:s28] =	ssyncadd.s32 $0xFFFFD800  }
0x281: {  	[tilespmem:s19], [sflag:$0x3] =	stream.indirect.gather [hbm4b:s2+s16], $0x80, s9, s16, $0xb8;
	v63 =	vld [tilespmem:$0x0]  }
0x282: {  	_ =	swait.ge [sflag:s20], $0x2800  }
0x283: {  	[sflag:s20] =	ssyncset.done $0x0  }
0x284: {  	s14 =	rddreg [dreg:$0x1f];
	[sflag:s20] =	ssyncadd.s32 $0xFFFFD800  }
0x285: {  	[spmem:s3] =	stream.indirect.scatter.add.f32 [tilespmem:s17], [sflag:$0x5], $0x80, s14, s16, $0xb8;
	v63 =	vld [tilespmem:$0x0]  }
0x286: {  	_ =	swait.ge [sflag:s29], $0x2800  }
0x287: {  	s6 =	sld [smem:$0x7EE]  }
0x288: {  	[sflag:s29] =	ssyncset.done $0x0  }
0x289: {  	[sflag:s29] =	ssyncadd.s32 $0xFFFFD800  }
0x28a: {  	[tilespmem:s21], [sflag:$0x4] =	stream.indirect.gather [hbm4b:s2+s16], $0x80, s6, s16, $0xb8;
	v63 =	vld [tilespmem:$0x0]  }
0x28b: {  	_ =	swait.ge [sflag:s22], $0x2800  }
0x28c: {  	s9 =	sld [smem:$0x7F0]  }
0x28d: {  	[sflag:s22] =	ssyncset.done $0x0  }
0x28e: {  	[sflag:s22] =	ssyncadd.s32 $0xFFFFD800  }
0x28f: {  	[spmem:s3] =	stream.indirect.scatter.add.f32 [tilespmem:s18], [sflag:$0x6], $0x80, s9, s16, $0xb8;
	v63 =	vld [tilespmem:$0x0]  }
0x290: {  	_ =	swait.ge [sflag:s23], $0x2800  }
0x291: {  	s14 =	sld [smem:$0x7F1]  }
0x292: {  	[sflag:s23] =	ssyncset.done $0x0  }
0x293: {  	[sflag:s23] =	ssyncadd.s32 $0xFFFFD800  }
0x294: {  	[tilespmem:s17], [sflag:$0x1] =	stream.indirect.gather [hbm4b:s2+s16], $0x80, s14, s16, $0xb8;
	v63 =	vld [tilespmem:$0x0]  }
0x295: {  	_ =	swait.ge [sflag:s24], $0x2800  }
0x296: {  	s6 =	sld [smem:$0x7F2]  }
0x297: {  	[sflag:s24] =	ssyncset.done $0x0  }
0x298: {  	[sflag:s24] =	ssyncadd.s32 $0xFFFFD800  }
0x299: {  	[spmem:s3] =	stream.indirect.scatter.add.f32 [tilespmem:s19], [sflag:$0x7], $0x80, s6, s16, $0xb8;
	v63 =	vld [tilespmem:$0x0]  }
0x29a: {  	_ =	swait.ge [sflag:s25], $0x2800  }
0x29b: {  	s9 =	sld [smem:$0x7F3]  }
0x29c: {  	[sflag:s25] =	ssyncset.done $0x0  }
0x29d: {  	[sflag:s25] =	ssyncadd.s32 $0xFFFFD800  }
0x29e: {  	[tilespmem:s18], [sflag:$0x2] =	stream.indirect.gather [hbm4b:s2+s16], $0x80, s9, s16, $0xb8;
	v63 =	vld [tilespmem:$0x0]  }
0x29f: {  	_ =	swait.ge [sflag:s26], $0x2800  }
0x2a0: {  	s14 =	sld [smem:$0x7F4]  }
0x2a1: {  	[sflag:s26] =	ssyncset.done $0x0  }
0x2a2: {  	[sflag:s26] =	ssyncadd.s32 $0xFFFFD800  }
0x2a3: {  	[spmem:s3] =	stream.indirect.scatter.add.f32 [tilespmem:s21], [sflag:$0x8], $0x80, s14, s16, $0xb8;
	v63 =	vld [tilespmem:$0x0]  }
0x2a4: {  	_ =	swait.ge [sflag:s28], $0x2800  }
0x2a5: {  	s6 =	sld [smem:$0x7F5]  }
0x2a6: {  	[sflag:s28] =	ssyncset.done $0x0  }
0x2a7: {  	[sflag:s28] =	ssyncadd.s32 $0xFFFFD800  }
0x2a8: {  	[tilespmem:s19], [sflag:$0x3] =	stream.indirect.gather [hbm4b:s2+s16], $0x80, s6, s16, $0xb8;
	v63 =	vld [tilespmem:$0x0]  }
0x2a9: {  	_ =	swait.ge [sflag:s20], $0x2800  }
0x2aa: {  	s9 =	sld [smem:$0x7F6]  }
0x2ab: {  	[sflag:s20] =	ssyncset.done $0x0  }
0x2ac: {  	[sflag:s20] =	ssyncadd.s32 $0xFFFFD800  }
0x2ad: {  	[spmem:s3] =	stream.indirect.scatter.add.f32 [tilespmem:s17], [sflag:$0x5], $0x80, s9, s16, $0xb8;
	v63 =	vld [tilespmem:$0x0]  }
0x2ae: {  	_ =	swait.ge [sflag:s29], $0x2800  }
0x2af: {  	s14 =	sld [smem:$0x7F7]  }
0x2b0: {  	[sflag:s29] =	ssyncset.done $0x0  }
0x2b1: {  	[sflag:s29] =	ssyncadd.s32 $0xFFFFD800  }
0x2b2: {  	[tilespmem:s21], [sflag:$0x4] =	stream.indirect.gather [hbm4b:s2+s16], $0x80, s14, s16, $0xb8;
	v63 =	vld [tilespmem:$0x0]  }
0x2b3: {  	_ =	swait.ge [sflag:s22], $0x2800  }
0x2b4: {  	s6 =	sld [smem:$0x7F8]  }
0x2b5: {  	[sflag:s22] =	ssyncset.done $0x0  }
0x2b6: {  	[sflag:s22] =	ssyncadd.s32 $0xFFFFD800  }
0x2b7: {  	[spmem:s3] =	stream.indirect.scatter.add.f32 [tilespmem:s18], [sflag:$0x6], $0x80, s6, s16, $0xb8;
	v63 =	vld [tilespmem:$0x0]  }
0x2b8: {  	_ =	swait.ge [sflag:s23], $0x2800  }
0x2b9: {  	s9 =	sld [smem:$0x7F9]  }
0x2ba: {  	[sflag:s23] =	ssyncset.done $0x0  }
0x2bb: {  	[sflag:s23] =	ssyncadd.s32 $0xFFFFD800  }
0x2bc: {  	[tilespmem:s17], [sflag:$0x1] =	stream.indirect.gather [hbm4b:s2+s16], $0x80, s9, s16, $0xb8;
	v63 =	vld [tilespmem:$0x0]  }
0x2bd: {  	_ =	swait.ge [sflag:s24], $0x2800  }
0x2be: {  	s14 =	sld [smem:$0x7FA]  }
0x2bf: {  	[sflag:s24] =	ssyncset.done $0x0  }
0x2c0: {  	[sflag:s24] =	ssyncadd.s32 $0xFFFFD800  }
0x2c1: {  	[spmem:s3] =	stream.indirect.scatter.add.f32 [tilespmem:s19], [sflag:$0x7], $0x80, s14, s16, $0xb8;
	v63 =	vld [tilespmem:$0x0]  }
0x2c2: {  	_ =	swait.ge [sflag:s25], $0x2800  }
0x2c3: {  	s6 =	sld [smem:$0x7FB]  }
0x2c4: {  	[sflag:s25] =	ssyncset.done $0x0  }
0x2c5: {  	[sflag:s25] =	ssyncadd.s32 $0xFFFFD800  }
0x2c6: {  	[tilespmem:s18], [sflag:$0x2] =	stream.indirect.gather [hbm4b:s2+s16], $0x80, s6, s16, $0xb8;
	v63 =	vld [tilespmem:$0x0]  }
0x2c7: {  	_ =	swait.ge [sflag:s26], $0x2800  }
0x2c8: {  	[sflag:s26] =	ssyncset.done $0x0  }
0x2c9: {  	[sflag:s26] =	ssyncadd.s32 $0xFFFFD800  }
0x2ca: {  	[spmem:s3] =	stream.indirect.scatter.add.f32 [tilespmem:s21], [sflag:$0x8], $0x80, s30, s16, $0xb8;
	v63 =	vld [tilespmem:$0x0]  }
0x2cb: {  	_ =	swait.ge [sflag:s28], $0x2800  }
0x2cc: {  	[sflag:s28] =	ssyncset.done $0x0  }
0x2cd: {  	[sflag:s28] =	ssyncadd.s32 $0xFFFFD800  }
0x2ce: {  	[tilespmem:s19], [sflag:$0x3] =	stream.indirect.gather [hbm4b:s2+s16], $0x80, s31, s16, $0xb8;
	v63 =	vld [tilespmem:$0x0]  }
0x2cf: {  	_ =	swait.ge [sflag:s20], $0x2800  }
0x2d0: {  	[sflag:s20] =	ssyncset.done $0x0  }
0x2d1: {  	[sflag:s20] =	ssyncadd.s32 $0xFFFFD800  }
0x2d2: {  	[spmem:s3] =	stream.indirect.scatter.add.f32 [tilespmem:s17], [sflag:$0x5], $0x80, s1, s16, $0xb8;
	v63 =	vld [tilespmem:$0x0]  }
0x2d3: {  	_ =	swait.ge [sflag:s29], $0x2800  }
0x2d4: {  	[sflag:s29] =	ssyncset.done $0x0  }
0x2d5: {  	[sflag:s29] =	ssyncadd.s32 $0xFFFFD800  }
0x2d6: {  	[tilespmem:s21], [sflag:$0x4] =	stream.indirect.gather [hbm4b:s2+s16], $0x80, s0, s16, $0xb8;
	v63 =	vld [tilespmem:$0x0]  }
0x2d7: {  	_ =	swait.ge [sflag:s22], $0x2800  }
0x2d8: {  	[sflag:s22] =	ssyncset.done $0x0  }
0x2d9: {  	[sflag:s22] =	ssyncadd.s32 $0xFFFFD800  }
0x2da: {  	[spmem:s3] =	stream.indirect.scatter.add.f32 [tilespmem:s18], [sflag:$0x6], $0x80, s7, s16, $0xb8;
	v63 =	vld [tilespmem:$0x0]  }
0x2db: {  	_ =	swait.ge [sflag:s23], $0x2800  }
0x2dc: {  	[sflag:s23] =	ssyncset.done $0x0  }
0x2dd: {  	[sflag:s23] =	ssyncadd.s32 $0xFFFFD800  }
0x2de: {  	[tilespmem:s17], [sflag:$0x1] =	stream.indirect.gather [hbm4b:s2+s16], $0x80, s8, s16, $0xb8;
	v63 =	vld [tilespmem:$0x0]  }
0x2df: {  	_ =	swait.ge [sflag:s24], $0x2800  }
0x2e0: {  	[sflag:s24] =	ssyncset.done $0x0  }
0x2e1: {  	[sflag:s24] =	ssyncadd.s32 $0xFFFFD800  }
0x2e2: {  	[spmem:s3] =	stream.indirect.scatter.add.f32 [tilespmem:s19], [sflag:$0x7], $0x80, s11, s16, $0xb8;
	v63 =	vld [tilespmem:$0x0]  }
0x2e3: {  	_ =	swait.ge [sflag:s26], $0x2800  }
0x2e4: {  	[sflag:s26] =	ssyncset.done $0x0  }
0x2e5: {  	[sflag:s26] =	ssyncadd.s32 $0xFFFFD800  }
0x2e6: {  	[spmem:s3] =	stream.indirect.scatter.add.f32 [tilespmem:s21], [sflag:$0x8], $0x80, s12, s16, $0xb8;
	v63 =	vld [tilespmem:$0x0]  }
0x2e7: {  	_ =	swait.ge [sflag:s20], $0x2800  }
0x2e8: {  	[sflag:s20] =	ssyncset.done $0x0  }
0x2e9: {  	[sflag:s20] =	ssyncadd.s32 $0xFFFFD800  }
0x2ea: {  	[spmem:s3] =	stream.indirect.scatter.add.f32 [tilespmem:s17], [sflag:$0x5], $0x80, s13, s16, $0xb8;
	v63 =	vld [tilespmem:$0x0]  }
0x2eb: {  	_ =	swait.ge [sflag:s25], $0x2800  }
0x2ec: {  	[sflag:s25] =	ssyncset.done $0x0  }
0x2ed: {  	[sflag:s25] =	ssyncadd.s32 $0xFFFFD800  }
0x2ee: {  	_ =	swait.ge [sflag:s28], $0x2800  }
0x2ef: {  	[sflag:s28] =	ssyncset.done $0x0  }
0x2f0: {  	[sflag:s28] =	ssyncadd.s32 $0xFFFFD800  }
0x2f1: {  	_ =	swait.ge [sflag:s29], $0x2800  }
0x2f2: {  	[sflag:s29] =	ssyncset.done $0x0  }
0x2f3: {  	[sflag:s29] =	ssyncadd.s32 $0xFFFFD800  }
0x2f4: {  	_ =	swait.ge [sflag:s23], $0x2800  }
0x2f5: {  	[sflag:s23] =	ssyncset.done $0x0  }
0x2f6: {  	[sflag:s23] =	ssyncadd.s32 $0xFFFFD800  }
0x2f7: {  	[bflag:$0x0] =	sbarrier.arrive $0xFFFF  }
0x2f8: {  	s14 =	sld [smem:$0x7FC]  }
0x2f9: {  	s9 =	sld [smem:$0x7E9]  }
0x2fa: {  	s6 =	sld [smem:$0x7FD];
	_ =	sdelay $0x2  }
0x2fb: {  	[hbm:s9], [sflag:s14] =	dma.local [spmem:s6], $0x2800  }
0x2fc: {  	_ =	swait.ge [sflag:s10], $0x2800  }
0x2fd: {  	s5 =	sld [smem:$0x7E7];
	_ =	sdelay $0x2  }
0x2fe: {  	s9 =	sadd.s32 $0x1, s5;
	s5 =	sld [smem:$0x7EA];
	_ =	sdelay $0x2  }
0x2ff: {  	p0 =	sne.s32 s9, s5  }
.Ltmp1:
0x300: {  	_ = 	snop;
	(pc) =	sbr.rel @p0 .LBB2_1-.Ltmp1, $3  }
0x301: {  	_ =	sdelay $0x1  }
0x302: {  	[sflag:s10] =	ssyncset.done $0x0  }
0x303: {  	[sflag:s10] =	ssyncadd.s32 $0xFFFFD800  }
0x304: {  	_ =	sfence.sel $0x180000  }
0x305: {  	[bflag:$0x0] =	sbarrier.arrive $0xFFFF  }
0x306: {  	_ =	strace $0x9000004A  }
0x307: {  	s0 =	stileid.u32;
	[bflag:$0x2] =	sbarrier.arrive $0xFFFF  }
0x308: {  	p0 =	sne.s32 s0, $0x0;
	s0 =	rddreg [dreg:$0x3]  }
0x309: {  	s0 =	sadd.s32 @!p0 $0x100000, s0  }
0x30a: {  	[sflag:s0] =	ssyncadd.tile.s32 @!p0 $0x1;
	_ =	shalt  }
.Lfunc_end2:
_tile_overlayer_lowered:
.L_overlay_start_2:
0x30b: {  	(tag) =	ssettag $0x2  }
0x30c: {  	s0 =	rddreg [dreg:$0x0];
	s2 =	stileid.u32  }
0x30d: {  	s1 =	rddreg [dreg:$0x1];
	p0 =	sne.s32 s2, $0x0  }
0x30e: {  	s3 =	rddreg [dreg:$0x2];
	[bflag:$0x3] =	sbarrier.arrive $0xFFFF;
	s2 =	simm.s32 @!p0 $0x1C09  }
0x30f: {  	[timem:s3], [sflag:s2] =	dma.local @!p0 [hbm:s0], s1  }
0x310: {  	s0 =	simm.s32 @!p0 $0x9  }
0x311: {  	_ =	swait.ge @!p0 [sflag:s0], s1  }
0x312: {  	s1 =	ssub.s32 @!p0 $0x0, s1;
	[sflag:s0] =	ssyncset.done @!p0 $0x0  }
0x313: {  	[sflag:s0] =	ssyncadd.s32 @!p0 s1  }
0x314: {  	[bflag:$0x3] =	sbarrier.arrive $0xFFFF  }
0x315: {  	_ =	shalt  }

</sc_bundles>
